<compile_context>
chip_gen: v7x
topology: tpu7x:2x2x1
jax: 0.10.2.dev20260603
libtpu: 0.0.44.dev20260713+nightly
codegen_flags: <defaults>
</compile_context>

<pallas_src>
import functools

import jax
import jax.numpy as jnp
from jax import lax
from jax.experimental import pallas as pl
from jax.experimental.pallas import tpu as pltpu
from jax.experimental.pallas import tpu_sc as plsc

_N = 10000
_E = 320000
_D = 128
_DE = 16
_H = 64
_G = 128
_NQ = 4
_QL = 2
_DIM = 16

_NBLK = 2000
_EBLK = 16000
_CH = 128
_NCHUNK = _E // _CH
_NW = 32
_ACC_ROWS = 10240
_TROWS = _ACC_ROWS // 16



def _h0_body(x_ref, w_ref, b_ref, o_ref):
    o_ref[...] = jnp.maximum(
        jnp.dot(x_ref[...], w_ref[...], preferred_element_type=jnp.float32)
        + b_ref[...], 0.0)


def _h0_call(x, w, b):
    return pl.pallas_call(
        _h0_body,
        grid=(_N // _NBLK,),
        in_specs=[
            pl.BlockSpec((_NBLK, _D), lambda i: (i, 0)),
            pl.BlockSpec((_D, _H), lambda i: (0, 0)),
            pl.BlockSpec((1, _H), lambda i: (0, 0)),
        ],
        out_specs=pl.BlockSpec((_NBLK, _H), lambda i: (i, 0)),
        out_shape=jax.ShapeDtypeStruct((_N, _H), jnp.float32),
    )(x, w, b)



def _e_body(a_ref, w_ref, b_ref, o_ref):
    o_ref[...] = (
        jnp.dot(a_ref[...], w_ref[...], preferred_element_type=jnp.float32)
        + b_ref[...])


def _e_call(edge_attr, w, b):
    return pl.pallas_call(
        _e_body,
        grid=(_E // _EBLK,),
        in_specs=[
            pl.BlockSpec((_EBLK, _DE), lambda i: (i, 0)),
            pl.BlockSpec((_DE, _H), lambda i: (0, 0)),
            pl.BlockSpec((1, _H), lambda i: (0, 0)),
        ],
        out_specs=pl.BlockSpec((_EBLK, _H), lambda i: (i, 0)),
        out_shape=jax.ShapeDtypeStruct((_E, _H), jnp.float32),
    )(edge_attr, w, b)



_CPT = 79


def _sc_msg(h0, e, src2d, dst2d):
    mesh = plsc.VectorSubcoreMesh(core_axis_name="c", subcore_axis_name="s")

    @functools.partial(
        pl.kernel,
        out_type=jax.ShapeDtypeStruct((2, _ACC_ROWS, _H), jnp.float32),
        mesh=mesh,
        scratch_types=[
            pltpu.VMEM((_CPT, _CH), jnp.int32),
            pltpu.VMEM((_CPT, _CH), jnp.int32),
            pltpu.VMEM((_CH, _H), jnp.float32),
            pltpu.VMEM((_CH, _H), jnp.float32),
            pltpu.VMEM((_CH, _H), jnp.float32),
            pltpu.VMEM((_CH, _H), jnp.float32),
            pltpu.VMEM_SHARED((_ACC_ROWS, _H), jnp.float32),
            pltpu.SemaphoreType.DMA,
            pltpu.SemaphoreType.DMA,
            pltpu.SemaphoreType.DMA,
            pltpu.SemaphoreType.DMA,
        ],
        compiler_params=pltpu.CompilerParams(use_tc_tiling_on_sc=False),
    )
    def k(h0_hbm, e_hbm, src_hbm, dst_hbm, zero_hbm, out_hbm,
          sidx, didx, rows0, rows1, ebuf0, ebuf1, acc,
          gs0, gs1, es0, es1):
        c = lax.axis_index("c")
        s = lax.axis_index("s")
        wid = s * 2 + c
        nbig = wid < (_NCHUNK % _NW)
        cstart = wid * (_NCHUNK // _NW) + jnp.minimum(wid, _NCHUNK % _NW)

        @pl.when(nbig)
        def _():
            pltpu.sync_copy(src_hbm.at[pl.ds(cstart, _CPT)], sidx)
            pltpu.sync_copy(dst_hbm.at[pl.ds(cstart, _CPT)], didx)

        @pl.when(jnp.logical_not(nbig))
        def _():
            pltpu.sync_copy(src_hbm.at[pl.ds(cstart, _CPT - 1)],
                            sidx.at[pl.ds(0, _CPT - 1)])
            pltpu.sync_copy(dst_hbm.at[pl.ds(cstart, _CPT - 1)],
                            didx.at[pl.ds(0, _CPT - 1)])
            for t in range(_CH // 16):
                sl = pl.ds(t * 16, 16)
                sidx[_CPT - 1, sl] = jnp.zeros((16,), jnp.int32)
                didx[_CPT - 1, sl] = jnp.full((16,), _N + 64, jnp.int32)

        pltpu.sync_copy(zero_hbm, rows0)
        for p in range(_TROWS // _CH):
            pltpu.sync_copy(rows0, acc.at[pl.ds(s * _TROWS + p * _CH, _CH)])
        plsc.subcore_barrier()

        rows = (rows0, rows1)
        ebufs = (ebuf0, ebuf1)
        gsems = (gs0, gs1)
        esems = (es0, es1)

        def echunk(j):
            jj = jnp.where(nbig, j, jnp.minimum(j, _CPT - 2))
            return (cstart + jj) * _CH

        def start(j, slot):
            pltpu.async_copy(h0_hbm.at[sidx.at[j]], rows[slot], gsems[slot])
            pltpu.async_copy(e_hbm.at[pl.ds(echunk(j), _CH)],
                             ebufs[slot], esems[slot])

        def finish(j, slot):
            pltpu.make_async_copy(h0_hbm.at[sidx.at[j]], rows[slot],
                                  gsems[slot]).wait()
            pltpu.make_async_copy(e_hbm.at[pl.ds(echunk(j), _CH)],
                                  ebufs[slot], esems[slot]).wait()
            r, eb = rows[slot], ebufs[slot]

            def quad(kk, u):
                for rr in range(4):
                    for t in range(_H // 16):
                        sl = pl.ds(t * 16, 16)
                        i = kk * 4 + rr
                        r[i, sl] = jnp.maximum(r[i, sl] + eb[i, sl], 0.0)
                return u
            lax.fori_loop(0, _CH // 4, quad, 0)
            pltpu.sync_copy(r, acc.at[didx.at[j]], add=True)

        start(0, 0)

        def outer(io, u):
            for sslot in range(2):
                j = io * 2 + sslot
                start(j + 1, 1 - sslot)
                finish(j, sslot)
            return u
        lax.fori_loop(0, (_CPT - 1) // 2, outer, 0)
        finish(_CPT - 1, (_CPT - 1) % 2)

        plsc.subcore_barrier()
        for p in range(_TROWS // _CH):
            off = s * _TROWS + p * _CH
            pltpu.sync_copy(acc.at[pl.ds(off, _CH)], rows0)
            pltpu.sync_copy(rows0, out_hbm.at[c, pl.ds(off, _CH)])

    zeros = jnp.zeros((_CH, _H), jnp.float32)
    return k(h0, e, src2d, dst2d, zeros)



def _gnn2_body(h0_ref, a0_ref, a1_ref, bt_ref, w1_ref, b1_ref,
               w2_ref, b2_ref, gsum_ref, cnt_ref):
    i = pl.program_id(0)

    @pl.when(i == 0)
    def _():
        gsum_ref[...] = jnp.zeros_like(gsum_ref)
        cnt_ref[...] = jnp.zeros_like(cnt_ref)

    hsum = h0_ref[...] + a0_ref[...] + a1_ref[...]
    t = jnp.maximum(
        jnp.dot(hsum, w1_ref[...], preferred_element_type=jnp.float32)
        + b1_ref[...], 0.0)
    t = jnp.maximum(
        jnp.dot(t, w2_ref[...], preferred_element_type=jnp.float32)
        + b2_ref[...], 0.0)
    gid = lax.broadcasted_iota(jnp.int32, (1, _G), 1)
    oh = (bt_ref[...] == gid).astype(jnp.float32)
    gsum_ref[...] += lax.dot_general(
        oh, t, (((0,), (0,)), ((), ())),
        preferred_element_type=jnp.float32, precision=lax.Precision.HIGHEST)
    cnt_ref[...] += lax.dot_general(
        oh, jnp.ones((_NBLK, 1), jnp.float32),
        (((0,), (0,)), ((), ())),
        preferred_element_type=jnp.float32, precision=lax.Precision.HIGHEST)


def _gnn2_call(h0, agg0, agg1, batch2d, w1, b1, w2, b2):
    return pl.pallas_call(
        _gnn2_body,
        grid=(_N // _NBLK,),
        in_specs=[
            pl.BlockSpec((_NBLK, _H), lambda i: (i, 0)),
            pl.BlockSpec((_NBLK, _H), lambda i: (i, 0)),
            pl.BlockSpec((_NBLK, _H), lambda i: (i, 0)),
            pl.BlockSpec((_NBLK, 1), lambda i: (i, 0)),
            pl.BlockSpec((_H, _H), lambda i: (0, 0)),
            pl.BlockSpec((1, _H), lambda i: (0, 0)),
            pl.BlockSpec((_H, _H), lambda i: (0, 0)),
            pl.BlockSpec((1, _H), lambda i: (0, 0)),
        ],
        out_specs=[
            pl.BlockSpec((_G, _H), lambda i: (0, 0)),
            pl.BlockSpec((_G, 1), lambda i: (0, 0)),
        ],
        out_shape=[
            jax.ShapeDtypeStruct((_G, _H), jnp.float32),
            jax.ShapeDtypeStruct((_G, 1), jnp.float32),
        ],
    )(h0, agg0, agg1, batch2d, w1, b1, w2, b2)



def _lat_body(gsum_ref, cnt_ref, p1_ref, pb1_ref, p2_ref, pb2_ref, out_ref):
    gemb = gsum_ref[...] / jnp.maximum(cnt_ref[...], 1.0)
    l1 = jnp.maximum(
        jnp.dot(gemb, p1_ref[...], preferred_element_type=jnp.float32)
        + pb1_ref[...], 0.0)
    out_ref[...] = (
        jnp.dot(l1, p2_ref[...], preferred_element_type=jnp.float32)
        + pb2_ref[...])


def _lat_call(gsum, cnt, p1, pb1, p2, pb2):
    return pl.pallas_call(
        _lat_body,
        out_shape=jax.ShapeDtypeStruct((_G, _NQ), jnp.float32),
    )(gsum, cnt, p1, pb1, p2, pb2)



import numpy as _np

_CPERMS = []
for _q in range(_NQ):
    _idx = _np.arange(_DIM)
    _cb = (_idx >> (_NQ - 1 - _q)) & 1
    _fl = _idx ^ (1 << (_NQ - 1 - ((_q + 1) % _NQ)))
    _CPERMS.append(_np.where(_cb == 1, _fl, _idx))
_ZS = _np.asarray(_np.stack(
    [1.0 - 2.0 * ((_np.arange(_DIM) >> (_NQ - 1 - _q)) & 1)
     for _q in range(_NQ)]), dtype=_np.float32)


def _qapply(state, gate, q):
    B = state.shape[0]
    L = 2 ** q
    Rr = 2 ** (_NQ - q - 1)
    st = state.reshape(B, L, 2, Rr)
    if gate.ndim == 3:
        out = jnp.einsum('bij,bljr->blir', gate, st)
    else:
        out = jnp.einsum('ij,bljr->blir', gate, st)
    return out.reshape(B, _DIM)


def _qry_batch(theta):
    c = jnp.cos(theta / 2.0)
    s = jnp.sin(theta / 2.0)
    m = jnp.stack([jnp.stack([c, -s], axis=-1),
                   jnp.stack([s, c], axis=-1)], axis=-2)
    return m.astype(jnp.complex64)


def _qry(t):
    c = jnp.cos(t / 2.0)
    s = jnp.sin(t / 2.0)
    return jnp.stack([jnp.stack([c, -s]), jnp.stack([s, c])]).astype(jnp.complex64)


def _qrz(t):
    e0 = jnp.exp(-1j * t / 2.0).astype(jnp.complex64)
    e1 = jnp.exp(1j * t / 2.0).astype(jnp.complex64)
    z = jnp.zeros((), jnp.complex64)
    return jnp.stack([jnp.stack([e0, z]), jnp.stack([z, e1])])


def _qhead(latent, qw):
    B = latent.shape[0]
    state = jnp.zeros((B, _DIM), jnp.complex64).at[:, 0].set(1.0)
    for q in range(_NQ):
        state = _qapply(state, _qry_batch(latent[:, q]), q)
    for l in range(_QL):
        for q in range(_NQ):
            state = _qapply(state, _qrz(qw[l, q, 0]), q)
            state = _qapply(state, _qry(qw[l, q, 1]), q)
            state = _qapply(state, _qrz(qw[l, q, 2]), q)
        for q in range(_NQ):
            state = state[:, _CPERMS[q]]
    probs = jnp.real(state * jnp.conj(state))
    return probs @ _ZS.T



def kernel(x, edge_index, edge_attr, batch,
           W_in, b_in, We, be, W1, b1, W2, b2,
           P1, pb1, P2, pb2, qw, Wf, bf):
    h0 = _h0_call(x, W_in, b_in.reshape(1, _H))
    e = _e_call(edge_attr, We, be.reshape(1, _H))
    agg2 = _sc_msg(h0, e, edge_index[0].reshape(_NCHUNK, _CH),
                   edge_index[1].reshape(_NCHUNK, _CH))
    gsum, cnt = _gnn2_call(
        h0, agg2[0], agg2[1], batch.reshape(_N, 1),
        W1, b1.reshape(1, _H), W2, b2.reshape(1, _H))
    lat = _lat_call(gsum, cnt, P1, pb1.reshape(1, 32), P2,
                    pb2.reshape(1, _NQ))
    qout = _qhead(lat, qw).astype(jnp.float32)
    logits = qout @ Wf + bf
    return logits.squeeze(-1)

# --- scband reference (transcript-rebuilt; emitter-appended) ---
"""Pipeline reference for scband-hybrid-gnnvqc-16355235463231 (READ-ONLY COPY).

The authoritative reference and input builder live on the scoring server;
editing this copy changes nothing except your own understanding.
"""

import jax, jax.numpy as jnp
import numpy as np

N = 10000; E = 320000; D = 128; DE = 16; H = 64; G = 128
NQ = 4; QL = 2; DIM = 2 ** NQ

def _cnot_perm(c, t, n):
    idx = np.arange(2 ** n)
    cb = (idx >> (n - 1 - c)) & 1
    fl = idx ^ (1 << (n - 1 - t))
    return np.where(cb == 1, fl, idx)

CNOT_PERMS = [jnp.asarray(_cnot_perm(q, (q + 1) % NQ, NQ)) for q in range(NQ)]
ZSIGNS = jnp.asarray(np.stack([1.0 - 2.0 * ((np.arange(DIM) >> (NQ - 1 - q)) & 1) for q in range(NQ)]), dtype=jnp.float32)

def _apply(state, gate, q):
    B = state.shape[0]; L = 2 ** q; R = 2 ** (NQ - q - 1)
    st = state.reshape(B, L, 2, R)
    if gate.ndim == 3:
        out = jnp.einsum('bij,bljr->blir', gate, st)
    else:
        out = jnp.einsum('ij,bljr->blir', gate, st)
    return out.reshape(B, DIM)

def _ry_batch(theta):
    c = jnp.cos(theta / 2.0); s = jnp.sin(theta / 2.0)
    m = jnp.stack([jnp.stack([c, -s], axis=-1), jnp.stack([s, c], axis=-1)], axis=-2)
    return m.astype(jnp.complex64)

def _ry(t):
    c = jnp.cos(t / 2.0); s = jnp.sin(t / 2.0)
    return jnp.stack([jnp.stack([c, -s]), jnp.stack([s, c])]).astype(jnp.complex64)

def _rz(t):
    e0 = jnp.exp(-1j * t / 2.0).astype(jnp.complex64)
    e1 = jnp.exp(1j * t / 2.0).astype(jnp.complex64)
    z = jnp.zeros((), jnp.complex64)
    return jnp.stack([jnp.stack([e0, z]), jnp.stack([z, e1])])

def _vqc(latent, qw):
    B = latent.shape[0]
    state = jnp.zeros((B, DIM), jnp.complex64).at[:, 0].set(1.0)
    for q in range(NQ):
        state = _apply(state, _ry_batch(latent[:, q]), q)
    for l in range(QL):
        for q in range(NQ):
            state = _apply(state, _rz(qw[l, q, 0]), q)
            state = _apply(state, _ry(qw[l, q, 1]), q)
            state = _apply(state, _rz(qw[l, q, 2]), q)
        for q in range(NQ):
            state = state[:, CNOT_PERMS[q]]
    probs = jnp.real(state * jnp.conj(state))
    return probs @ ZSIGNS.T

def _forward(x, edge_attr, W_in, b_in, We, be, W1, b1, W2, b2, P1, pb1, P2, pb2, qw, Wf, bf, edge_index, batch):
    h = jax.nn.relu(x @ W_in + b_in)
    e = edge_attr @ We + be
    src = edge_index[0]; dst = edge_index[1]
    m = jax.nn.relu(h[src] + e)
    agg = jax.ops.segment_sum(m, dst, num_segments=N)
    h = jax.nn.relu((h + agg) @ W1 + b1)
    h = jax.nn.relu(h @ W2 + b2)
    gsum = jax.ops.segment_sum(h, batch, num_segments=G)
    cnt = jax.ops.segment_sum(jnp.ones((N,), jnp.float32), batch, num_segments=G)
    gemb = gsum / jnp.maximum(cnt, 1.0)[:, None]
    lat = jax.nn.relu(gemb @ P1 + pb1) @ P2 + pb2
    qout = _vqc(lat, qw).astype(jnp.float32)
    logits = qout @ Wf + bf
    return logits.squeeze(-1)

def setup_inputs(seed: int = 0):
    key = jax.random.key(seed)
    ks = jax.random.split(key, 5)
    x = jax.random.normal(ks[0], (N, D), dtype=jnp.float32)
    edge_index = jax.random.randint(ks[1], (2, E), 0, N, dtype=jnp.int32)
    edge_attr = jax.random.normal(ks[2], (E, DE), dtype=jnp.float32)
    batch = jnp.sort(jax.random.randint(ks[3], (N,), 0, G, dtype=jnp.int32))
    def w(k, shape, scale):
        return jax.random.normal(k, shape, dtype=jnp.float32) * scale
    kk = jax.random.split(ks[4], 8)
    return dict(x=x, edge_index=edge_index, edge_attr=edge_attr, batch=batch,
                W_in=w(kk[0], (D, H), 0.05), b_in=jnp.zeros((H,), jnp.float32),
                We=w(kk[1], (DE, H), 0.2), be=jnp.zeros((H,), jnp.float32),
                W1=w(kk[2], (H, H), 0.1), b1=jnp.zeros((H,), jnp.float32),
                W2=w(kk[3], (H, H), 0.1), b2=jnp.zeros((H,), jnp.float32),
                P1=w(kk[4], (H, 32), 0.1), pb1=jnp.zeros((32,), jnp.float32),
                P2=w(kk[5], (32, NQ), 0.1), pb2=jnp.zeros((NQ,), jnp.float32),
                qw=w(kk[6], (QL, NQ, 3), 1.0),
                Wf=w(kk[7], (NQ, 1), 0.5), bf=jnp.zeros((1,), jnp.float32))

def reference(x, edge_index, edge_attr, batch, W_in, b_in, We, be, W1, b1, W2, b2, P1, pb1, P2, pb2, qw, Wf, bf):
    return _forward(x, edge_attr, W_in, b_in, We, be, W1, b1, W2, b2, P1, pb1, P2, pb2, qw, Wf, bf, edge_index, batch)

if __name__ == "__main__":
    import jax
    _d = setup_inputs()
    print(jax.jit(kernel)(*tuple(_d.values())))

</pallas_src>

<mosaic_0001>
#map = affine_map<(d0, d1) -> (0, 0)>
#map1 = affine_map<(d0, d1) -> (0, 0, 0)>
module attributes {stable_mosaic.version = 14 : i64} {
  func.func @k(%arg0: i32, %arg1: i32, %arg2: memref<10000x64xf32, #tpu.memory_space<hbm>>, %arg3: memref<320000x64xf32, #tpu.memory_space<hbm>>, %arg4: memref<2500x128xi32, #tpu.memory_space<hbm>>, %arg5: memref<2500x128xi32, #tpu.memory_space<hbm>>, %arg6: memref<128x64xf32, #tpu.memory_space<hbm>>, %arg7: memref<2x10240x64xf32, #tpu.memory_space<hbm>>, %arg8: memref<79x128xi32, #tpu.memory_space<vmem>>, %arg9: memref<79x128xi32, #tpu.memory_space<vmem>>, %arg10: memref<128x64xf32, #tpu.memory_space<vmem>>, %arg11: memref<128x64xf32, #tpu.memory_space<vmem>>, %arg12: memref<128x64xf32, #tpu.memory_space<vmem>>, %arg13: memref<128x64xf32, #tpu.memory_space<vmem>>, %arg14: memref<10240x64xf32, #tpu.memory_space<vmem_shared>>, %arg15: memref<!tpu.dma_semaphore, #tpu.memory_space<semaphore_mem>>, %arg16: memref<!tpu.dma_semaphore, #tpu.memory_space<semaphore_mem>>, %arg17: memref<!tpu.dma_semaphore, #tpu.memory_space<semaphore_mem>>, %arg18: memref<!tpu.dma_semaphore, #tpu.memory_space<semaphore_mem>>) attributes {dimension_semantics = [#tpu.dimension_semantics<core_parallel>, #tpu.dimension_semantics<subcore_parallel>], iteration_bounds = array<i64: 2, 16>, scalar_prefetch = 0 : i64, scratch_operands = 11 : i64, tpu.core_type = #tpu.core_type<sc_vector_subcore>, window_params = [{transform_indices = #map}, {transform_indices = #map}, {transform_indices = #map}, {transform_indices = #map}, {transform_indices = #map}, {transform_indices = #map1}]} {
    %mul3A = arith.constant 2 : i32
    %mul3A_0 = arith.muli %arg1, %mul3A : i32
    %add3A = arith.addi %mul3A_0, %arg0 : i32
    %lt3A = arith.constant 4 : i32
    %lt3A_1 = arith.cmpi slt, %add3A, %lt3A : i32
    %mul3A_2 = arith.constant 78 : i32
    %mul3A_3 = arith.muli %add3A, %mul3A_2 : i32
    %min3A = arith.constant 4 : i32
    %min3A_4 = arith.minsi %add3A, %min3A : i32
    %add3A_5 = arith.addi %mul3A_3, %min3A_4 : i32
    %convert_element_type3A = arith.extui %lt3A_1 : i1 to i32
    %cond3A = arith.constant 0 : i32
    %cond3A_6 = arith.cmpi ne, %convert_element_type3A, %cond3A : i32
    scf.if %cond3A_6 {
      "tpu.region"() ({
        %run_scoped3A_97 = tpu.sem_alloc : memref<!tpu.dma_semaphore, #tpu.memory_space<semaphore_mem>>
        %dma_start3A_98 = arith.constant 0 : i32
        %dma_start3A_99 = tpu.memref_slice %arg4[%add3A_5, %dma_start3A_98] : memref<2500x128xi32, #tpu.memory_space<hbm>> -> memref<79x128xi32, #tpu.memory_space<hbm>>
        %dma_start3A_100 = arith.constant 0 : i32
        %dma_start3A_101 = tpu.memref_slice %arg4[%add3A_5, %dma_start3A_100] : memref<2500x128xi32, #tpu.memory_space<hbm>> -> memref<79x128xi32, #tpu.memory_space<hbm>>
        tpu.enqueue_dma source(%dma_start3A_101 : memref<79x128xi32, #tpu.memory_space<hbm>>) target(%arg8 : memref<79x128xi32, #tpu.memory_space<vmem>>) target_semaphore(%run_scoped3A_97 : memref<!tpu.dma_semaphore, #tpu.memory_space<semaphore_mem>>)
        %dma_wait3A_102 = arith.constant 0 : i32
        %dma_wait3A_103 = tpu.memref_slice %arg4[%add3A_5, %dma_wait3A_102] : memref<2500x128xi32, #tpu.memory_space<hbm>> -> memref<79x128xi32, #tpu.memory_space<hbm>>
        %dma_wait3A_104 = arith.constant 0 : i32
        %dma_wait3A_105 = tpu.memref_slice %arg4[%add3A_5, %dma_wait3A_104] : memref<2500x128xi32, #tpu.memory_space<hbm>> -> memref<79x128xi32, #tpu.memory_space<hbm>>
        tpu.wait_dma2 semaphore(%run_scoped3A_97 : memref<!tpu.dma_semaphore, #tpu.memory_space<semaphore_mem>>) src(%dma_wait3A_105 : memref<79x128xi32, #tpu.memory_space<hbm>>) dst(%arg8 : memref<79x128xi32, #tpu.memory_space<vmem>>)
        tpu.yield
      }) : () -> ()
      "tpu.region"() ({
        %run_scoped3A_97 = tpu.sem_alloc : memref<!tpu.dma_semaphore, #tpu.memory_space<semaphore_mem>>
        %dma_start3A_98 = arith.constant 0 : i32
        %dma_start3A_99 = tpu.memref_slice %arg5[%add3A_5, %dma_start3A_98] : memref<2500x128xi32, #tpu.memory_space<hbm>> -> memref<79x128xi32, #tpu.memory_space<hbm>>
        %dma_start3A_100 = arith.constant 0 : i32
        %dma_start3A_101 = tpu.memref_slice %arg5[%add3A_5, %dma_start3A_100] : memref<2500x128xi32, #tpu.memory_space<hbm>> -> memref<79x128xi32, #tpu.memory_space<hbm>>
        tpu.enqueue_dma source(%dma_start3A_101 : memref<79x128xi32, #tpu.memory_space<hbm>>) target(%arg9 : memref<79x128xi32, #tpu.memory_space<vmem>>) target_semaphore(%run_scoped3A_97 : memref<!tpu.dma_semaphore, #tpu.memory_space<semaphore_mem>>)
        %dma_wait3A_102 = arith.constant 0 : i32
        %dma_wait3A_103 = tpu.memref_slice %arg5[%add3A_5, %dma_wait3A_102] : memref<2500x128xi32, #tpu.memory_space<hbm>> -> memref<79x128xi32, #tpu.memory_space<hbm>>
        %dma_wait3A_104 = arith.constant 0 : i32
        %dma_wait3A_105 = tpu.memref_slice %arg5[%add3A_5, %dma_wait3A_104] : memref<2500x128xi32, #tpu.memory_space<hbm>> -> memref<79x128xi32, #tpu.memory_space<hbm>>
        tpu.wait_dma2 semaphore(%run_scoped3A_97 : memref<!tpu.dma_semaphore, #tpu.memory_space<semaphore_mem>>) src(%dma_wait3A_105 : memref<79x128xi32, #tpu.memory_space<hbm>>) dst(%arg9 : memref<79x128xi32, #tpu.memory_space<vmem>>)
        tpu.yield
      }) : () -> ()
    } else {
    }
    %not3A = arith.constant true
    %not3A_7 = arith.xori %lt3A_1, %not3A : i1
    %convert_element_type3A_8 = arith.extui %not3A_7 : i1 to i32
    %cond3A_9 = arith.constant 0 : i32
    %cond3A_10 = arith.cmpi ne, %convert_element_type3A_8, %cond3A_9 : i32
    scf.if %cond3A_10 {
      "tpu.region"() ({
        %run_scoped3A_223 = tpu.sem_alloc : memref<!tpu.dma_semaphore, #tpu.memory_space<semaphore_mem>>
        %dma_start3A_224 = arith.constant 0 : i32
        %dma_start3A_225 = arith.constant 0 : i32
        %dma_start3A_226 = tpu.memref_slice %arg8[%dma_start3A_224, %dma_start3A_225] : memref<79x128xi32, #tpu.memory_space<vmem>> -> memref<78x128xi32, #tpu.memory_space<vmem>>
        %dma_start3A_227 = arith.constant 0 : i32
        %dma_start3A_228 = tpu.memref_slice %arg4[%add3A_5, %dma_start3A_227] : memref<2500x128xi32, #tpu.memory_space<hbm>> -> memref<78x128xi32, #tpu.memory_space<hbm>>
        %dma_start3A_229 = arith.constant 0 : i32
        %dma_start3A_230 = arith.constant 0 : i32
        %dma_start3A_231 = tpu.memref_slice %arg8[%dma_start3A_229, %dma_start3A_230] : memref<79x128xi32, #tpu.memory_space<vmem>> -> memref<78x128xi32, #tpu.memory_space<vmem>>
        %dma_start3A_232 = arith.constant 0 : i32
        %dma_start3A_233 = tpu.memref_slice %arg4[%add3A_5, %dma_start3A_232] : memref<2500x128xi32, #tpu.memory_space<hbm>> -> memref<78x128xi32, #tpu.memory_space<hbm>>
        tpu.enqueue_dma source(%dma_start3A_233 : memref<78x128xi32, #tpu.memory_space<hbm>>) target(%dma_start3A_231 : memref<78x128xi32, #tpu.memory_space<vmem>>) target_semaphore(%run_scoped3A_223 : memref<!tpu.dma_semaphore, #tpu.memory_space<semaphore_mem>>)
        %dma_wait3A_234 = arith.constant 0 : i32
        %dma_wait3A_235 = arith.constant 0 : i32
        %dma_wait3A_236 = tpu.memref_slice %arg8[%dma_wait3A_234, %dma_wait3A_235] : memref<79x128xi32, #tpu.memory_space<vmem>> -> memref<78x128xi32, #tpu.memory_space<vmem>>
        %dma_wait3A_237 = arith.constant 0 : i32
        %dma_wait3A_238 = tpu.memref_slice %arg4[%add3A_5, %dma_wait3A_237] : memref<2500x128xi32, #tpu.memory_space<hbm>> -> memref<78x128xi32, #tpu.memory_space<hbm>>
        %dma_wait3A_239 = arith.constant 0 : i32
        %dma_wait3A_240 = arith.constant 0 : i32
        %dma_wait3A_241 = tpu.memref_slice %arg8[%dma_wait3A_239, %dma_wait3A_240] : memref<79x128xi32, #tpu.memory_space<vmem>> -> memref<78x128xi32, #tpu.memory_space<vmem>>
        %dma_wait3A_242 = arith.constant 0 : i32
        %dma_wait3A_243 = tpu.memref_slice %arg4[%add3A_5, %dma_wait3A_242] : memref<2500x128xi32, #tpu.memory_space<hbm>> -> memref<78x128xi32, #tpu.memory_space<hbm>>
        tpu.wait_dma2 semaphore(%run_scoped3A_223 : memref<!tpu.dma_semaphore, #tpu.memory_space<semaphore_mem>>) src(%dma_wait3A_243 : memref<78x128xi32, #tpu.memory_space<hbm>>) dst(%dma_wait3A_241 : memref<78x128xi32, #tpu.memory_space<vmem>>)
        tpu.yield
      }) : () -> ()
      "tpu.region"() ({
        %run_scoped3A_223 = tpu.sem_alloc : memref<!tpu.dma_semaphore, #tpu.memory_space<semaphore_mem>>
        %dma_start3A_224 = arith.constant 0 : i32
        %dma_start3A_225 = arith.constant 0 : i32
        %dma_start3A_226 = tpu.memref_slice %arg9[%dma_start3A_224, %dma_start3A_225] : memref<79x128xi32, #tpu.memory_space<vmem>> -> memref<78x128xi32, #tpu.memory_space<vmem>>
        %dma_start3A_227 = arith.constant 0 : i32
        %dma_start3A_228 = tpu.memref_slice %arg5[%add3A_5, %dma_start3A_227] : memref<2500x128xi32, #tpu.memory_space<hbm>> -> memref<78x128xi32, #tpu.memory_space<hbm>>
        %dma_start3A_229 = arith.constant 0 : i32
        %dma_start3A_230 = arith.constant 0 : i32
        %dma_start3A_231 = tpu.memref_slice %arg9[%dma_start3A_229, %dma_start3A_230] : memref<79x128xi32, #tpu.memory_space<vmem>> -> memref<78x128xi32, #tpu.memory_space<vmem>>
        %dma_start3A_232 = arith.constant 0 : i32
        %dma_start3A_233 = tpu.memref_slice %arg5[%add3A_5, %dma_start3A_232] : memref<2500x128xi32, #tpu.memory_space<hbm>> -> memref<78x128xi32, #tpu.memory_space<hbm>>
        tpu.enqueue_dma source(%dma_start3A_233 : memref<78x128xi32, #tpu.memory_space<hbm>>) target(%dma_start3A_231 : memref<78x128xi32, #tpu.memory_space<vmem>>) target_semaphore(%run_scoped3A_223 : memref<!tpu.dma_semaphore, #tpu.memory_space<semaphore_mem>>)
        %dma_wait3A_234 = arith.constant 0 : i32
        %dma_wait3A_235 = arith.constant 0 : i32
        %dma_wait3A_236 = tpu.memref_slice %arg9[%dma_wait3A_234, %dma_wait3A_235] : memref<79x128xi32, #tpu.memory_space<vmem>> -> memref<78x128xi32, #tpu.memory_space<vmem>>
        %dma_wait3A_237 = arith.constant 0 : i32
        %dma_wait3A_238 = tpu.memref_slice %arg5[%add3A_5, %dma_wait3A_237] : memref<2500x128xi32, #tpu.memory_space<hbm>> -> memref<78x128xi32, #tpu.memory_space<hbm>>
        %dma_wait3A_239 = arith.constant 0 : i32
        %dma_wait3A_240 = arith.constant 0 : i32
        %dma_wait3A_241 = tpu.memref_slice %arg9[%dma_wait3A_239, %dma_wait3A_240] : memref<79x128xi32, #tpu.memory_space<vmem>> -> memref<78x128xi32, #tpu.memory_space<vmem>>
        %dma_wait3A_242 = arith.constant 0 : i32
        %dma_wait3A_243 = tpu.memref_slice %arg5[%add3A_5, %dma_wait3A_242] : memref<2500x128xi32, #tpu.memory_space<hbm>> -> memref<78x128xi32, #tpu.memory_space<hbm>>
        tpu.wait_dma2 semaphore(%run_scoped3A_223 : memref<!tpu.dma_semaphore, #tpu.memory_space<semaphore_mem>>) src(%dma_wait3A_243 : memref<78x128xi32, #tpu.memory_space<hbm>>) dst(%dma_wait3A_241 : memref<78x128xi32, #tpu.memory_space<vmem>>)
        tpu.yield
      }) : () -> ()
      %broadcast_in_dim3A = arith.constant 0 : i32
      %broadcast_in_dim3A_97 = vector.broadcast %broadcast_in_dim3A : i32 to vector<16xi32>
      %swap3A = arith.constant 78 : i32
      %swap3A_98 = arith.index_cast %swap3A : i32 to index
      %swap3A_99 = arith.constant 0 : index
      %swap3A_100 = tpu.vector_load %arg8[%swap3A_98, %swap3A_99] {strides = array<i32>} : memref<79x128xi32, #tpu.memory_space<vmem>>, vector<1x16xi32>,
      %swap3A_101 = vector.shape_cast %swap3A_100 : vector<1x16xi32> to vector<16xi32>
      %swap3A_102 = vector.shape_cast %broadcast_in_dim3A_97 : vector<16xi32> to vector<1x16xi32>
      tpu.vector_store %arg8[%swap3A_98, %swap3A_99], %swap3A_102 {strides = array<i32>} : memref<79x128xi32, #tpu.memory_space<vmem>>, vector<1x16xi32>,
      %broadcast_in_dim3A_103 = arith.constant 10064 : i32
      %broadcast_in_dim3A_104 = vector.broadcast %broadcast_in_dim3A_103 : i32 to vector<16xi32>
      %swap3A_105 = arith.constant 78 : i32
      %swap3A_106 = arith.index_cast %swap3A_105 : i32 to index
      %swap3A_107 = arith.constant 0 : index
      %swap3A_108 = tpu.vector_load %arg9[%swap3A_106, %swap3A_107] {strides = array<i32>} : memref<79x128xi32, #tpu.memory_space<vmem>>, vector<1x16xi32>,
      %swap3A_109 = vector.shape_cast %swap3A_108 : vector<1x16xi32> to vector<16xi32>
      %swap3A_110 = vector.shape_cast %broadcast_in_dim3A_104 : vector<16xi32> to vector<1x16xi32>
      tpu.vector_store %arg9[%swap3A_106, %swap3A_107], %swap3A_110 {strides = array<i32>} : memref<79x128xi32, #tpu.memory_space<vmem>>, vector<1x16xi32>,
      %broadcast_in_dim3A_111 = arith.constant 0 : i32
      %broadcast_in_dim3A_112 = vector.broadcast %broadcast_in_dim3A_111 : i32 to vector<16xi32>
      %swap3A_113 = arith.constant 78 : i32
      %swap3A_114 = arith.index_cast %swap3A_113 : i32 to index
      %swap3A_115 = arith.constant 16 : index
      %swap3A_116 = tpu.vector_load %arg8[%swap3A_114, %swap3A_115] {strides = array<i32>} : memref<79x128xi32, #tpu.memory_space<vmem>>, vector<1x16xi32>,
      %swap3A_117 = vector.shape_cast %swap3A_116 : vector<1x16xi32> to vector<16xi32>
      %swap3A_118 = vector.shape_cast %broadcast_in_dim3A_112 : vector<16xi32> to vector<1x16xi32>
      tpu.vector_store %arg8[%swap3A_114, %swap3A_115], %swap3A_118 {strides = array<i32>} : memref<79x128xi32, #tpu.memory_space<vmem>>, vector<1x16xi32>,
      %broadcast_in_dim3A_119 = arith.constant 10064 : i32
      %broadcast_in_dim3A_120 = vector.broadcast %broadcast_in_dim3A_119 : i32 to vector<16xi32>
      %swap3A_121 = arith.constant 78 : i32
      %swap3A_122 = arith.index_cast %swap3A_121 : i32 to index
      %swap3A_123 = arith.constant 16 : index
      %swap3A_124 = tpu.vector_load %arg9[%swap3A_122, %swap3A_123] {strides = array<i32>} : memref<79x128xi32, #tpu.memory_space<vmem>>, vector<1x16xi32>,
      %swap3A_125 = vector.shape_cast %swap3A_124 : vector<1x16xi32> to vector<16xi32>
      %swap3A_126 = vector.shape_cast %broadcast_in_dim3A_120 : vector<16xi32> to vector<1x16xi32>
      tpu.vector_store %arg9[%swap3A_122, %swap3A_123], %swap3A_126 {strides = array<i32>} : memref<79x128xi32, #tpu.memory_space<vmem>>, vector<1x16xi32>,
      %broadcast_in_dim3A_127 = arith.constant 0 : i32
      %broadcast_in_dim3A_128 = vector.broadcast %broadcast_in_dim3A_127 : i32 to vector<16xi32>
      %swap3A_129 = arith.constant 78 : i32
      %swap3A_130 = arith.index_cast %swap3A_129 : i32 to index
      %swap3A_131 = arith.constant 32 : index
      %swap3A_132 = tpu.vector_load %arg8[%swap3A_130, %swap3A_131] {strides = array<i32>} : memref<79x128xi32, #tpu.memory_space<vmem>>, vector<1x16xi32>,
      %swap3A_133 = vector.shape_cast %swap3A_132 : vector<1x16xi32> to vector<16xi32>
      %swap3A_134 = vector.shape_cast %broadcast_in_dim3A_128 : vector<16xi32> to vector<1x16xi32>
      tpu.vector_store %arg8[%swap3A_130, %swap3A_131], %swap3A_134 {strides = array<i32>} : memref<79x128xi32, #tpu.memory_space<vmem>>, vector<1x16xi32>,
      %broadcast_in_dim3A_135 = arith.constant 10064 : i32
      %broadcast_in_dim3A_136 = vector.broadcast %broadcast_in_dim3A_135 : i32 to vector<16xi32>
      %swap3A_137 = arith.constant 78 : i32
      %swap3A_138 = arith.index_cast %swap3A_137 : i32 to index
      %swap3A_139 = arith.constant 32 : index
      %swap3A_140 = tpu.vector_load %arg9[%swap3A_138, %swap3A_139] {strides = array<i32>} : memref<79x128xi32, #tpu.memory_space<vmem>>, vector<1x16xi32>,
      %swap3A_141 = vector.shape_cast %swap3A_140 : vector<1x16xi32> to vector<16xi32>
      %swap3A_142 = vector.shape_cast %broadcast_in_dim3A_136 : vector<16xi32> to vector<1x16xi32>
      tpu.vector_store %arg9[%swap3A_138, %swap3A_139], %swap3A_142 {strides = array<i32>} : memref<79x128xi32, #tpu.memory_space<vmem>>, vector<1x16xi32>,
      %broadcast_in_dim3A_143 = arith.constant 0 : i32
      %broadcast_in_dim3A_144 = vector.broadcast %broadcast_in_dim3A_143 : i32 to vector<16xi32>
      %swap3A_145 = arith.constant 78 : i32
      %swap3A_146 = arith.index_cast %swap3A_145 : i32 to index
      %swap3A_147 = arith.constant 48 : index
      %swap3A_148 = tpu.vector_load %arg8[%swap3A_146, %swap3A_147] {strides = array<i32>} : memref<79x128xi32, #tpu.memory_space<vmem>>, vector<1x16xi32>,
      %swap3A_149 = vector.shape_cast %swap3A_148 : vector<1x16xi32> to vector<16xi32>
      %swap3A_150 = vector.shape_cast %broadcast_in_dim3A_144 : vector<16xi32> to vector<1x16xi32>
      tpu.vector_store %arg8[%swap3A_146, %swap3A_147], %swap3A_150 {strides = array<i32>} : memref<79x128xi32, #tpu.memory_space<vmem>>, vector<1x16xi32>,
      %broadcast_in_dim3A_151 = arith.constant 10064 : i32
      %broadcast_in_dim3A_152 = vector.broadcast %broadcast_in_dim3A_151 : i32 to vector<16xi32>
      %swap3A_153 = arith.constant 78 : i32
      %swap3A_154 = arith.index_cast %swap3A_153 : i32 to index
      %swap3A_155 = arith.constant 48 : index
      %swap3A_156 = tpu.vector_load %arg9[%swap3A_154, %swap3A_155] {strides = array<i32>} : memref<79x128xi32, #tpu.memory_space<vmem>>, vector<1x16xi32>,
      %swap3A_157 = vector.shape_cast %swap3A_156 : vector<1x16xi32> to vector<16xi32>
      %swap3A_158 = vector.shape_cast %broadcast_in_dim3A_152 : vector<16xi32> to vector<1x16xi32>
      tpu.vector_store %arg9[%swap3A_154, %swap3A_155], %swap3A_158 {strides = array<i32>} : memref<79x128xi32, #tpu.memory_space<vmem>>, vector<1x16xi32>,
      %broadcast_in_dim3A_159 = arith.constant 0 : i32
      %broadcast_in_dim3A_160 = vector.broadcast %broadcast_in_dim3A_159 : i32 to vector<16xi32>
      %swap3A_161 = arith.constant 78 : i32
      %swap3A_162 = arith.index_cast %swap3A_161 : i32 to index
      %swap3A_163 = arith.constant 64 : index
      %swap3A_164 = tpu.vector_load %arg8[%swap3A_162, %swap3A_163] {strides = array<i32>} : memref<79x128xi32, #tpu.memory_space<vmem>>, vector<1x16xi32>,
      %swap3A_165 = vector.shape_cast %swap3A_164 : vector<1x16xi32> to vector<16xi32>
      %swap3A_166 = vector.shape_cast %broadcast_in_dim3A_160 : vector<16xi32> to vector<1x16xi32>
      tpu.vector_store %arg8[%swap3A_162, %swap3A_163], %swap3A_166 {strides = array<i32>} : memref<79x128xi32, #tpu.memory_space<vmem>>, vector<1x16xi32>,
      %broadcast_in_dim3A_167 = arith.constant 10064 : i32
      %broadcast_in_dim3A_168 = vector.broadcast %broadcast_in_dim3A_167 : i32 to vector<16xi32>
      %swap3A_169 = arith.constant 78 : i32
      %swap3A_170 = arith.index_cast %swap3A_169 : i32 to index
      %swap3A_171 = arith.constant 64 : index
      %swap3A_172 = tpu.vector_load %arg9[%swap3A_170, %swap3A_171] {strides = array<i32>} : memref<79x128xi32, #tpu.memory_space<vmem>>, vector<1x16xi32>,
      %swap3A_173 = vector.shape_cast %swap3A_172 : vector<1x16xi32> to vector<16xi32>
      %swap3A_174 = vector.shape_cast %broadcast_in_dim3A_168 : vector<16xi32> to vector<1x16xi32>
      tpu.vector_store %arg9[%swap3A_170, %swap3A_171], %swap3A_174 {strides = array<i32>} : memref<79x128xi32, #tpu.memory_space<vmem>>, vector<1x16xi32>,
      %broadcast_in_dim3A_175 = arith.constant 0 : i32
      %broadcast_in_dim3A_176 = vector.broadcast %broadcast_in_dim3A_175 : i32 to vector<16xi32>
      %swap3A_177 = arith.constant 78 : i32
      %swap3A_178 = arith.index_cast %swap3A_177 : i32 to index
      %swap3A_179 = arith.constant 80 : index
      %swap3A_180 = tpu.vector_load %arg8[%swap3A_178, %swap3A_179] {strides = array<i32>} : memref<79x128xi32, #tpu.memory_space<vmem>>, vector<1x16xi32>,
      %swap3A_181 = vector.shape_cast %swap3A_180 : vector<1x16xi32> to vector<16xi32>
      %swap3A_182 = vector.shape_cast %broadcast_in_dim3A_176 : vector<16xi32> to vector<1x16xi32>
      tpu.vector_store %arg8[%swap3A_178, %swap3A_179], %swap3A_182 {strides = array<i32>} : memref<79x128xi32, #tpu.memory_space<vmem>>, vector<1x16xi32>,
      %broadcast_in_dim3A_183 = arith.constant 10064 : i32
      %broadcast_in_dim3A_184 = vector.broadcast %broadcast_in_dim3A_183 : i32 to vector<16xi32>
      %swap3A_185 = arith.constant 78 : i32
      %swap3A_186 = arith.index_cast %swap3A_185 : i32 to index
      %swap3A_187 = arith.constant 80 : index
      %swap3A_188 = tpu.vector_load %arg9[%swap3A_186, %swap3A_187] {strides = array<i32>} : memref<79x128xi32, #tpu.memory_space<vmem>>, vector<1x16xi32>,
      %swap3A_189 = vector.shape_cast %swap3A_188 : vector<1x16xi32> to vector<16xi32>
      %swap3A_190 = vector.shape_cast %broadcast_in_dim3A_184 : vector<16xi32> to vector<1x16xi32>
      tpu.vector_store %arg9[%swap3A_186, %swap3A_187], %swap3A_190 {strides = array<i32>} : memref<79x128xi32, #tpu.memory_space<vmem>>, vector<1x16xi32>,
      %broadcast_in_dim3A_191 = arith.constant 0 : i32
      %broadcast_in_dim3A_192 = vector.broadcast %broadcast_in_dim3A_191 : i32 to vector<16xi32>
      %swap3A_193 = arith.constant 78 : i32
      %swap3A_194 = arith.index_cast %swap3A_193 : i32 to index
      %swap3A_195 = arith.constant 96 : index
      %swap3A_196 = tpu.vector_load %arg8[%swap3A_194, %swap3A_195] {strides = array<i32>} : memref<79x128xi32, #tpu.memory_space<vmem>>, vector<1x16xi32>,
      %swap3A_197 = vector.shape_cast %swap3A_196 : vector<1x16xi32> to vector<16xi32>
      %swap3A_198 = vector.shape_cast %broadcast_in_dim3A_192 : vector<16xi32> to vector<1x16xi32>
      tpu.vector_store %arg8[%swap3A_194, %swap3A_195], %swap3A_198 {strides = array<i32>} : memref<79x128xi32, #tpu.memory_space<vmem>>, vector<1x16xi32>,
      %broadcast_in_dim3A_199 = arith.constant 10064 : i32
      %broadcast_in_dim3A_200 = vector.broadcast %broadcast_in_dim3A_199 : i32 to vector<16xi32>
      %swap3A_201 = arith.constant 78 : i32
      %swap3A_202 = arith.index_cast %swap3A_201 : i32 to index
      %swap3A_203 = arith.constant 96 : index
      %swap3A_204 = tpu.vector_load %arg9[%swap3A_202, %swap3A_203] {strides = array<i32>} : memref<79x128xi32, #tpu.memory_space<vmem>>, vector<1x16xi32>,
      %swap3A_205 = vector.shape_cast %swap3A_204 : vector<1x16xi32> to vector<16xi32>
      %swap3A_206 = vector.shape_cast %broadcast_in_dim3A_200 : vector<16xi32> to vector<1x16xi32>
      tpu.vector_store %arg9[%swap3A_202, %swap3A_203], %swap3A_206 {strides = array<i32>} : memref<79x128xi32, #tpu.memory_space<vmem>>, vector<1x16xi32>,
      %broadcast_in_dim3A_207 = arith.constant 0 : i32
      %broadcast_in_dim3A_208 = vector.broadcast %broadcast_in_dim3A_207 : i32 to vector<16xi32>
      %swap3A_209 = arith.constant 78 : i32
      %swap3A_210 = arith.index_cast %swap3A_209 : i32 to index
      %swap3A_211 = arith.constant 112 : index
      %swap3A_212 = tpu.vector_load %arg8[%swap3A_210, %swap3A_211] {strides = array<i32>} : memref<79x128xi32, #tpu.memory_space<vmem>>, vector<1x16xi32>,
      %swap3A_213 = vector.shape_cast %swap3A_212 : vector<1x16xi32> to vector<16xi32>
      %swap3A_214 = vector.shape_cast %broadcast_in_dim3A_208 : vector<16xi32> to vector<1x16xi32>
      tpu.vector_store %arg8[%swap3A_210, %swap3A_211], %swap3A_214 {strides = array<i32>} : memref<79x128xi32, #tpu.memory_space<vmem>>, vector<1x16xi32>,
      %broadcast_in_dim3A_215 = arith.constant 10064 : i32
      %broadcast_in_dim3A_216 = vector.broadcast %broadcast_in_dim3A_215 : i32 to vector<16xi32>
      %swap3A_217 = arith.constant 78 : i32
      %swap3A_218 = arith.index_cast %swap3A_217 : i32 to index
      %swap3A_219 = arith.constant 112 : index
      %swap3A_220 = tpu.vector_load %arg9[%swap3A_218, %swap3A_219] {strides = array<i32>} : memref<79x128xi32, #tpu.memory_space<vmem>>, vector<1x16xi32>,
      %swap3A_221 = vector.shape_cast %swap3A_220 : vector<1x16xi32> to vector<16xi32>
      %swap3A_222 = vector.shape_cast %broadcast_in_dim3A_216 : vector<16xi32> to vector<1x16xi32>
      tpu.vector_store %arg9[%swap3A_218, %swap3A_219], %swap3A_222 {strides = array<i32>} : memref<79x128xi32, #tpu.memory_space<vmem>>, vector<1x16xi32>,
    } else {
    }
    "tpu.region"() ({
      %run_scoped3A_97 = tpu.sem_alloc : memref<!tpu.dma_semaphore, #tpu.memory_space<semaphore_mem>>
      tpu.enqueue_dma source(%arg6 : memref<128x64xf32, #tpu.memory_space<hbm>>) target(%arg10 : memref<128x64xf32, #tpu.memory_space<vmem>>) target_semaphore(%run_scoped3A_97 : memref<!tpu.dma_semaphore, #tpu.memory_space<semaphore_mem>>)
      tpu.wait_dma2 semaphore(%run_scoped3A_97 : memref<!tpu.dma_semaphore, #tpu.memory_space<semaphore_mem>>) src(%arg6 : memref<128x64xf32, #tpu.memory_space<hbm>>) dst(%arg10 : memref<128x64xf32, #tpu.memory_space<vmem>>)
      tpu.yield
    }) : () -> ()
    %mul3A_11 = arith.constant 640 : i32
    %mul3A_12 = arith.muli %arg1, %mul3A_11 : i32
    %add3A_13 = arith.constant 0 : i32
    %add3A_14 = arith.addi %mul3A_12, %add3A_13 : i32
    "tpu.region"() ({
      %run_scoped3A_97 = tpu.sem_alloc : memref<!tpu.dma_semaphore, #tpu.memory_space<semaphore_mem>>
      %dma_start3A_98 = arith.constant 0 : i32
      %dma_start3A_99 = tpu.memref_slice %arg14[%add3A_14, %dma_start3A_98] : memref<10240x64xf32, #tpu.memory_space<vmem_shared>> -> memref<128x64xf32, #tpu.memory_space<vmem_shared>>
      %dma_start3A_100 = arith.constant 0 : i32
      %dma_start3A_101 = tpu.memref_slice %arg14[%add3A_14, %dma_start3A_100] : memref<10240x64xf32, #tpu.memory_space<vmem_shared>> -> memref<128x64xf32, #tpu.memory_space<vmem_shared>>
      tpu.enqueue_dma source(%arg10 : memref<128x64xf32, #tpu.memory_space<vmem>>) target(%dma_start3A_101 : memref<128x64xf32, #tpu.memory_space<vmem_shared>>) target_semaphore(%run_scoped3A_97 : memref<!tpu.dma_semaphore, #tpu.memory_space<semaphore_mem>>)
      %dma_wait3A_102 = arith.constant 0 : i32
      %dma_wait3A_103 = tpu.memref_slice %arg14[%add3A_14, %dma_wait3A_102] : memref<10240x64xf32, #tpu.memory_space<vmem_shared>> -> memref<128x64xf32, #tpu.memory_space<vmem_shared>>
      %dma_wait3A_104 = arith.constant 0 : i32
      %dma_wait3A_105 = tpu.memref_slice %arg14[%add3A_14, %dma_wait3A_104] : memref<10240x64xf32, #tpu.memory_space<vmem_shared>> -> memref<128x64xf32, #tpu.memory_space<vmem_shared>>
      tpu.wait_dma2 semaphore(%run_scoped3A_97 : memref<!tpu.dma_semaphore, #tpu.memory_space<semaphore_mem>>) src(%arg10 : memref<128x64xf32, #tpu.memory_space<vmem>>) dst(%dma_wait3A_105 : memref<128x64xf32, #tpu.memory_space<vmem_shared>>)
      tpu.yield
    }) : () -> ()
    %mul3A_15 = arith.constant 640 : i32
    %mul3A_16 = arith.muli %arg1, %mul3A_15 : i32
    %add3A_17 = arith.constant 128 : i32
    %add3A_18 = arith.addi %mul3A_16, %add3A_17 : i32
    "tpu.region"() ({
      %run_scoped3A_97 = tpu.sem_alloc : memref<!tpu.dma_semaphore, #tpu.memory_space<semaphore_mem>>
      %dma_start3A_98 = arith.constant 0 : i32
      %dma_start3A_99 = tpu.memref_slice %arg14[%add3A_18, %dma_start3A_98] : memref<10240x64xf32, #tpu.memory_space<vmem_shared>> -> memref<128x64xf32, #tpu.memory_space<vmem_shared>>
      %dma_start3A_100 = arith.constant 0 : i32
      %dma_start3A_101 = tpu.memref_slice %arg14[%add3A_18, %dma_start3A_100] : memref<10240x64xf32, #tpu.memory_space<vmem_shared>> -> memref<128x64xf32, #tpu.memory_space<vmem_shared>>
      tpu.enqueue_dma source(%arg10 : memref<128x64xf32, #tpu.memory_space<vmem>>) target(%dma_start3A_101 : memref<128x64xf32, #tpu.memory_space<vmem_shared>>) target_semaphore(%run_scoped3A_97 : memref<!tpu.dma_semaphore, #tpu.memory_space<semaphore_mem>>)
      %dma_wait3A_102 = arith.constant 0 : i32
      %dma_wait3A_103 = tpu.memref_slice %arg14[%add3A_18, %dma_wait3A_102] : memref<10240x64xf32, #tpu.memory_space<vmem_shared>> -> memref<128x64xf32, #tpu.memory_space<vmem_shared>>
      %dma_wait3A_104 = arith.constant 0 : i32
      %dma_wait3A_105 = tpu.memref_slice %arg14[%add3A_18, %dma_wait3A_104] : memref<10240x64xf32, #tpu.memory_space<vmem_shared>> -> memref<128x64xf32, #tpu.memory_space<vmem_shared>>
      tpu.wait_dma2 semaphore(%run_scoped3A_97 : memref<!tpu.dma_semaphore, #tpu.memory_space<semaphore_mem>>) src(%arg10 : memref<128x64xf32, #tpu.memory_space<vmem>>) dst(%dma_wait3A_105 : memref<128x64xf32, #tpu.memory_space<vmem_shared>>)
      tpu.yield
    }) : () -> ()
    %mul3A_19 = arith.constant 640 : i32
    %mul3A_20 = arith.muli %arg1, %mul3A_19 : i32
    %add3A_21 = arith.constant 256 : i32
    %add3A_22 = arith.addi %mul3A_20, %add3A_21 : i32
    "tpu.region"() ({
      %run_scoped3A_97 = tpu.sem_alloc : memref<!tpu.dma_semaphore, #tpu.memory_space<semaphore_mem>>
      %dma_start3A_98 = arith.constant 0 : i32
      %dma_start3A_99 = tpu.memref_slice %arg14[%add3A_22, %dma_start3A_98] : memref<10240x64xf32, #tpu.memory_space<vmem_shared>> -> memref<128x64xf32, #tpu.memory_space<vmem_shared>>
      %dma_start3A_100 = arith.constant 0 : i32
      %dma_start3A_101 = tpu.memref_slice %arg14[%add3A_22, %dma_start3A_100] : memref<10240x64xf32, #tpu.memory_space<vmem_shared>> -> memref<128x64xf32, #tpu.memory_space<vmem_shared>>
      tpu.enqueue_dma source(%arg10 : memref<128x64xf32, #tpu.memory_space<vmem>>) target(%dma_start3A_101 : memref<128x64xf32, #tpu.memory_space<vmem_shared>>) target_semaphore(%run_scoped3A_97 : memref<!tpu.dma_semaphore, #tpu.memory_space<semaphore_mem>>)
      %dma_wait3A_102 = arith.constant 0 : i32
      %dma_wait3A_103 = tpu.memref_slice %arg14[%add3A_22, %dma_wait3A_102] : memref<10240x64xf32, #tpu.memory_space<vmem_shared>> -> memref<128x64xf32, #tpu.memory_space<vmem_shared>>
      %dma_wait3A_104 = arith.constant 0 : i32
      %dma_wait3A_105 = tpu.memref_slice %arg14[%add3A_22, %dma_wait3A_104] : memref<10240x64xf32, #tpu.memory_space<vmem_shared>> -> memref<128x64xf32, #tpu.memory_space<vmem_shared>>
      tpu.wait_dma2 semaphore(%run_scoped3A_97 : memref<!tpu.dma_semaphore, #tpu.memory_space<semaphore_mem>>) src(%arg10 : memref<128x64xf32, #tpu.memory_space<vmem>>) dst(%dma_wait3A_105 : memref<128x64xf32, #tpu.memory_space<vmem_shared>>)
      tpu.yield
    }) : () -> ()
    %mul3A_23 = arith.constant 640 : i32
    %mul3A_24 = arith.muli %arg1, %mul3A_23 : i32
    %add3A_25 = arith.constant 384 : i32
    %add3A_26 = arith.addi %mul3A_24, %add3A_25 : i32
    "tpu.region"() ({
      %run_scoped3A_97 = tpu.sem_alloc : memref<!tpu.dma_semaphore, #tpu.memory_space<semaphore_mem>>
      %dma_start3A_98 = arith.constant 0 : i32
      %dma_start3A_99 = tpu.memref_slice %arg14[%add3A_26, %dma_start3A_98] : memref<10240x64xf32, #tpu.memory_space<vmem_shared>> -> memref<128x64xf32, #tpu.memory_space<vmem_shared>>
      %dma_start3A_100 = arith.constant 0 : i32
      %dma_start3A_101 = tpu.memref_slice %arg14[%add3A_26, %dma_start3A_100] : memref<10240x64xf32, #tpu.memory_space<vmem_shared>> -> memref<128x64xf32, #tpu.memory_space<vmem_shared>>
      tpu.enqueue_dma source(%arg10 : memref<128x64xf32, #tpu.memory_space<vmem>>) target(%dma_start3A_101 : memref<128x64xf32, #tpu.memory_space<vmem_shared>>) target_semaphore(%run_scoped3A_97 : memref<!tpu.dma_semaphore, #tpu.memory_space<semaphore_mem>>)
      %dma_wait3A_102 = arith.constant 0 : i32
      %dma_wait3A_103 = tpu.memref_slice %arg14[%add3A_26, %dma_wait3A_102] : memref<10240x64xf32, #tpu.memory_space<vmem_shared>> -> memref<128x64xf32, #tpu.memory_space<vmem_shared>>
      %dma_wait3A_104 = arith.constant 0 : i32
      %dma_wait3A_105 = tpu.memref_slice %arg14[%add3A_26, %dma_wait3A_104] : memref<10240x64xf32, #tpu.memory_space<vmem_shared>> -> memref<128x64xf32, #tpu.memory_space<vmem_shared>>
      tpu.wait_dma2 semaphore(%run_scoped3A_97 : memref<!tpu.dma_semaphore, #tpu.memory_space<semaphore_mem>>) src(%arg10 : memref<128x64xf32, #tpu.memory_space<vmem>>) dst(%dma_wait3A_105 : memref<128x64xf32, #tpu.memory_space<vmem_shared>>)
      tpu.yield
    }) : () -> ()
    %mul3A_27 = arith.constant 640 : i32
    %mul3A_28 = arith.muli %arg1, %mul3A_27 : i32
    %add3A_29 = arith.constant 512 : i32
    %add3A_30 = arith.addi %mul3A_28, %add3A_29 : i32
    "tpu.region"() ({
      %run_scoped3A_97 = tpu.sem_alloc : memref<!tpu.dma_semaphore, #tpu.memory_space<semaphore_mem>>
      %dma_start3A_98 = arith.constant 0 : i32
      %dma_start3A_99 = tpu.memref_slice %arg14[%add3A_30, %dma_start3A_98] : memref<10240x64xf32, #tpu.memory_space<vmem_shared>> -> memref<128x64xf32, #tpu.memory_space<vmem_shared>>
      %dma_start3A_100 = arith.constant 0 : i32
      %dma_start3A_101 = tpu.memref_slice %arg14[%add3A_30, %dma_start3A_100] : memref<10240x64xf32, #tpu.memory_space<vmem_shared>> -> memref<128x64xf32, #tpu.memory_space<vmem_shared>>
      tpu.enqueue_dma source(%arg10 : memref<128x64xf32, #tpu.memory_space<vmem>>) target(%dma_start3A_101 : memref<128x64xf32, #tpu.memory_space<vmem_shared>>) target_semaphore(%run_scoped3A_97 : memref<!tpu.dma_semaphore, #tpu.memory_space<semaphore_mem>>)
      %dma_wait3A_102 = arith.constant 0 : i32
      %dma_wait3A_103 = tpu.memref_slice %arg14[%add3A_30, %dma_wait3A_102] : memref<10240x64xf32, #tpu.memory_space<vmem_shared>> -> memref<128x64xf32, #tpu.memory_space<vmem_shared>>
      %dma_wait3A_104 = arith.constant 0 : i32
      %dma_wait3A_105 = tpu.memref_slice %arg14[%add3A_30, %dma_wait3A_104] : memref<10240x64xf32, #tpu.memory_space<vmem_shared>> -> memref<128x64xf32, #tpu.memory_space<vmem_shared>>
      tpu.wait_dma2 semaphore(%run_scoped3A_97 : memref<!tpu.dma_semaphore, #tpu.memory_space<semaphore_mem>>) src(%arg10 : memref<128x64xf32, #tpu.memory_space<vmem>>) dst(%dma_wait3A_105 : memref<128x64xf32, #tpu.memory_space<vmem_shared>>)
      tpu.yield
    }) : () -> ()
    %barrier3A = arith.constant 0 : index
    tpu.barrier barrier_id(%barrier3A)
    %dma_start3A = arith.constant 0 : i32
    %dma_start3A_31 = arith.constant 0 : i32
    %dma_start3A_32 = tpu.memref_slice %arg8[%dma_start3A, %dma_start3A_31] : memref<79x128xi32, #tpu.memory_space<vmem>> -> memref<1x128xi32, #tpu.memory_space<vmem>>
    %dma_start3A_33 = tpu.memref_squeeze %dma_start3A_32 : memref<1x128xi32, #tpu.memory_space<vmem>> -> memref<128xi32, #tpu.memory_space<vmem>>
    %dma_start3A_34 = arith.constant 0 : i32
    %dma_start3A_35 = arith.constant 0 : i32
    %dma_start3A_36 = tpu.memref_slice %arg2[%dma_start3A_34, %dma_start3A_35] : memref<10000x64xf32, #tpu.memory_space<hbm>> -> memref<10000x64xf32, #tpu.memory_space<hbm>>
    tpu.enqueue_indirect_dma source(%dma_start3A_36 : memref<10000x64xf32, #tpu.memory_space<hbm>>) target(%arg10 : memref<128x64xf32, #tpu.memory_space<vmem>>) offsets(%dma_start3A_33 : memref<128xi32, #tpu.memory_space<vmem>>) semaphore(%arg15 : memref<!tpu.dma_semaphore, #tpu.memory_space<semaphore_mem>>)
    %min3A_37 = arith.constant 0 : i32
    %min3A_38 = arith.constant 77 : i32
    %min3A_39 = arith.minsi %min3A_37, %min3A_38 : i32
    %jit3A = arith.constant 0 : i32
    %select_n3A = arith.select %lt3A_1, %jit3A, %min3A_39 : i32
    %add3A_40 = arith.addi %add3A_5, %select_n3A : i32
    %mul3A_41 = arith.constant 128 : i32
    %mul3A_42 = arith.muli %add3A_40, %mul3A_41 : i32
    %dma_start3A_43 = arith.constant 0 : i32
    %dma_start3A_44 = tpu.memref_slice %arg3[%mul3A_42, %dma_start3A_43] : memref<320000x64xf32, #tpu.memory_space<hbm>> -> memref<128x64xf32, #tpu.memory_space<hbm>>
    %dma_start3A_45 = arith.constant 0 : i32
    %dma_start3A_46 = tpu.memref_slice %arg3[%mul3A_42, %dma_start3A_45] : memref<320000x64xf32, #tpu.memory_space<hbm>> -> memref<128x64xf32, #tpu.memory_space<hbm>>
    tpu.enqueue_dma source(%dma_start3A_46 : memref<128x64xf32, #tpu.memory_space<hbm>>) target(%arg12 : memref<128x64xf32, #tpu.memory_space<vmem>>) target_semaphore(%arg17 : memref<!tpu.dma_semaphore, #tpu.memory_space<semaphore_mem>>)
    %scan3A = arith.constant 0 : i32
    %scan3A_47 = arith.constant 0 : i32
    %scan3A_48 = arith.constant 39 : i32
    %scan3A_49 = arith.addi %scan3A_47, %scan3A_48 : i32
    %scan3A_50 = arith.constant 1 : i32
    scf.for %scan3A_97 = %scan3A_47 to %scan3A_49 step %scan3A_50  : i32 {
      %mul3A_98 = arith.constant 2 : i32
      %mul3A_99 = arith.muli %scan3A_97, %mul3A_98 : i32
      %add3A_100 = arith.constant 0 : i32
      %add3A_101 = arith.addi %mul3A_99, %add3A_100 : i32
      %add3A_102 = arith.constant 1 : i32
      %add3A_103 = arith.addi %add3A_101, %add3A_102 : i32
      %dma_start3A_104 = arith.constant 0 : i32
      %dma_start3A_105 = tpu.memref_slice %arg8[%add3A_103, %dma_start3A_104] : memref<79x128xi32, #tpu.memory_space<vmem>> -> memref<1x128xi32, #tpu.memory_space<vmem>>
      %dma_start3A_106 = tpu.memref_squeeze %dma_start3A_105 : memref<1x128xi32, #tpu.memory_space<vmem>> -> memref<128xi32, #tpu.memory_space<vmem>>
      %dma_start3A_107 = arith.constant 0 : i32
      %dma_start3A_108 = arith.constant 0 : i32
      %dma_start3A_109 = tpu.memref_slice %arg2[%dma_start3A_107, %dma_start3A_108] : memref<10000x64xf32, #tpu.memory_space<hbm>> -> memref<10000x64xf32, #tpu.memory_space<hbm>>
      tpu.enqueue_indirect_dma source(%dma_start3A_109 : memref<10000x64xf32, #tpu.memory_space<hbm>>) target(%arg11 : memref<128x64xf32, #tpu.memory_space<vmem>>) offsets(%dma_start3A_106 : memref<128xi32, #tpu.memory_space<vmem>>) semaphore(%arg16 : memref<!tpu.dma_semaphore, #tpu.memory_space<semaphore_mem>>)
      %min3A_110 = arith.constant 77 : i32
      %min3A_111 = arith.minsi %add3A_103, %min3A_110 : i32
      %select_n3A_112 = arith.select %lt3A_1, %add3A_103, %min3A_111 : i32
      %add3A_113 = arith.addi %add3A_5, %select_n3A_112 : i32
      %mul3A_114 = arith.constant 128 : i32
      %mul3A_115 = arith.muli %add3A_113, %mul3A_114 : i32
      %dma_start3A_116 = arith.constant 0 : i32
      %dma_start3A_117 = tpu.memref_slice %arg3[%mul3A_115, %dma_start3A_116] : memref<320000x64xf32, #tpu.memory_space<hbm>> -> memref<128x64xf32, #tpu.memory_space<hbm>>
      %dma_start3A_118 = arith.constant 0 : i32
      %dma_start3A_119 = tpu.memref_slice %arg3[%mul3A_115, %dma_start3A_118] : memref<320000x64xf32, #tpu.memory_space<hbm>> -> memref<128x64xf32, #tpu.memory_space<hbm>>
      tpu.enqueue_dma source(%dma_start3A_119 : memref<128x64xf32, #tpu.memory_space<hbm>>) target(%arg13 : memref<128x64xf32, #tpu.memory_space<vmem>>) target_semaphore(%arg18 : memref<!tpu.dma_semaphore, #tpu.memory_space<semaphore_mem>>)
      %dma_wait3A_120 = arith.constant 0 : i32
      %dma_wait3A_121 = tpu.memref_slice %arg8[%add3A_101, %dma_wait3A_120] : memref<79x128xi32, #tpu.memory_space<vmem>> -> memref<1x128xi32, #tpu.memory_space<vmem>>
      %dma_wait3A_122 = tpu.memref_squeeze %dma_wait3A_121 : memref<1x128xi32, #tpu.memory_space<vmem>> -> memref<128xi32, #tpu.memory_space<vmem>>
      %dma_wait3A_123 = arith.constant 0 : i32
      %dma_wait3A_124 = arith.constant 0 : i32
      %dma_wait3A_125 = tpu.memref_slice %arg2[%dma_wait3A_123, %dma_wait3A_124] : memref<10000x64xf32, #tpu.memory_space<hbm>> -> memref<10000x64xf32, #tpu.memory_space<hbm>>
      tpu.wait_indirect_dma semaphore(%arg15 : memref<!tpu.dma_semaphore, #tpu.memory_space<semaphore_mem>>) src(%dma_wait3A_125 : memref<10000x64xf32, #tpu.memory_space<hbm>>) dst(%arg10 : memref<128x64xf32, #tpu.memory_space<vmem>>)
      %min3A_126 = arith.constant 77 : i32
      %min3A_127 = arith.minsi %add3A_101, %min3A_126 : i32
      %select_n3A_128 = arith.select %lt3A_1, %add3A_101, %min3A_127 : i32
      %add3A_129 = arith.addi %add3A_5, %select_n3A_128 : i32
      %mul3A_130 = arith.constant 128 : i32
      %mul3A_131 = arith.muli %add3A_129, %mul3A_130 : i32
      %dma_wait3A_132 = arith.constant 0 : i32
      %dma_wait3A_133 = tpu.memref_slice %arg3[%mul3A_131, %dma_wait3A_132] : memref<320000x64xf32, #tpu.memory_space<hbm>> -> memref<128x64xf32, #tpu.memory_space<hbm>>
      %dma_wait3A_134 = arith.constant 0 : i32
      %dma_wait3A_135 = tpu.memref_slice %arg3[%mul3A_131, %dma_wait3A_134] : memref<320000x64xf32, #tpu.memory_space<hbm>> -> memref<128x64xf32, #tpu.memory_space<hbm>>
      tpu.wait_dma2 semaphore(%arg17 : memref<!tpu.dma_semaphore, #tpu.memory_space<semaphore_mem>>) src(%dma_wait3A_135 : memref<128x64xf32, #tpu.memory_space<hbm>>) dst(%arg12 : memref<128x64xf32, #tpu.memory_space<vmem>>)
      %scan3A_136 = arith.constant 0 : i32
      %scan3A_137 = arith.constant 0 : i32
      %scan3A_138 = arith.constant 32 : i32
      %scan3A_139 = arith.addi %scan3A_137, %scan3A_138 : i32
      %scan3A_140 = arith.constant 1 : i32
      scf.for %scan3A_186 = %scan3A_137 to %scan3A_139 step %scan3A_140  : i32 {
        %mul3A_187 = arith.constant 4 : i32
        %mul3A_188 = arith.muli %scan3A_186, %mul3A_187 : i32
        %add3A_189 = arith.constant 0 : i32
        %add3A_190 = arith.addi %mul3A_188, %add3A_189 : i32
        %get3A = arith.index_cast %add3A_190 : i32 to index
        %get3A_191 = arith.constant 0 : index
        %get3A_192 = tpu.vector_load %arg10[%get3A, %get3A_191] {strides = array<i32>} : memref<128x64xf32, #tpu.memory_space<vmem>>, vector<1x16xf32>,
        %get3A_193 = vector.shape_cast %get3A_192 : vector<1x16xf32> to vector<16xf32>
        %get3A_194 = arith.index_cast %add3A_190 : i32 to index
        %get3A_195 = arith.constant 0 : index
        %get3A_196 = tpu.vector_load %arg12[%get3A_194, %get3A_195] {strides = array<i32>} : memref<128x64xf32, #tpu.memory_space<vmem>>, vector<1x16xf32>,
        %get3A_197 = vector.shape_cast %get3A_196 : vector<1x16xf32> to vector<16xf32>
        %add3A_198 = arith.addf %get3A_193, %get3A_197 : vector<16xf32>
        %max3A = arith.constant 0.000000e+00 : f32
        %max3A_199 = vector.broadcast %max3A : f32 to vector<16xf32>
        %max3A_200 = arith.maximumf %add3A_198, %max3A_199 : vector<16xf32>
        %swap3A = arith.index_cast %add3A_190 : i32 to index
        %swap3A_201 = arith.constant 0 : index
        %swap3A_202 = tpu.vector_load %arg10[%swap3A, %swap3A_201] {strides = array<i32>} : memref<128x64xf32, #tpu.memory_space<vmem>>, vector<1x16xf32>,
        %swap3A_203 = vector.shape_cast %swap3A_202 : vector<1x16xf32> to vector<16xf32>
        %swap3A_204 = vector.shape_cast %max3A_200 : vector<16xf32> to vector<1x16xf32>
        tpu.vector_store %arg10[%swap3A, %swap3A_201], %swap3A_204 {strides = array<i32>} : memref<128x64xf32, #tpu.memory_space<vmem>>, vector<1x16xf32>,
        %mul3A_205 = arith.constant 4 : i32
        %mul3A_206 = arith.muli %scan3A_186, %mul3A_205 : i32
        %add3A_207 = arith.constant 0 : i32
        %add3A_208 = arith.addi %mul3A_206, %add3A_207 : i32
        %get3A_209 = arith.index_cast %add3A_208 : i32 to index
        %get3A_210 = arith.constant 16 : index
        %get3A_211 = tpu.vector_load %arg10[%get3A_209, %get3A_210] {strides = array<i32>} : memref<128x64xf32, #tpu.memory_space<vmem>>, vector<1x16xf32>,
        %get3A_212 = vector.shape_cast %get3A_211 : vector<1x16xf32> to vector<16xf32>
        %get3A_213 = arith.index_cast %add3A_208 : i32 to index
        %get3A_214 = arith.constant 16 : index
        %get3A_215 = tpu.vector_load %arg12[%get3A_213, %get3A_214] {strides = array<i32>} : memref<128x64xf32, #tpu.memory_space<vmem>>, vector<1x16xf32>,
        %get3A_216 = vector.shape_cast %get3A_215 : vector<1x16xf32> to vector<16xf32>
        %add3A_217 = arith.addf %get3A_212, %get3A_216 : vector<16xf32>
        %max3A_218 = arith.constant 0.000000e+00 : f32
        %max3A_219 = vector.broadcast %max3A_218 : f32 to vector<16xf32>
        %max3A_220 = arith.maximumf %add3A_217, %max3A_219 : vector<16xf32>
        %swap3A_221 = arith.index_cast %add3A_208 : i32 to index
        %swap3A_222 = arith.constant 16 : index
        %swap3A_223 = tpu.vector_load %arg10[%swap3A_221, %swap3A_222] {strides = array<i32>} : memref<128x64xf32, #tpu.memory_space<vmem>>, vector<1x16xf32>,
        %swap3A_224 = vector.shape_cast %swap3A_223 : vector<1x16xf32> to vector<16xf32>
        %swap3A_225 = vector.shape_cast %max3A_220 : vector<16xf32> to vector<1x16xf32>
        tpu.vector_store %arg10[%swap3A_221, %swap3A_222], %swap3A_225 {strides = array<i32>} : memref<128x64xf32, #tpu.memory_space<vmem>>, vector<1x16xf32>,
        %mul3A_226 = arith.constant 4 : i32
        %mul3A_227 = arith.muli %scan3A_186, %mul3A_226 : i32
        %add3A_228 = arith.constant 0 : i32
        %add3A_229 = arith.addi %mul3A_227, %add3A_228 : i32
        %get3A_230 = arith.index_cast %add3A_229 : i32 to index
        %get3A_231 = arith.constant 32 : index
        %get3A_232 = tpu.vector_load %arg10[%get3A_230, %get3A_231] {strides = array<i32>} : memref<128x64xf32, #tpu.memory_space<vmem>>, vector<1x16xf32>,
        %get3A_233 = vector.shape_cast %get3A_232 : vector<1x16xf32> to vector<16xf32>
        %get3A_234 = arith.index_cast %add3A_229 : i32 to index
        %get3A_235 = arith.constant 32 : index
        %get3A_236 = tpu.vector_load %arg12[%get3A_234, %get3A_235] {strides = array<i32>} : memref<128x64xf32, #tpu.memory_space<vmem>>, vector<1x16xf32>,
        %get3A_237 = vector.shape_cast %get3A_236 : vector<1x16xf32> to vector<16xf32>
        %add3A_238 = arith.addf %get3A_233, %get3A_237 : vector<16xf32>
        %max3A_239 = arith.constant 0.000000e+00 : f32
        %max3A_240 = vector.broadcast %max3A_239 : f32 to vector<16xf32>
        %max3A_241 = arith.maximumf %add3A_238, %max3A_240 : vector<16xf32>
        %swap3A_242 = arith.index_cast %add3A_229 : i32 to index
        %swap3A_243 = arith.constant 32 : index
        %swap3A_244 = tpu.vector_load %arg10[%swap3A_242, %swap3A_243] {strides = array<i32>} : memref<128x64xf32, #tpu.memory_space<vmem>>, vector<1x16xf32>,
        %swap3A_245 = vector.shape_cast %swap3A_244 : vector<1x16xf32> to vector<16xf32>
        %swap3A_246 = vector.shape_cast %max3A_241 : vector<16xf32> to vector<1x16xf32>
        tpu.vector_store %arg10[%swap3A_242, %swap3A_243], %swap3A_246 {strides = array<i32>} : memref<128x64xf32, #tpu.memory_space<vmem>>, vector<1x16xf32>,
        %mul3A_247 = arith.constant 4 : i32
        %mul3A_248 = arith.muli %scan3A_186, %mul3A_247 : i32
        %add3A_249 = arith.constant 0 : i32
        %add3A_250 = arith.addi %mul3A_248, %add3A_249 : i32
        %get3A_251 = arith.index_cast %add3A_250 : i32 to index
        %get3A_252 = arith.constant 48 : index
        %get3A_253 = tpu.vector_load %arg10[%get3A_251, %get3A_252] {strides = array<i32>} : memref<128x64xf32, #tpu.memory_space<vmem>>, vector<1x16xf32>,
        %get3A_254 = vector.shape_cast %get3A_253 : vector<1x16xf32> to vector<16xf32>
        %get3A_255 = arith.index_cast %add3A_250 : i32 to index
        %get3A_256 = arith.constant 48 : index
        %get3A_257 = tpu.vector_load %arg12[%get3A_255, %get3A_256] {strides = array<i32>} : memref<128x64xf32, #tpu.memory_space<vmem>>, vector<1x16xf32>,
        %get3A_258 = vector.shape_cast %get3A_257 : vector<1x16xf32> to vector<16xf32>
        %add3A_259 = arith.addf %get3A_254, %get3A_258 : vector<16xf32>
        %max3A_260 = arith.constant 0.000000e+00 : f32
        %max3A_261 = vector.broadcast %max3A_260 : f32 to vector<16xf32>
        %max3A_262 = arith.maximumf %add3A_259, %max3A_261 : vector<16xf32>
        %swap3A_263 = arith.index_cast %add3A_250 : i32 to index
        %swap3A_264 = arith.constant 48 : index
        %swap3A_265 = tpu.vector_load %arg10[%swap3A_263, %swap3A_264] {strides = array<i32>} : memref<128x64xf32, #tpu.memory_space<vmem>>, vector<1x16xf32>,
        %swap3A_266 = vector.shape_cast %swap3A_265 : vector<1x16xf32> to vector<16xf32>
        %swap3A_267 = vector.shape_cast %max3A_262 : vector<16xf32> to vector<1x16xf32>
        tpu.vector_store %arg10[%swap3A_263, %swap3A_264], %swap3A_267 {strides = array<i32>} : memref<128x64xf32, #tpu.memory_space<vmem>>, vector<1x16xf32>,
        %mul3A_268 = arith.constant 4 : i32
        %mul3A_269 = arith.muli %scan3A_186, %mul3A_268 : i32
        %add3A_270 = arith.constant 1 : i32
        %add3A_271 = arith.addi %mul3A_269, %add3A_270 : i32
        %get3A_272 = arith.index_cast %add3A_271 : i32 to index
        %get3A_273 = arith.constant 0 : index
        %get3A_274 = tpu.vector_load %arg10[%get3A_272, %get3A_273] {strides = array<i32>} : memref<128x64xf32, #tpu.memory_space<vmem>>, vector<1x16xf32>,
        %get3A_275 = vector.shape_cast %get3A_274 : vector<1x16xf32> to vector<16xf32>
        %get3A_276 = arith.index_cast %add3A_271 : i32 to index
        %get3A_277 = arith.constant 0 : index
        %get3A_278 = tpu.vector_load %arg12[%get3A_276, %get3A_277] {strides = array<i32>} : memref<128x64xf32, #tpu.memory_space<vmem>>, vector<1x16xf32>,
        %get3A_279 = vector.shape_cast %get3A_278 : vector<1x16xf32> to vector<16xf32>
        %add3A_280 = arith.addf %get3A_275, %get3A_279 : vector<16xf32>
        %max3A_281 = arith.constant 0.000000e+00 : f32
        %max3A_282 = vector.broadcast %max3A_281 : f32 to vector<16xf32>
        %max3A_283 = arith.maximumf %add3A_280, %max3A_282 : vector<16xf32>
        %swap3A_284 = arith.index_cast %add3A_271 : i32 to index
        %swap3A_285 = arith.constant 0 : index
        %swap3A_286 = tpu.vector_load %arg10[%swap3A_284, %swap3A_285] {strides = array<i32>} : memref<128x64xf32, #tpu.memory_space<vmem>>, vector<1x16xf32>,
        %swap3A_287 = vector.shape_cast %swap3A_286 : vector<1x16xf32> to vector<16xf32>
        %swap3A_288 = vector.shape_cast %max3A_283 : vector<16xf32> to vector<1x16xf32>
        tpu.vector_store %arg10[%swap3A_284, %swap3A_285], %swap3A_288 {strides = array<i32>} : memref<128x64xf32, #tpu.memory_space<vmem>>, vector<1x16xf32>,
        %mul3A_289 = arith.constant 4 : i32
        %mul3A_290 = arith.muli %scan3A_186, %mul3A_289 : i32
        %add3A_291 = arith.constant 1 : i32
        %add3A_292 = arith.addi %mul3A_290, %add3A_291 : i32
        %get3A_293 = arith.index_cast %add3A_292 : i32 to index
        %get3A_294 = arith.constant 16 : index
        %get3A_295 = tpu.vector_load %arg10[%get3A_293, %get3A_294] {strides = array<i32>} : memref<128x64xf32, #tpu.memory_space<vmem>>, vector<1x16xf32>,
        %get3A_296 = vector.shape_cast %get3A_295 : vector<1x16xf32> to vector<16xf32>
        %get3A_297 = arith.index_cast %add3A_292 : i32 to index
        %get3A_298 = arith.constant 16 : index
        %get3A_299 = tpu.vector_load %arg12[%get3A_297, %get3A_298] {strides = array<i32>} : memref<128x64xf32, #tpu.memory_space<vmem>>, vector<1x16xf32>,
        %get3A_300 = vector.shape_cast %get3A_299 : vector<1x16xf32> to vector<16xf32>
        %add3A_301 = arith.addf %get3A_296, %get3A_300 : vector<16xf32>
        %max3A_302 = arith.constant 0.000000e+00 : f32
        %max3A_303 = vector.broadcast %max3A_302 : f32 to vector<16xf32>
        %max3A_304 = arith.maximumf %add3A_301, %max3A_303 : vector<16xf32>
        %swap3A_305 = arith.index_cast %add3A_292 : i32 to index
        %swap3A_306 = arith.constant 16 : index
        %swap3A_307 = tpu.vector_load %arg10[%swap3A_305, %swap3A_306] {strides = array<i32>} : memref<128x64xf32, #tpu.memory_space<vmem>>, vector<1x16xf32>,
        %swap3A_308 = vector.shape_cast %swap3A_307 : vector<1x16xf32> to vector<16xf32>
        %swap3A_309 = vector.shape_cast %max3A_304 : vector<16xf32> to vector<1x16xf32>
        tpu.vector_store %arg10[%swap3A_305, %swap3A_306], %swap3A_309 {strides = array<i32>} : memref<128x64xf32, #tpu.memory_space<vmem>>, vector<1x16xf32>,
        %mul3A_310 = arith.constant 4 : i32
        %mul3A_311 = arith.muli %scan3A_186, %mul3A_310 : i32
        %add3A_312 = arith.constant 1 : i32
        %add3A_313 = arith.addi %mul3A_311, %add3A_312 : i32
        %get3A_314 = arith.index_cast %add3A_313 : i32 to index
        %get3A_315 = arith.constant 32 : index
        %get3A_316 = tpu.vector_load %arg10[%get3A_314, %get3A_315] {strides = array<i32>} : memref<128x64xf32, #tpu.memory_space<vmem>>, vector<1x16xf32>,
        %get3A_317 = vector.shape_cast %get3A_316 : vector<1x16xf32> to vector<16xf32>
        %get3A_318 = arith.index_cast %add3A_313 : i32 to index
        %get3A_319 = arith.constant 32 : index
        %get3A_320 = tpu.vector_load %arg12[%get3A_318, %get3A_319] {strides = array<i32>} : memref<128x64xf32, #tpu.memory_space<vmem>>, vector<1x16xf32>,
        %get3A_321 = vector.shape_cast %get3A_320 : vector<1x16xf32> to vector<16xf32>
        %add3A_322 = arith.addf %get3A_317, %get3A_321 : vector<16xf32>
        %max3A_323 = arith.constant 0.000000e+00 : f32
        %max3A_324 = vector.broadcast %max3A_323 : f32 to vector<16xf32>
        %max3A_325 = arith.maximumf %add3A_322, %max3A_324 : vector<16xf32>
        %swap3A_326 = arith.index_cast %add3A_313 : i32 to index
        %swap3A_327 = arith.constant 32 : index
        %swap3A_328 = tpu.vector_load %arg10[%swap3A_326, %swap3A_327] {strides = array<i32>} : memref<128x64xf32, #tpu.memory_space<vmem>>, vector<1x16xf32>,
        %swap3A_329 = vector.shape_cast %swap3A_328 : vector<1x16xf32> to vector<16xf32>
        %swap3A_330 = vector.shape_cast %max3A_325 : vector<16xf32> to vector<1x16xf32>
        tpu.vector_store %arg10[%swap3A_326, %swap3A_327], %swap3A_330 {strides = array<i32>} : memref<128x64xf32, #tpu.memory_space<vmem>>, vector<1x16xf32>,
        %mul3A_331 = arith.constant 4 : i32
        %mul3A_332 = arith.muli %scan3A_186, %mul3A_331 : i32
        %add3A_333 = arith.constant 1 : i32
        %add3A_334 = arith.addi %mul3A_332, %add3A_333 : i32
        %get3A_335 = arith.index_cast %add3A_334 : i32 to index
        %get3A_336 = arith.constant 48 : index
        %get3A_337 = tpu.vector_load %arg10[%get3A_335, %get3A_336] {strides = array<i32>} : memref<128x64xf32, #tpu.memory_space<vmem>>, vector<1x16xf32>,
        %get3A_338 = vector.shape_cast %get3A_337 : vector<1x16xf32> to vector<16xf32>
        %get3A_339 = arith.index_cast %add3A_334 : i32 to index
        %get3A_340 = arith.constant 48 : index
        %get3A_341 = tpu.vector_load %arg12[%get3A_339, %get3A_340] {strides = array<i32>} : memref<128x64xf32, #tpu.memory_space<vmem>>, vector<1x16xf32>,
        %get3A_342 = vector.shape_cast %get3A_341 : vector<1x16xf32> to vector<16xf32>
        %add3A_343 = arith.addf %get3A_338, %get3A_342 : vector<16xf32>
        %max3A_344 = arith.constant 0.000000e+00 : f32
        %max3A_345 = vector.broadcast %max3A_344 : f32 to vector<16xf32>
        %max3A_346 = arith.maximumf %add3A_343, %max3A_345 : vector<16xf32>
        %swap3A_347 = arith.index_cast %add3A_334 : i32 to index
        %swap3A_348 = arith.constant 48 : index
        %swap3A_349 = tpu.vector_load %arg10[%swap3A_347, %swap3A_348] {strides = array<i32>} : memref<128x64xf32, #tpu.memory_space<vmem>>, vector<1x16xf32>,
        %swap3A_350 = vector.shape_cast %swap3A_349 : vector<1x16xf32> to vector<16xf32>
        %swap3A_351 = vector.shape_cast %max3A_346 : vector<16xf32> to vector<1x16xf32>
        tpu.vector_store %arg10[%swap3A_347, %swap3A_348], %swap3A_351 {strides = array<i32>} : memref<128x64xf32, #tpu.memory_space<vmem>>, vector<1x16xf32>,
        %mul3A_352 = arith.constant 4 : i32
        %mul3A_353 = arith.muli %scan3A_186, %mul3A_352 : i32
        %add3A_354 = arith.constant 2 : i32
        %add3A_355 = arith.addi %mul3A_353, %add3A_354 : i32
        %get3A_356 = arith.index_cast %add3A_355 : i32 to index
        %get3A_357 = arith.constant 0 : index
        %get3A_358 = tpu.vector_load %arg10[%get3A_356, %get3A_357] {strides = array<i32>} : memref<128x64xf32, #tpu.memory_space<vmem>>, vector<1x16xf32>,
        %get3A_359 = vector.shape_cast %get3A_358 : vector<1x16xf32> to vector<16xf32>
        %get3A_360 = arith.index_cast %add3A_355 : i32 to index
        %get3A_361 = arith.constant 0 : index
        %get3A_362 = tpu.vector_load %arg12[%get3A_360, %get3A_361] {strides = array<i32>} : memref<128x64xf32, #tpu.memory_space<vmem>>, vector<1x16xf32>,
        %get3A_363 = vector.shape_cast %get3A_362 : vector<1x16xf32> to vector<16xf32>
        %add3A_364 = arith.addf %get3A_359, %get3A_363 : vector<16xf32>
        %max3A_365 = arith.constant 0.000000e+00 : f32
        %max3A_366 = vector.broadcast %max3A_365 : f32 to vector<16xf32>
        %max3A_367 = arith.maximumf %add3A_364, %max3A_366 : vector<16xf32>
        %swap3A_368 = arith.index_cast %add3A_355 : i32 to index
        %swap3A_369 = arith.constant 0 : index
        %swap3A_370 = tpu.vector_load %arg10[%swap3A_368, %swap3A_369] {strides = array<i32>} : memref<128x64xf32, #tpu.memory_space<vmem>>, vector<1x16xf32>,
        %swap3A_371 = vector.shape_cast %swap3A_370 : vector<1x16xf32> to vector<16xf32>
        %swap3A_372 = vector.shape_cast %max3A_367 : vector<16xf32> to vector<1x16xf32>
        tpu.vector_store %arg10[%swap3A_368, %swap3A_369], %swap3A_372 {strides = array<i32>} : memref<128x64xf32, #tpu.memory_space<vmem>>, vector<1x16xf32>,
        %mul3A_373 = arith.constant 4 : i32
        %mul3A_374 = arith.muli %scan3A_186, %mul3A_373 : i32
        %add3A_375 = arith.constant 2 : i32
        %add3A_376 = arith.addi %mul3A_374, %add3A_375 : i32
        %get3A_377 = arith.index_cast %add3A_376 : i32 to index
        %get3A_378 = arith.constant 16 : index
        %get3A_379 = tpu.vector_load %arg10[%get3A_377, %get3A_378] {strides = array<i32>} : memref<128x64xf32, #tpu.memory_space<vmem>>, vector<1x16xf32>,
        %get3A_380 = vector.shape_cast %get3A_379 : vector<1x16xf32> to vector<16xf32>
        %get3A_381 = arith.index_cast %add3A_376 : i32 to index
        %get3A_382 = arith.constant 16 : index
        %get3A_383 = tpu.vector_load %arg12[%get3A_381, %get3A_382] {strides = array<i32>} : memref<128x64xf32, #tpu.memory_space<vmem>>, vector<1x16xf32>,
        %get3A_384 = vector.shape_cast %get3A_383 : vector<1x16xf32> to vector<16xf32>
        %add3A_385 = arith.addf %get3A_380, %get3A_384 : vector<16xf32>
        %max3A_386 = arith.constant 0.000000e+00 : f32
        %max3A_387 = vector.broadcast %max3A_386 : f32 to vector<16xf32>
        %max3A_388 = arith.maximumf %add3A_385, %max3A_387 : vector<16xf32>
        %swap3A_389 = arith.index_cast %add3A_376 : i32 to index
        %swap3A_390 = arith.constant 16 : index
        %swap3A_391 = tpu.vector_load %arg10[%swap3A_389, %swap3A_390] {strides = array<i32>} : memref<128x64xf32, #tpu.memory_space<vmem>>, vector<1x16xf32>,
        %swap3A_392 = vector.shape_cast %swap3A_391 : vector<1x16xf32> to vector<16xf32>
        %swap3A_393 = vector.shape_cast %max3A_388 : vector<16xf32> to vector<1x16xf32>
        tpu.vector_store %arg10[%swap3A_389, %swap3A_390], %swap3A_393 {strides = array<i32>} : memref<128x64xf32, #tpu.memory_space<vmem>>, vector<1x16xf32>,
        %mul3A_394 = arith.constant 4 : i32
        %mul3A_395 = arith.muli %scan3A_186, %mul3A_394 : i32
        %add3A_396 = arith.constant 2 : i32
        %add3A_397 = arith.addi %mul3A_395, %add3A_396 : i32
        %get3A_398 = arith.index_cast %add3A_397 : i32 to index
        %get3A_399 = arith.constant 32 : index
        %get3A_400 = tpu.vector_load %arg10[%get3A_398, %get3A_399] {strides = array<i32>} : memref<128x64xf32, #tpu.memory_space<vmem>>, vector<1x16xf32>,
        %get3A_401 = vector.shape_cast %get3A_400 : vector<1x16xf32> to vector<16xf32>
        %get3A_402 = arith.index_cast %add3A_397 : i32 to index
        %get3A_403 = arith.constant 32 : index
        %get3A_404 = tpu.vector_load %arg12[%get3A_402, %get3A_403] {strides = array<i32>} : memref<128x64xf32, #tpu.memory_space<vmem>>, vector<1x16xf32>,
        %get3A_405 = vector.shape_cast %get3A_404 : vector<1x16xf32> to vector<16xf32>
        %add3A_406 = arith.addf %get3A_401, %get3A_405 : vector<16xf32>
        %max3A_407 = arith.constant 0.000000e+00 : f32
        %max3A_408 = vector.broadcast %max3A_407 : f32 to vector<16xf32>
        %max3A_409 = arith.maximumf %add3A_406, %max3A_408 : vector<16xf32>
        %swap3A_410 = arith.index_cast %add3A_397 : i32 to index
        %swap3A_411 = arith.constant 32 : index
        %swap3A_412 = tpu.vector_load %arg10[%swap3A_410, %swap3A_411] {strides = array<i32>} : memref<128x64xf32, #tpu.memory_space<vmem>>, vector<1x16xf32>,
        %swap3A_413 = vector.shape_cast %swap3A_412 : vector<1x16xf32> to vector<16xf32>
        %swap3A_414 = vector.shape_cast %max3A_409 : vector<16xf32> to vector<1x16xf32>
        tpu.vector_store %arg10[%swap3A_410, %swap3A_411], %swap3A_414 {strides = array<i32>} : memref<128x64xf32, #tpu.memory_space<vmem>>, vector<1x16xf32>,
        %mul3A_415 = arith.constant 4 : i32
        %mul3A_416 = arith.muli %scan3A_186, %mul3A_415 : i32
        %add3A_417 = arith.constant 2 : i32
        %add3A_418 = arith.addi %mul3A_416, %add3A_417 : i32
        %get3A_419 = arith.index_cast %add3A_418 : i32 to index
        %get3A_420 = arith.constant 48 : index
        %get3A_421 = tpu.vector_load %arg10[%get3A_419, %get3A_420] {strides = array<i32>} : memref<128x64xf32, #tpu.memory_space<vmem>>, vector<1x16xf32>,
        %get3A_422 = vector.shape_cast %get3A_421 : vector<1x16xf32> to vector<16xf32>
        %get3A_423 = arith.index_cast %add3A_418 : i32 to index
        %get3A_424 = arith.constant 48 : index
        %get3A_425 = tpu.vector_load %arg12[%get3A_423, %get3A_424] {strides = array<i32>} : memref<128x64xf32, #tpu.memory_space<vmem>>, vector<1x16xf32>,
        %get3A_426 = vector.shape_cast %get3A_425 : vector<1x16xf32> to vector<16xf32>
        %add3A_427 = arith.addf %get3A_422, %get3A_426 : vector<16xf32>
        %max3A_428 = arith.constant 0.000000e+00 : f32
        %max3A_429 = vector.broadcast %max3A_428 : f32 to vector<16xf32>
        %max3A_430 = arith.maximumf %add3A_427, %max3A_429 : vector<16xf32>
        %swap3A_431 = arith.index_cast %add3A_418 : i32 to index
        %swap3A_432 = arith.constant 48 : index
        %swap3A_433 = tpu.vector_load %arg10[%swap3A_431, %swap3A_432] {strides = array<i32>} : memref<128x64xf32, #tpu.memory_space<vmem>>, vector<1x16xf32>,
        %swap3A_434 = vector.shape_cast %swap3A_433 : vector<1x16xf32> to vector<16xf32>
        %swap3A_435 = vector.shape_cast %max3A_430 : vector<16xf32> to vector<1x16xf32>
        tpu.vector_store %arg10[%swap3A_431, %swap3A_432], %swap3A_435 {strides = array<i32>} : memref<128x64xf32, #tpu.memory_space<vmem>>, vector<1x16xf32>,
        %mul3A_436 = arith.constant 4 : i32
        %mul3A_437 = arith.muli %scan3A_186, %mul3A_436 : i32
        %add3A_438 = arith.constant 3 : i32
        %add3A_439 = arith.addi %mul3A_437, %add3A_438 : i32
        %get3A_440 = arith.index_cast %add3A_439 : i32 to index
        %get3A_441 = arith.constant 0 : index
        %get3A_442 = tpu.vector_load %arg10[%get3A_440, %get3A_441] {strides = array<i32>} : memref<128x64xf32, #tpu.memory_space<vmem>>, vector<1x16xf32>,
        %get3A_443 = vector.shape_cast %get3A_442 : vector<1x16xf32> to vector<16xf32>
        %get3A_444 = arith.index_cast %add3A_439 : i32 to index
        %get3A_445 = arith.constant 0 : index
        %get3A_446 = tpu.vector_load %arg12[%get3A_444, %get3A_445] {strides = array<i32>} : memref<128x64xf32, #tpu.memory_space<vmem>>, vector<1x16xf32>,
        %get3A_447 = vector.shape_cast %get3A_446 : vector<1x16xf32> to vector<16xf32>
        %add3A_448 = arith.addf %get3A_443, %get3A_447 : vector<16xf32>
        %max3A_449 = arith.constant 0.000000e+00 : f32
        %max3A_450 = vector.broadcast %max3A_449 : f32 to vector<16xf32>
        %max3A_451 = arith.maximumf %add3A_448, %max3A_450 : vector<16xf32>
        %swap3A_452 = arith.index_cast %add3A_439 : i32 to index
        %swap3A_453 = arith.constant 0 : index
        %swap3A_454 = tpu.vector_load %arg10[%swap3A_452, %swap3A_453] {strides = array<i32>} : memref<128x64xf32, #tpu.memory_space<vmem>>, vector<1x16xf32>,
        %swap3A_455 = vector.shape_cast %swap3A_454 : vector<1x16xf32> to vector<16xf32>
        %swap3A_456 = vector.shape_cast %max3A_451 : vector<16xf32> to vector<1x16xf32>
        tpu.vector_store %arg10[%swap3A_452, %swap3A_453], %swap3A_456 {strides = array<i32>} : memref<128x64xf32, #tpu.memory_space<vmem>>, vector<1x16xf32>,
        %mul3A_457 = arith.constant 4 : i32
        %mul3A_458 = arith.muli %scan3A_186, %mul3A_457 : i32
        %add3A_459 = arith.constant 3 : i32
        %add3A_460 = arith.addi %mul3A_458, %add3A_459 : i32
        %get3A_461 = arith.index_cast %add3A_460 : i32 to index
        %get3A_462 = arith.constant 16 : index
        %get3A_463 = tpu.vector_load %arg10[%get3A_461, %get3A_462] {strides = array<i32>} : memref<128x64xf32, #tpu.memory_space<vmem>>, vector<1x16xf32>,
        %get3A_464 = vector.shape_cast %get3A_463 : vector<1x16xf32> to vector<16xf32>
        %get3A_465 = arith.index_cast %add3A_460 : i32 to index
        %get3A_466 = arith.constant 16 : index
        %get3A_467 = tpu.vector_load %arg12[%get3A_465, %get3A_466] {strides = array<i32>} : memref<128x64xf32, #tpu.memory_space<vmem>>, vector<1x16xf32>,
        %get3A_468 = vector.shape_cast %get3A_467 : vector<1x16xf32> to vector<16xf32>
        %add3A_469 = arith.addf %get3A_464, %get3A_468 : vector<16xf32>
        %max3A_470 = arith.constant 0.000000e+00 : f32
        %max3A_471 = vector.broadcast %max3A_470 : f32 to vector<16xf32>
        %max3A_472 = arith.maximumf %add3A_469, %max3A_471 : vector<16xf32>
        %swap3A_473 = arith.index_cast %add3A_460 : i32 to index
        %swap3A_474 = arith.constant 16 : index
        %swap3A_475 = tpu.vector_load %arg10[%swap3A_473, %swap3A_474] {strides = array<i32>} : memref<128x64xf32, #tpu.memory_space<vmem>>, vector<1x16xf32>,
        %swap3A_476 = vector.shape_cast %swap3A_475 : vector<1x16xf32> to vector<16xf32>
        %swap3A_477 = vector.shape_cast %max3A_472 : vector<16xf32> to vector<1x16xf32>
        tpu.vector_store %arg10[%swap3A_473, %swap3A_474], %swap3A_477 {strides = array<i32>} : memref<128x64xf32, #tpu.memory_space<vmem>>, vector<1x16xf32>,
        %mul3A_478 = arith.constant 4 : i32
        %mul3A_479 = arith.muli %scan3A_186, %mul3A_478 : i32
        %add3A_480 = arith.constant 3 : i32
        %add3A_481 = arith.addi %mul3A_479, %add3A_480 : i32
        %get3A_482 = arith.index_cast %add3A_481 : i32 to index
        %get3A_483 = arith.constant 32 : index
        %get3A_484 = tpu.vector_load %arg10[%get3A_482, %get3A_483] {strides = array<i32>} : memref<128x64xf32, #tpu.memory_space<vmem>>, vector<1x16xf32>,
        %get3A_485 = vector.shape_cast %get3A_484 : vector<1x16xf32> to vector<16xf32>
        %get3A_486 = arith.index_cast %add3A_481 : i32 to index
        %get3A_487 = arith.constant 32 : index
        %get3A_488 = tpu.vector_load %arg12[%get3A_486, %get3A_487] {strides = array<i32>} : memref<128x64xf32, #tpu.memory_space<vmem>>, vector<1x16xf32>,
        %get3A_489 = vector.shape_cast %get3A_488 : vector<1x16xf32> to vector<16xf32>
        %add3A_490 = arith.addf %get3A_485, %get3A_489 : vector<16xf32>
        %max3A_491 = arith.constant 0.000000e+00 : f32
        %max3A_492 = vector.broadcast %max3A_491 : f32 to vector<16xf32>
        %max3A_493 = arith.maximumf %add3A_490, %max3A_492 : vector<16xf32>
        %swap3A_494 = arith.index_cast %add3A_481 : i32 to index
        %swap3A_495 = arith.constant 32 : index
        %swap3A_496 = tpu.vector_load %arg10[%swap3A_494, %swap3A_495] {strides = array<i32>} : memref<128x64xf32, #tpu.memory_space<vmem>>, vector<1x16xf32>,
        %swap3A_497 = vector.shape_cast %swap3A_496 : vector<1x16xf32> to vector<16xf32>
        %swap3A_498 = vector.shape_cast %max3A_493 : vector<16xf32> to vector<1x16xf32>
        tpu.vector_store %arg10[%swap3A_494, %swap3A_495], %swap3A_498 {strides = array<i32>} : memref<128x64xf32, #tpu.memory_space<vmem>>, vector<1x16xf32>,
        %mul3A_499 = arith.constant 4 : i32
        %mul3A_500 = arith.muli %scan3A_186, %mul3A_499 : i32
        %add3A_501 = arith.constant 3 : i32
        %add3A_502 = arith.addi %mul3A_500, %add3A_501 : i32
        %get3A_503 = arith.index_cast %add3A_502 : i32 to index
        %get3A_504 = arith.constant 48 : index
        %get3A_505 = tpu.vector_load %arg10[%get3A_503, %get3A_504] {strides = array<i32>} : memref<128x64xf32, #tpu.memory_space<vmem>>, vector<1x16xf32>,
        %get3A_506 = vector.shape_cast %get3A_505 : vector<1x16xf32> to vector<16xf32>
        %get3A_507 = arith.index_cast %add3A_502 : i32 to index
        %get3A_508 = arith.constant 48 : index
        %get3A_509 = tpu.vector_load %arg12[%get3A_507, %get3A_508] {strides = array<i32>} : memref<128x64xf32, #tpu.memory_space<vmem>>, vector<1x16xf32>,
        %get3A_510 = vector.shape_cast %get3A_509 : vector<1x16xf32> to vector<16xf32>
        %add3A_511 = arith.addf %get3A_506, %get3A_510 : vector<16xf32>
        %max3A_512 = arith.constant 0.000000e+00 : f32
        %max3A_513 = vector.broadcast %max3A_512 : f32 to vector<16xf32>
        %max3A_514 = arith.maximumf %add3A_511, %max3A_513 : vector<16xf32>
        %swap3A_515 = arith.index_cast %add3A_502 : i32 to index
        %swap3A_516 = arith.constant 48 : index
        %swap3A_517 = tpu.vector_load %arg10[%swap3A_515, %swap3A_516] {strides = array<i32>} : memref<128x64xf32, #tpu.memory_space<vmem>>, vector<1x16xf32>,
        %swap3A_518 = vector.shape_cast %swap3A_517 : vector<1x16xf32> to vector<16xf32>
        %swap3A_519 = vector.shape_cast %max3A_514 : vector<16xf32> to vector<1x16xf32>
        tpu.vector_store %arg10[%swap3A_515, %swap3A_516], %swap3A_519 {strides = array<i32>} : memref<128x64xf32, #tpu.memory_space<vmem>>, vector<1x16xf32>,
      }
      %scan3A_141 = arith.constant 32 : i32
      "tpu.region"() ({
        %run_scoped3A_186 = tpu.sem_alloc : memref<!tpu.dma_semaphore, #tpu.memory_space<semaphore_mem>>
        %dma_start3A_187 = arith.constant 0 : i32
        %dma_start3A_188 = tpu.memref_slice %arg9[%add3A_101, %dma_start3A_187] : memref<79x128xi32, #tpu.memory_space<vmem>> -> memref<1x128xi32, #tpu.memory_space<vmem>>
        %dma_start3A_189 = tpu.memref_squeeze %dma_start3A_188 : memref<1x128xi32, #tpu.memory_space<vmem>> -> memref<128xi32, #tpu.memory_space<vmem>>
        %dma_start3A_190 = arith.constant 0 : i32
        %dma_start3A_191 = arith.constant 0 : i32
        %dma_start3A_192 = tpu.memref_slice %arg14[%dma_start3A_190, %dma_start3A_191] : memref<10240x64xf32, #tpu.memory_space<vmem_shared>> -> memref<10240x64xf32, #tpu.memory_space<vmem_shared>>
        tpu.enqueue_indirect_dma source(%arg10 : memref<128x64xf32, #tpu.memory_space<vmem>>) target(%dma_start3A_192 : memref<10240x64xf32, #tpu.memory_space<vmem_shared>>) offsets(%dma_start3A_189 : memref<128xi32, #tpu.memory_space<vmem>>) semaphore(%run_scoped3A_186 : memref<!tpu.dma_semaphore, #tpu.memory_space<semaphore_mem>>) {add = true}
        %dma_wait3A_193 = arith.constant 0 : i32
        %dma_wait3A_194 = tpu.memref_slice %arg9[%add3A_101, %dma_wait3A_193] : memref<79x128xi32, #tpu.memory_space<vmem>> -> memref<1x128xi32, #tpu.memory_space<vmem>>
        %dma_wait3A_195 = tpu.memref_squeeze %dma_wait3A_194 : memref<1x128xi32, #tpu.memory_space<vmem>> -> memref<128xi32, #tpu.memory_space<vmem>>
        %dma_wait3A_196 = arith.constant 0 : i32
        %dma_wait3A_197 = arith.constant 0 : i32
        %dma_wait3A_198 = tpu.memref_slice %arg14[%dma_wait3A_196, %dma_wait3A_197] : memref<10240x64xf32, #tpu.memory_space<vmem_shared>> -> memref<10240x64xf32, #tpu.memory_space<vmem_shared>>
        tpu.wait_indirect_dma semaphore(%run_scoped3A_186 : memref<!tpu.dma_semaphore, #tpu.memory_space<semaphore_mem>>) src(%arg10 : memref<128x64xf32, #tpu.memory_space<vmem>>) dst(%dma_wait3A_198 : memref<10240x64xf32, #tpu.memory_space<vmem_shared>>)
        tpu.yield
      }) : () -> ()
      %mul3A_142 = arith.constant 2 : i32
      %mul3A_143 = arith.muli %scan3A_97, %mul3A_142 : i32
      %add3A_144 = arith.constant 1 : i32
      %add3A_145 = arith.addi %mul3A_143, %add3A_144 : i32
      %add3A_146 = arith.constant 1 : i32
      %add3A_147 = arith.addi %add3A_145, %add3A_146 : i32
      %dma_start3A_148 = arith.constant 0 : i32
      %dma_start3A_149 = tpu.memref_slice %arg8[%add3A_147, %dma_start3A_148] : memref<79x128xi32, #tpu.memory_space<vmem>> -> memref<1x128xi32, #tpu.memory_space<vmem>>
      %dma_start3A_150 = tpu.memref_squeeze %dma_start3A_149 : memref<1x128xi32, #tpu.memory_space<vmem>> -> memref<128xi32, #tpu.memory_space<vmem>>
      %dma_start3A_151 = arith.constant 0 : i32
      %dma_start3A_152 = arith.constant 0 : i32
      %dma_start3A_153 = tpu.memref_slice %arg2[%dma_start3A_151, %dma_start3A_152] : memref<10000x64xf32, #tpu.memory_space<hbm>> -> memref<10000x64xf32, #tpu.memory_space<hbm>>
      tpu.enqueue_indirect_dma source(%dma_start3A_153 : memref<10000x64xf32, #tpu.memory_space<hbm>>) target(%arg10 : memref<128x64xf32, #tpu.memory_space<vmem>>) offsets(%dma_start3A_150 : memref<128xi32, #tpu.memory_space<vmem>>) semaphore(%arg15 : memref<!tpu.dma_semaphore, #tpu.memory_space<semaphore_mem>>)
      %min3A_154 = arith.constant 77 : i32
      %min3A_155 = arith.minsi %add3A_147, %min3A_154 : i32
      %select_n3A_156 = arith.select %lt3A_1, %add3A_147, %min3A_155 : i32
      %add3A_157 = arith.addi %add3A_5, %select_n3A_156 : i32
      %mul3A_158 = arith.constant 128 : i32
      %mul3A_159 = arith.muli %add3A_157, %mul3A_158 : i32
      %dma_start3A_160 = arith.constant 0 : i32
      %dma_start3A_161 = tpu.memref_slice %arg3[%mul3A_159, %dma_start3A_160] : memref<320000x64xf32, #tpu.memory_space<hbm>> -> memref<128x64xf32, #tpu.memory_space<hbm>>
      %dma_start3A_162 = arith.constant 0 : i32
      %dma_start3A_163 = tpu.memref_slice %arg3[%mul3A_159, %dma_start3A_162] : memref<320000x64xf32, #tpu.memory_space<hbm>> -> memref<128x64xf32, #tpu.memory_space<hbm>>
      tpu.enqueue_dma source(%dma_start3A_163 : memref<128x64xf32, #tpu.memory_space<hbm>>) target(%arg12 : memref<128x64xf32, #tpu.memory_space<vmem>>) target_semaphore(%arg17 : memref<!tpu.dma_semaphore, #tpu.memory_space<semaphore_mem>>)
      %dma_wait3A_164 = arith.constant 0 : i32
      %dma_wait3A_165 = tpu.memref_slice %arg8[%add3A_145, %dma_wait3A_164] : memref<79x128xi32, #tpu.memory_space<vmem>> -> memref<1x128xi32, #tpu.memory_space<vmem>>
      %dma_wait3A_166 = tpu.memref_squeeze %dma_wait3A_165 : memref<1x128xi32, #tpu.memory_space<vmem>> -> memref<128xi32, #tpu.memory_space<vmem>>
      %dma_wait3A_167 = arith.constant 0 : i32
      %dma_wait3A_168 = arith.constant 0 : i32
      %dma_wait3A_169 = tpu.memref_slice %arg2[%dma_wait3A_167, %dma_wait3A_168] : memref<10000x64xf32, #tpu.memory_space<hbm>> -> memref<10000x64xf32, #tpu.memory_space<hbm>>
      tpu.wait_indirect_dma semaphore(%arg16 : memref<!tpu.dma_semaphore, #tpu.memory_space<semaphore_mem>>) src(%dma_wait3A_169 : memref<10000x64xf32, #tpu.memory_space<hbm>>) dst(%arg11 : memref<128x64xf32, #tpu.memory_space<vmem>>)
      %min3A_170 = arith.constant 77 : i32
      %min3A_171 = arith.minsi %add3A_145, %min3A_170 : i32
      %select_n3A_172 = arith.select %lt3A_1, %add3A_145, %min3A_171 : i32
      %add3A_173 = arith.addi %add3A_5, %select_n3A_172 : i32
      %mul3A_174 = arith.constant 128 : i32
      %mul3A_175 = arith.muli %add3A_173, %mul3A_174 : i32
      %dma_wait3A_176 = arith.constant 0 : i32
      %dma_wait3A_177 = tpu.memref_slice %arg3[%mul3A_175, %dma_wait3A_176] : memref<320000x64xf32, #tpu.memory_space<hbm>> -> memref<128x64xf32, #tpu.memory_space<hbm>>
      %dma_wait3A_178 = arith.constant 0 : i32
      %dma_wait3A_179 = tpu.memref_slice %arg3[%mul3A_175, %dma_wait3A_178] : memref<320000x64xf32, #tpu.memory_space<hbm>> -> memref<128x64xf32, #tpu.memory_space<hbm>>
      tpu.wait_dma2 semaphore(%arg18 : memref<!tpu.dma_semaphore, #tpu.memory_space<semaphore_mem>>) src(%dma_wait3A_179 : memref<128x64xf32, #tpu.memory_space<hbm>>) dst(%arg13 : memref<128x64xf32, #tpu.memory_space<vmem>>)
      %scan3A_180 = arith.constant 0 : i32
      %scan3A_181 = arith.constant 0 : i32
      %scan3A_182 = arith.constant 32 : i32
      %scan3A_183 = arith.addi %scan3A_181, %scan3A_182 : i32
      %scan3A_184 = arith.constant 1 : i32
      scf.for %scan3A_186 = %scan3A_181 to %scan3A_183 step %scan3A_184  : i32 {
        %mul3A_187 = arith.constant 4 : i32
        %mul3A_188 = arith.muli %scan3A_186, %mul3A_187 : i32
        %add3A_189 = arith.constant 0 : i32
        %add3A_190 = arith.addi %mul3A_188, %add3A_189 : i32
        %get3A = arith.index_cast %add3A_190 : i32 to index
        %get3A_191 = arith.constant 0 : index
        %get3A_192 = tpu.vector_load %arg11[%get3A, %get3A_191] {strides = array<i32>} : memref<128x64xf32, #tpu.memory_space<vmem>>, vector<1x16xf32>,
        %get3A_193 = vector.shape_cast %get3A_192 : vector<1x16xf32> to vector<16xf32>
        %get3A_194 = arith.index_cast %add3A_190 : i32 to index
        %get3A_195 = arith.constant 0 : index
        %get3A_196 = tpu.vector_load %arg13[%get3A_194, %get3A_195] {strides = array<i32>} : memref<128x64xf32, #tpu.memory_space<vmem>>, vector<1x16xf32>,
        %get3A_197 = vector.shape_cast %get3A_196 : vector<1x16xf32> to vector<16xf32>
        %add3A_198 = arith.addf %get3A_193, %get3A_197 : vector<16xf32>
        %max3A = arith.constant 0.000000e+00 : f32
        %max3A_199 = vector.broadcast %max3A : f32 to vector<16xf32>
        %max3A_200 = arith.maximumf %add3A_198, %max3A_199 : vector<16xf32>
        %swap3A = arith.index_cast %add3A_190 : i32 to index
        %swap3A_201 = arith.constant 0 : index
        %swap3A_202 = tpu.vector_load %arg11[%swap3A, %swap3A_201] {strides = array<i32>} : memref<128x64xf32, #tpu.memory_space<vmem>>, vector<1x16xf32>,
        %swap3A_203 = vector.shape_cast %swap3A_202 : vector<1x16xf32> to vector<16xf32>
        %swap3A_204 = vector.shape_cast %max3A_200 : vector<16xf32> to vector<1x16xf32>
        tpu.vector_store %arg11[%swap3A, %swap3A_201], %swap3A_204 {strides = array<i32>} : memref<128x64xf32, #tpu.memory_space<vmem>>, vector<1x16xf32>,
        %mul3A_205 = arith.constant 4 : i32
        %mul3A_206 = arith.muli %scan3A_186, %mul3A_205 : i32
        %add3A_207 = arith.constant 0 : i32
        %add3A_208 = arith.addi %mul3A_206, %add3A_207 : i32
        %get3A_209 = arith.index_cast %add3A_208 : i32 to index
        %get3A_210 = arith.constant 16 : index
        %get3A_211 = tpu.vector_load %arg11[%get3A_209, %get3A_210] {strides = array<i32>} : memref<128x64xf32, #tpu.memory_space<vmem>>, vector<1x16xf32>,
        %get3A_212 = vector.shape_cast %get3A_211 : vector<1x16xf32> to vector<16xf32>
        %get3A_213 = arith.index_cast %add3A_208 : i32 to index
        %get3A_214 = arith.constant 16 : index
        %get3A_215 = tpu.vector_load %arg13[%get3A_213, %get3A_214] {strides = array<i32>} : memref<128x64xf32, #tpu.memory_space<vmem>>, vector<1x16xf32>,
        %get3A_216 = vector.shape_cast %get3A_215 : vector<1x16xf32> to vector<16xf32>
        %add3A_217 = arith.addf %get3A_212, %get3A_216 : vector<16xf32>
        %max3A_218 = arith.constant 0.000000e+00 : f32
        %max3A_219 = vector.broadcast %max3A_218 : f32 to vector<16xf32>
        %max3A_220 = arith.maximumf %add3A_217, %max3A_219 : vector<16xf32>
        %swap3A_221 = arith.index_cast %add3A_208 : i32 to index
        %swap3A_222 = arith.constant 16 : index
        %swap3A_223 = tpu.vector_load %arg11[%swap3A_221, %swap3A_222] {strides = array<i32>} : memref<128x64xf32, #tpu.memory_space<vmem>>, vector<1x16xf32>,
        %swap3A_224 = vector.shape_cast %swap3A_223 : vector<1x16xf32> to vector<16xf32>
        %swap3A_225 = vector.shape_cast %max3A_220 : vector<16xf32> to vector<1x16xf32>
        tpu.vector_store %arg11[%swap3A_221, %swap3A_222], %swap3A_225 {strides = array<i32>} : memref<128x64xf32, #tpu.memory_space<vmem>>, vector<1x16xf32>,
        %mul3A_226 = arith.constant 4 : i32
        %mul3A_227 = arith.muli %scan3A_186, %mul3A_226 : i32
        %add3A_228 = arith.constant 0 : i32
        %add3A_229 = arith.addi %mul3A_227, %add3A_228 : i32
        %get3A_230 = arith.index_cast %add3A_229 : i32 to index
        %get3A_231 = arith.constant 32 : index
        %get3A_232 = tpu.vector_load %arg11[%get3A_230, %get3A_231] {strides = array<i32>} : memref<128x64xf32, #tpu.memory_space<vmem>>, vector<1x16xf32>,
        %get3A_233 = vector.shape_cast %get3A_232 : vector<1x16xf32> to vector<16xf32>
        %get3A_234 = arith.index_cast %add3A_229 : i32 to index
        %get3A_235 = arith.constant 32 : index
        %get3A_236 = tpu.vector_load %arg13[%get3A_234, %get3A_235] {strides = array<i32>} : memref<128x64xf32, #tpu.memory_space<vmem>>, vector<1x16xf32>,
        %get3A_237 = vector.shape_cast %get3A_236 : vector<1x16xf32> to vector<16xf32>
        %add3A_238 = arith.addf %get3A_233, %get3A_237 : vector<16xf32>
        %max3A_239 = arith.constant 0.000000e+00 : f32
        %max3A_240 = vector.broadcast %max3A_239 : f32 to vector<16xf32>
        %max3A_241 = arith.maximumf %add3A_238, %max3A_240 : vector<16xf32>
        %swap3A_242 = arith.index_cast %add3A_229 : i32 to index
        %swap3A_243 = arith.constant 32 : index
        %swap3A_244 = tpu.vector_load %arg11[%swap3A_242, %swap3A_243] {strides = array<i32>} : memref<128x64xf32, #tpu.memory_space<vmem>>, vector<1x16xf32>,
        %swap3A_245 = vector.shape_cast %swap3A_244 : vector<1x16xf32> to vector<16xf32>
        %swap3A_246 = vector.shape_cast %max3A_241 : vector<16xf32> to vector<1x16xf32>
        tpu.vector_store %arg11[%swap3A_242, %swap3A_243], %swap3A_246 {strides = array<i32>} : memref<128x64xf32, #tpu.memory_space<vmem>>, vector<1x16xf32>,
        %mul3A_247 = arith.constant 4 : i32
        %mul3A_248 = arith.muli %scan3A_186, %mul3A_247 : i32
        %add3A_249 = arith.constant 0 : i32
        %add3A_250 = arith.addi %mul3A_248, %add3A_249 : i32
        %get3A_251 = arith.index_cast %add3A_250 : i32 to index
        %get3A_252 = arith.constant 48 : index
        %get3A_253 = tpu.vector_load %arg11[%get3A_251, %get3A_252] {strides = array<i32>} : memref<128x64xf32, #tpu.memory_space<vmem>>, vector<1x16xf32>,
        %get3A_254 = vector.shape_cast %get3A_253 : vector<1x16xf32> to vector<16xf32>
        %get3A_255 = arith.index_cast %add3A_250 : i32 to index
        %get3A_256 = arith.constant 48 : index
        %get3A_257 = tpu.vector_load %arg13[%get3A_255, %get3A_256] {strides = array<i32>} : memref<128x64xf32, #tpu.memory_space<vmem>>, vector<1x16xf32>,
        %get3A_258 = vector.shape_cast %get3A_257 : vector<1x16xf32> to vector<16xf32>
        %add3A_259 = arith.addf %get3A_254, %get3A_258 : vector<16xf32>
        %max3A_260 = arith.constant 0.000000e+00 : f32
        %max3A_261 = vector.broadcast %max3A_260 : f32 to vector<16xf32>
        %max3A_262 = arith.maximumf %add3A_259, %max3A_261 : vector<16xf32>
        %swap3A_263 = arith.index_cast %add3A_250 : i32 to index
        %swap3A_264 = arith.constant 48 : index
        %swap3A_265 = tpu.vector_load %arg11[%swap3A_263, %swap3A_264] {strides = array<i32>} : memref<128x64xf32, #tpu.memory_space<vmem>>, vector<1x16xf32>,
        %swap3A_266 = vector.shape_cast %swap3A_265 : vector<1x16xf32> to vector<16xf32>
        %swap3A_267 = vector.shape_cast %max3A_262 : vector<16xf32> to vector<1x16xf32>
        tpu.vector_store %arg11[%swap3A_263, %swap3A_264], %swap3A_267 {strides = array<i32>} : memref<128x64xf32, #tpu.memory_space<vmem>>, vector<1x16xf32>,
        %mul3A_268 = arith.constant 4 : i32
        %mul3A_269 = arith.muli %scan3A_186, %mul3A_268 : i32
        %add3A_270 = arith.constant 1 : i32
        %add3A_271 = arith.addi %mul3A_269, %add3A_270 : i32
        %get3A_272 = arith.index_cast %add3A_271 : i32 to index
        %get3A_273 = arith.constant 0 : index
        %get3A_274 = tpu.vector_load %arg11[%get3A_272, %get3A_273] {strides = array<i32>} : memref<128x64xf32, #tpu.memory_space<vmem>>, vector<1x16xf32>,
        %get3A_275 = vector.shape_cast %get3A_274 : vector<1x16xf32> to vector<16xf32>
        %get3A_276 = arith.index_cast %add3A_271 : i32 to index
        %get3A_277 = arith.constant 0 : index
        %get3A_278 = tpu.vector_load %arg13[%get3A_276, %get3A_277] {strides = array<i32>} : memref<128x64xf32, #tpu.memory_space<vmem>>, vector<1x16xf32>,
        %get3A_279 = vector.shape_cast %get3A_278 : vector<1x16xf32> to vector<16xf32>
        %add3A_280 = arith.addf %get3A_275, %get3A_279 : vector<16xf32>
        %max3A_281 = arith.constant 0.000000e+00 : f32
        %max3A_282 = vector.broadcast %max3A_281 : f32 to vector<16xf32>
        %max3A_283 = arith.maximumf %add3A_280, %max3A_282 : vector<16xf32>
        %swap3A_284 = arith.index_cast %add3A_271 : i32 to index
        %swap3A_285 = arith.constant 0 : index
        %swap3A_286 = tpu.vector_load %arg11[%swap3A_284, %swap3A_285] {strides = array<i32>} : memref<128x64xf32, #tpu.memory_space<vmem>>, vector<1x16xf32>,
        %swap3A_287 = vector.shape_cast %swap3A_286 : vector<1x16xf32> to vector<16xf32>
        %swap3A_288 = vector.shape_cast %max3A_283 : vector<16xf32> to vector<1x16xf32>
        tpu.vector_store %arg11[%swap3A_284, %swap3A_285], %swap3A_288 {strides = array<i32>} : memref<128x64xf32, #tpu.memory_space<vmem>>, vector<1x16xf32>,
        %mul3A_289 = arith.constant 4 : i32
        %mul3A_290 = arith.muli %scan3A_186, %mul3A_289 : i32
        %add3A_291 = arith.constant 1 : i32
        %add3A_292 = arith.addi %mul3A_290, %add3A_291 : i32
        %get3A_293 = arith.index_cast %add3A_292 : i32 to index
        %get3A_294 = arith.constant 16 : index
        %get3A_295 = tpu.vector_load %arg11[%get3A_293, %get3A_294] {strides = array<i32>} : memref<128x64xf32, #tpu.memory_space<vmem>>, vector<1x16xf32>,
        %get3A_296 = vector.shape_cast %get3A_295 : vector<1x16xf32> to vector<16xf32>
        %get3A_297 = arith.index_cast %add3A_292 : i32 to index
        %get3A_298 = arith.constant 16 : index
        %get3A_299 = tpu.vector_load %arg13[%get3A_297, %get3A_298] {strides = array<i32>} : memref<128x64xf32, #tpu.memory_space<vmem>>, vector<1x16xf32>,
        %get3A_300 = vector.shape_cast %get3A_299 : vector<1x16xf32> to vector<16xf32>
        %add3A_301 = arith.addf %get3A_296, %get3A_300 : vector<16xf32>
        %max3A_302 = arith.constant 0.000000e+00 : f32
        %max3A_303 = vector.broadcast %max3A_302 : f32 to vector<16xf32>
        %max3A_304 = arith.maximumf %add3A_301, %max3A_303 : vector<16xf32>
        %swap3A_305 = arith.index_cast %add3A_292 : i32 to index
        %swap3A_306 = arith.constant 16 : index
        %swap3A_307 = tpu.vector_load %arg11[%swap3A_305, %swap3A_306] {strides = array<i32>} : memref<128x64xf32, #tpu.memory_space<vmem>>, vector<1x16xf32>,
        %swap3A_308 = vector.shape_cast %swap3A_307 : vector<1x16xf32> to vector<16xf32>
        %swap3A_309 = vector.shape_cast %max3A_304 : vector<16xf32> to vector<1x16xf32>
        tpu.vector_store %arg11[%swap3A_305, %swap3A_306], %swap3A_309 {strides = array<i32>} : memref<128x64xf32, #tpu.memory_space<vmem>>, vector<1x16xf32>,
        %mul3A_310 = arith.constant 4 : i32
        %mul3A_311 = arith.muli %scan3A_186, %mul3A_310 : i32
        %add3A_312 = arith.constant 1 : i32
        %add3A_313 = arith.addi %mul3A_311, %add3A_312 : i32
        %get3A_314 = arith.index_cast %add3A_313 : i32 to index
        %get3A_315 = arith.constant 32 : index
        %get3A_316 = tpu.vector_load %arg11[%get3A_314, %get3A_315] {strides = array<i32>} : memref<128x64xf32, #tpu.memory_space<vmem>>, vector<1x16xf32>,
        %get3A_317 = vector.shape_cast %get3A_316 : vector<1x16xf32> to vector<16xf32>
        %get3A_318 = arith.index_cast %add3A_313 : i32 to index
        %get3A_319 = arith.constant 32 : index
        %get3A_320 = tpu.vector_load %arg13[%get3A_318, %get3A_319] {strides = array<i32>} : memref<128x64xf32, #tpu.memory_space<vmem>>, vector<1x16xf32>,
        %get3A_321 = vector.shape_cast %get3A_320 : vector<1x16xf32> to vector<16xf32>
        %add3A_322 = arith.addf %get3A_317, %get3A_321 : vector<16xf32>
        %max3A_323 = arith.constant 0.000000e+00 : f32
        %max3A_324 = vector.broadcast %max3A_323 : f32 to vector<16xf32>
        %max3A_325 = arith.maximumf %add3A_322, %max3A_324 : vector<16xf32>
        %swap3A_326 = arith.index_cast %add3A_313 : i32 to index
        %swap3A_327 = arith.constant 32 : index
        %swap3A_328 = tpu.vector_load %arg11[%swap3A_326, %swap3A_327] {strides = array<i32>} : memref<128x64xf32, #tpu.memory_space<vmem>>, vector<1x16xf32>,
        %swap3A_329 = vector.shape_cast %swap3A_328 : vector<1x16xf32> to vector<16xf32>
        %swap3A_330 = vector.shape_cast %max3A_325 : vector<16xf32> to vector<1x16xf32>
        tpu.vector_store %arg11[%swap3A_326, %swap3A_327], %swap3A_330 {strides = array<i32>} : memref<128x64xf32, #tpu.memory_space<vmem>>, vector<1x16xf32>,
        %mul3A_331 = arith.constant 4 : i32
        %mul3A_332 = arith.muli %scan3A_186, %mul3A_331 : i32
        %add3A_333 = arith.constant 1 : i32
        %add3A_334 = arith.addi %mul3A_332, %add3A_333 : i32
        %get3A_335 = arith.index_cast %add3A_334 : i32 to index
        %get3A_336 = arith.constant 48 : index
        %get3A_337 = tpu.vector_load %arg11[%get3A_335, %get3A_336] {strides = array<i32>} : memref<128x64xf32, #tpu.memory_space<vmem>>, vector<1x16xf32>,
        %get3A_338 = vector.shape_cast %get3A_337 : vector<1x16xf32> to vector<16xf32>
        %get3A_339 = arith.index_cast %add3A_334 : i32 to index
        %get3A_340 = arith.constant 48 : index
        %get3A_341 = tpu.vector_load %arg13[%get3A_339, %get3A_340] {strides = array<i32>} : memref<128x64xf32, #tpu.memory_space<vmem>>, vector<1x16xf32>,
        %get3A_342 = vector.shape_cast %get3A_341 : vector<1x16xf32> to vector<16xf32>
        %add3A_343 = arith.addf %get3A_338, %get3A_342 : vector<16xf32>
        %max3A_344 = arith.constant 0.000000e+00 : f32
        %max3A_345 = vector.broadcast %max3A_344 : f32 to vector<16xf32>
        %max3A_346 = arith.maximumf %add3A_343, %max3A_345 : vector<16xf32>
        %swap3A_347 = arith.index_cast %add3A_334 : i32 to index
        %swap3A_348 = arith.constant 48 : index
        %swap3A_349 = tpu.vector_load %arg11[%swap3A_347, %swap3A_348] {strides = array<i32>} : memref<128x64xf32, #tpu.memory_space<vmem>>, vector<1x16xf32>,
        %swap3A_350 = vector.shape_cast %swap3A_349 : vector<1x16xf32> to vector<16xf32>
        %swap3A_351 = vector.shape_cast %max3A_346 : vector<16xf32> to vector<1x16xf32>
        tpu.vector_store %arg11[%swap3A_347, %swap3A_348], %swap3A_351 {strides = array<i32>} : memref<128x64xf32, #tpu.memory_space<vmem>>, vector<1x16xf32>,
        %mul3A_352 = arith.constant 4 : i32
        %mul3A_353 = arith.muli %scan3A_186, %mul3A_352 : i32
        %add3A_354 = arith.constant 2 : i32
        %add3A_355 = arith.addi %mul3A_353, %add3A_354 : i32
        %get3A_356 = arith.index_cast %add3A_355 : i32 to index
        %get3A_357 = arith.constant 0 : index
        %get3A_358 = tpu.vector_load %arg11[%get3A_356, %get3A_357] {strides = array<i32>} : memref<128x64xf32, #tpu.memory_space<vmem>>, vector<1x16xf32>,
        %get3A_359 = vector.shape_cast %get3A_358 : vector<1x16xf32> to vector<16xf32>
        %get3A_360 = arith.index_cast %add3A_355 : i32 to index
        %get3A_361 = arith.constant 0 : index
        %get3A_362 = tpu.vector_load %arg13[%get3A_360, %get3A_361] {strides = array<i32>} : memref<128x64xf32, #tpu.memory_space<vmem>>, vector<1x16xf32>,
        %get3A_363 = vector.shape_cast %get3A_362 : vector<1x16xf32> to vector<16xf32>
        %add3A_364 = arith.addf %get3A_359, %get3A_363 : vector<16xf32>
        %max3A_365 = arith.constant 0.000000e+00 : f32
        %max3A_366 = vector.broadcast %max3A_365 : f32 to vector<16xf32>
        %max3A_367 = arith.maximumf %add3A_364, %max3A_366 : vector<16xf32>
        %swap3A_368 = arith.index_cast %add3A_355 : i32 to index
        %swap3A_369 = arith.constant 0 : index
        %swap3A_370 = tpu.vector_load %arg11[%swap3A_368, %swap3A_369] {strides = array<i32>} : memref<128x64xf32, #tpu.memory_space<vmem>>, vector<1x16xf32>,
        %swap3A_371 = vector.shape_cast %swap3A_370 : vector<1x16xf32> to vector<16xf32>
        %swap3A_372 = vector.shape_cast %max3A_367 : vector<16xf32> to vector<1x16xf32>
        tpu.vector_store %arg11[%swap3A_368, %swap3A_369], %swap3A_372 {strides = array<i32>} : memref<128x64xf32, #tpu.memory_space<vmem>>, vector<1x16xf32>,
        %mul3A_373 = arith.constant 4 : i32
        %mul3A_374 = arith.muli %scan3A_186, %mul3A_373 : i32
        %add3A_375 = arith.constant 2 : i32
        %add3A_376 = arith.addi %mul3A_374, %add3A_375 : i32
        %get3A_377 = arith.index_cast %add3A_376 : i32 to index
        %get3A_378 = arith.constant 16 : index
        %get3A_379 = tpu.vector_load %arg11[%get3A_377, %get3A_378] {strides = array<i32>} : memref<128x64xf32, #tpu.memory_space<vmem>>, vector<1x16xf32>,
        %get3A_380 = vector.shape_cast %get3A_379 : vector<1x16xf32> to vector<16xf32>
        %get3A_381 = arith.index_cast %add3A_376 : i32 to index
        %get3A_382 = arith.constant 16 : index
        %get3A_383 = tpu.vector_load %arg13[%get3A_381, %get3A_382] {strides = array<i32>} : memref<128x64xf32, #tpu.memory_space<vmem>>, vector<1x16xf32>,
        %get3A_384 = vector.shape_cast %get3A_383 : vector<1x16xf32> to vector<16xf32>
        %add3A_385 = arith.addf %get3A_380, %get3A_384 : vector<16xf32>
        %max3A_386 = arith.constant 0.000000e+00 : f32
        %max3A_387 = vector.broadcast %max3A_386 : f32 to vector<16xf32>
        %max3A_388 = arith.maximumf %add3A_385, %max3A_387 : vector<16xf32>
        %swap3A_389 = arith.index_cast %add3A_376 : i32 to index
        %swap3A_390 = arith.constant 16 : index
        %swap3A_391 = tpu.vector_load %arg11[%swap3A_389, %swap3A_390] {strides = array<i32>} : memref<128x64xf32, #tpu.memory_space<vmem>>, vector<1x16xf32>,
        %swap3A_392 = vector.shape_cast %swap3A_391 : vector<1x16xf32> to vector<16xf32>
        %swap3A_393 = vector.shape_cast %max3A_388 : vector<16xf32> to vector<1x16xf32>
        tpu.vector_store %arg11[%swap3A_389, %swap3A_390], %swap3A_393 {strides = array<i32>} : memref<128x64xf32, #tpu.memory_space<vmem>>, vector<1x16xf32>,
        %mul3A_394 = arith.constant 4 : i32
        %mul3A_395 = arith.muli %scan3A_186, %mul3A_394 : i32
        %add3A_396 = arith.constant 2 : i32
        %add3A_397 = arith.addi %mul3A_395, %add3A_396 : i32
        %get3A_398 = arith.index_cast %add3A_397 : i32 to index
        %get3A_399 = arith.constant 32 : index
        %get3A_400 = tpu.vector_load %arg11[%get3A_398, %get3A_399] {strides = array<i32>} : memref<128x64xf32, #tpu.memory_space<vmem>>, vector<1x16xf32>,
        %get3A_401 = vector.shape_cast %get3A_400 : vector<1x16xf32> to vector<16xf32>
        %get3A_402 = arith.index_cast %add3A_397 : i32 to index
        %get3A_403 = arith.constant 32 : index
        %get3A_404 = tpu.vector_load %arg13[%get3A_402, %get3A_403] {strides = array<i32>} : memref<128x64xf32, #tpu.memory_space<vmem>>, vector<1x16xf32>,
        %get3A_405 = vector.shape_cast %get3A_404 : vector<1x16xf32> to vector<16xf32>
        %add3A_406 = arith.addf %get3A_401, %get3A_405 : vector<16xf32>
        %max3A_407 = arith.constant 0.000000e+00 : f32
        %max3A_408 = vector.broadcast %max3A_407 : f32 to vector<16xf32>
        %max3A_409 = arith.maximumf %add3A_406, %max3A_408 : vector<16xf32>
        %swap3A_410 = arith.index_cast %add3A_397 : i32 to index
        %swap3A_411 = arith.constant 32 : index
        %swap3A_412 = tpu.vector_load %arg11[%swap3A_410, %swap3A_411] {strides = array<i32>} : memref<128x64xf32, #tpu.memory_space<vmem>>, vector<1x16xf32>,
        %swap3A_413 = vector.shape_cast %swap3A_412 : vector<1x16xf32> to vector<16xf32>
        %swap3A_414 = vector.shape_cast %max3A_409 : vector<16xf32> to vector<1x16xf32>
        tpu.vector_store %arg11[%swap3A_410, %swap3A_411], %swap3A_414 {strides = array<i32>} : memref<128x64xf32, #tpu.memory_space<vmem>>, vector<1x16xf32>,
        %mul3A_415 = arith.constant 4 : i32
        %mul3A_416 = arith.muli %scan3A_186, %mul3A_415 : i32
        %add3A_417 = arith.constant 2 : i32
        %add3A_418 = arith.addi %mul3A_416, %add3A_417 : i32
        %get3A_419 = arith.index_cast %add3A_418 : i32 to index
        %get3A_420 = arith.constant 48 : index
        %get3A_421 = tpu.vector_load %arg11[%get3A_419, %get3A_420] {strides = array<i32>} : memref<128x64xf32, #tpu.memory_space<vmem>>, vector<1x16xf32>,
        %get3A_422 = vector.shape_cast %get3A_421 : vector<1x16xf32> to vector<16xf32>
        %get3A_423 = arith.index_cast %add3A_418 : i32 to index
        %get3A_424 = arith.constant 48 : index
        %get3A_425 = tpu.vector_load %arg13[%get3A_423, %get3A_424] {strides = array<i32>} : memref<128x64xf32, #tpu.memory_space<vmem>>, vector<1x16xf32>,
        %get3A_426 = vector.shape_cast %get3A_425 : vector<1x16xf32> to vector<16xf32>
        %add3A_427 = arith.addf %get3A_422, %get3A_426 : vector<16xf32>
        %max3A_428 = arith.constant 0.000000e+00 : f32
        %max3A_429 = vector.broadcast %max3A_428 : f32 to vector<16xf32>
        %max3A_430 = arith.maximumf %add3A_427, %max3A_429 : vector<16xf32>
        %swap3A_431 = arith.index_cast %add3A_418 : i32 to index
        %swap3A_432 = arith.constant 48 : index
        %swap3A_433 = tpu.vector_load %arg11[%swap3A_431, %swap3A_432] {strides = array<i32>} : memref<128x64xf32, #tpu.memory_space<vmem>>, vector<1x16xf32>,
        %swap3A_434 = vector.shape_cast %swap3A_433 : vector<1x16xf32> to vector<16xf32>
        %swap3A_435 = vector.shape_cast %max3A_430 : vector<16xf32> to vector<1x16xf32>
        tpu.vector_store %arg11[%swap3A_431, %swap3A_432], %swap3A_435 {strides = array<i32>} : memref<128x64xf32, #tpu.memory_space<vmem>>, vector<1x16xf32>,
        %mul3A_436 = arith.constant 4 : i32
        %mul3A_437 = arith.muli %scan3A_186, %mul3A_436 : i32
        %add3A_438 = arith.constant 3 : i32
        %add3A_439 = arith.addi %mul3A_437, %add3A_438 : i32
        %get3A_440 = arith.index_cast %add3A_439 : i32 to index
        %get3A_441 = arith.constant 0 : index
        %get3A_442 = tpu.vector_load %arg11[%get3A_440, %get3A_441] {strides = array<i32>} : memref<128x64xf32, #tpu.memory_space<vmem>>, vector<1x16xf32>,
        %get3A_443 = vector.shape_cast %get3A_442 : vector<1x16xf32> to vector<16xf32>
        %get3A_444 = arith.index_cast %add3A_439 : i32 to index
        %get3A_445 = arith.constant 0 : index
        %get3A_446 = tpu.vector_load %arg13[%get3A_444, %get3A_445] {strides = array<i32>} : memref<128x64xf32, #tpu.memory_space<vmem>>, vector<1x16xf32>,
        %get3A_447 = vector.shape_cast %get3A_446 : vector<1x16xf32> to vector<16xf32>
        %add3A_448 = arith.addf %get3A_443, %get3A_447 : vector<16xf32>
        %max3A_449 = arith.constant 0.000000e+00 : f32
        %max3A_450 = vector.broadcast %max3A_449 : f32 to vector<16xf32>
        %max3A_451 = arith.maximumf %add3A_448, %max3A_450 : vector<16xf32>
        %swap3A_452 = arith.index_cast %add3A_439 : i32 to index
        %swap3A_453 = arith.constant 0 : index
        %swap3A_454 = tpu.vector_load %arg11[%swap3A_452, %swap3A_453] {strides = array<i32>} : memref<128x64xf32, #tpu.memory_space<vmem>>, vector<1x16xf32>,
        %swap3A_455 = vector.shape_cast %swap3A_454 : vector<1x16xf32> to vector<16xf32>
        %swap3A_456 = vector.shape_cast %max3A_451 : vector<16xf32> to vector<1x16xf32>
        tpu.vector_store %arg11[%swap3A_452, %swap3A_453], %swap3A_456 {strides = array<i32>} : memref<128x64xf32, #tpu.memory_space<vmem>>, vector<1x16xf32>,
        %mul3A_457 = arith.constant 4 : i32
        %mul3A_458 = arith.muli %scan3A_186, %mul3A_457 : i32
        %add3A_459 = arith.constant 3 : i32
        %add3A_460 = arith.addi %mul3A_458, %add3A_459 : i32
        %get3A_461 = arith.index_cast %add3A_460 : i32 to index
        %get3A_462 = arith.constant 16 : index
        %get3A_463 = tpu.vector_load %arg11[%get3A_461, %get3A_462] {strides = array<i32>} : memref<128x64xf32, #tpu.memory_space<vmem>>, vector<1x16xf32>,
        %get3A_464 = vector.shape_cast %get3A_463 : vector<1x16xf32> to vector<16xf32>
        %get3A_465 = arith.index_cast %add3A_460 : i32 to index
        %get3A_466 = arith.constant 16 : index
        %get3A_467 = tpu.vector_load %arg13[%get3A_465, %get3A_466] {strides = array<i32>} : memref<128x64xf32, #tpu.memory_space<vmem>>, vector<1x16xf32>,
        %get3A_468 = vector.shape_cast %get3A_467 : vector<1x16xf32> to vector<16xf32>
        %add3A_469 = arith.addf %get3A_464, %get3A_468 : vector<16xf32>
        %max3A_470 = arith.constant 0.000000e+00 : f32
        %max3A_471 = vector.broadcast %max3A_470 : f32 to vector<16xf32>
        %max3A_472 = arith.maximumf %add3A_469, %max3A_471 : vector<16xf32>
        %swap3A_473 = arith.index_cast %add3A_460 : i32 to index
        %swap3A_474 = arith.constant 16 : index
        %swap3A_475 = tpu.vector_load %arg11[%swap3A_473, %swap3A_474] {strides = array<i32>} : memref<128x64xf32, #tpu.memory_space<vmem>>, vector<1x16xf32>,
        %swap3A_476 = vector.shape_cast %swap3A_475 : vector<1x16xf32> to vector<16xf32>
        %swap3A_477 = vector.shape_cast %max3A_472 : vector<16xf32> to vector<1x16xf32>
        tpu.vector_store %arg11[%swap3A_473, %swap3A_474], %swap3A_477 {strides = array<i32>} : memref<128x64xf32, #tpu.memory_space<vmem>>, vector<1x16xf32>,
        %mul3A_478 = arith.constant 4 : i32
        %mul3A_479 = arith.muli %scan3A_186, %mul3A_478 : i32
        %add3A_480 = arith.constant 3 : i32
        %add3A_481 = arith.addi %mul3A_479, %add3A_480 : i32
        %get3A_482 = arith.index_cast %add3A_481 : i32 to index
        %get3A_483 = arith.constant 32 : index
        %get3A_484 = tpu.vector_load %arg11[%get3A_482, %get3A_483] {strides = array<i32>} : memref<128x64xf32, #tpu.memory_space<vmem>>, vector<1x16xf32>,
        %get3A_485 = vector.shape_cast %get3A_484 : vector<1x16xf32> to vector<16xf32>
        %get3A_486 = arith.index_cast %add3A_481 : i32 to index
        %get3A_487 = arith.constant 32 : index
        %get3A_488 = tpu.vector_load %arg13[%get3A_486, %get3A_487] {strides = array<i32>} : memref<128x64xf32, #tpu.memory_space<vmem>>, vector<1x16xf32>,
        %get3A_489 = vector.shape_cast %get3A_488 : vector<1x16xf32> to vector<16xf32>
        %add3A_490 = arith.addf %get3A_485, %get3A_489 : vector<16xf32>
        %max3A_491 = arith.constant 0.000000e+00 : f32
        %max3A_492 = vector.broadcast %max3A_491 : f32 to vector<16xf32>
        %max3A_493 = arith.maximumf %add3A_490, %max3A_492 : vector<16xf32>
        %swap3A_494 = arith.index_cast %add3A_481 : i32 to index
        %swap3A_495 = arith.constant 32 : index
        %swap3A_496 = tpu.vector_load %arg11[%swap3A_494, %swap3A_495] {strides = array<i32>} : memref<128x64xf32, #tpu.memory_space<vmem>>, vector<1x16xf32>,
        %swap3A_497 = vector.shape_cast %swap3A_496 : vector<1x16xf32> to vector<16xf32>
        %swap3A_498 = vector.shape_cast %max3A_493 : vector<16xf32> to vector<1x16xf32>
        tpu.vector_store %arg11[%swap3A_494, %swap3A_495], %swap3A_498 {strides = array<i32>} : memref<128x64xf32, #tpu.memory_space<vmem>>, vector<1x16xf32>,
        %mul3A_499 = arith.constant 4 : i32
        %mul3A_500 = arith.muli %scan3A_186, %mul3A_499 : i32
        %add3A_501 = arith.constant 3 : i32
        %add3A_502 = arith.addi %mul3A_500, %add3A_501 : i32
        %get3A_503 = arith.index_cast %add3A_502 : i32 to index
        %get3A_504 = arith.constant 48 : index
        %get3A_505 = tpu.vector_load %arg11[%get3A_503, %get3A_504] {strides = array<i32>} : memref<128x64xf32, #tpu.memory_space<vmem>>, vector<1x16xf32>,
        %get3A_506 = vector.shape_cast %get3A_505 : vector<1x16xf32> to vector<16xf32>
        %get3A_507 = arith.index_cast %add3A_502 : i32 to index
        %get3A_508 = arith.constant 48 : index
        %get3A_509 = tpu.vector_load %arg13[%get3A_507, %get3A_508] {strides = array<i32>} : memref<128x64xf32, #tpu.memory_space<vmem>>, vector<1x16xf32>,
        %get3A_510 = vector.shape_cast %get3A_509 : vector<1x16xf32> to vector<16xf32>
        %add3A_511 = arith.addf %get3A_506, %get3A_510 : vector<16xf32>
        %max3A_512 = arith.constant 0.000000e+00 : f32
        %max3A_513 = vector.broadcast %max3A_512 : f32 to vector<16xf32>
        %max3A_514 = arith.maximumf %add3A_511, %max3A_513 : vector<16xf32>
        %swap3A_515 = arith.index_cast %add3A_502 : i32 to index
        %swap3A_516 = arith.constant 48 : index
        %swap3A_517 = tpu.vector_load %arg11[%swap3A_515, %swap3A_516] {strides = array<i32>} : memref<128x64xf32, #tpu.memory_space<vmem>>, vector<1x16xf32>,
        %swap3A_518 = vector.shape_cast %swap3A_517 : vector<1x16xf32> to vector<16xf32>
        %swap3A_519 = vector.shape_cast %max3A_514 : vector<16xf32> to vector<1x16xf32>
        tpu.vector_store %arg11[%swap3A_515, %swap3A_516], %swap3A_519 {strides = array<i32>} : memref<128x64xf32, #tpu.memory_space<vmem>>, vector<1x16xf32>,
      }
      %scan3A_185 = arith.constant 32 : i32
      "tpu.region"() ({
        %run_scoped3A_186 = tpu.sem_alloc : memref<!tpu.dma_semaphore, #tpu.memory_space<semaphore_mem>>
        %dma_start3A_187 = arith.constant 0 : i32
        %dma_start3A_188 = tpu.memref_slice %arg9[%add3A_145, %dma_start3A_187] : memref<79x128xi32, #tpu.memory_space<vmem>> -> memref<1x128xi32, #tpu.memory_space<vmem>>
        %dma_start3A_189 = tpu.memref_squeeze %dma_start3A_188 : memref<1x128xi32, #tpu.memory_space<vmem>> -> memref<128xi32, #tpu.memory_space<vmem>>
        %dma_start3A_190 = arith.constant 0 : i32
        %dma_start3A_191 = arith.constant 0 : i32
        %dma_start3A_192 = tpu.memref_slice %arg14[%dma_start3A_190, %dma_start3A_191] : memref<10240x64xf32, #tpu.memory_space<vmem_shared>> -> memref<10240x64xf32, #tpu.memory_space<vmem_shared>>
        tpu.enqueue_indirect_dma source(%arg11 : memref<128x64xf32, #tpu.memory_space<vmem>>) target(%dma_start3A_192 : memref<10240x64xf32, #tpu.memory_space<vmem_shared>>) offsets(%dma_start3A_189 : memref<128xi32, #tpu.memory_space<vmem>>) semaphore(%run_scoped3A_186 : memref<!tpu.dma_semaphore, #tpu.memory_space<semaphore_mem>>) {add = true}
        %dma_wait3A_193 = arith.constant 0 : i32
        %dma_wait3A_194 = tpu.memref_slice %arg9[%add3A_145, %dma_wait3A_193] : memref<79x128xi32, #tpu.memory_space<vmem>> -> memref<1x128xi32, #tpu.memory_space<vmem>>
        %dma_wait3A_195 = tpu.memref_squeeze %dma_wait3A_194 : memref<1x128xi32, #tpu.memory_space<vmem>> -> memref<128xi32, #tpu.memory_space<vmem>>
        %dma_wait3A_196 = arith.constant 0 : i32
        %dma_wait3A_197 = arith.constant 0 : i32
        %dma_wait3A_198 = tpu.memref_slice %arg14[%dma_wait3A_196, %dma_wait3A_197] : memref<10240x64xf32, #tpu.memory_space<vmem_shared>> -> memref<10240x64xf32, #tpu.memory_space<vmem_shared>>
        tpu.wait_indirect_dma semaphore(%run_scoped3A_186 : memref<!tpu.dma_semaphore, #tpu.memory_space<semaphore_mem>>) src(%arg11 : memref<128x64xf32, #tpu.memory_space<vmem>>) dst(%dma_wait3A_198 : memref<10240x64xf32, #tpu.memory_space<vmem_shared>>)
        tpu.yield
      }) : () -> ()
    }
    %scan3A_51 = arith.constant 39 : i32
    %dma_wait3A = arith.constant 78 : i32
    %dma_wait3A_52 = arith.constant 0 : i32
    %dma_wait3A_53 = tpu.memref_slice %arg8[%dma_wait3A, %dma_wait3A_52] : memref<79x128xi32, #tpu.memory_space<vmem>> -> memref<1x128xi32, #tpu.memory_space<vmem>>
    %dma_wait3A_54 = tpu.memref_squeeze %dma_wait3A_53 : memref<1x128xi32, #tpu.memory_space<vmem>> -> memref<128xi32, #tpu.memory_space<vmem>>
    %dma_wait3A_55 = arith.constant 0 : i32
    %dma_wait3A_56 = arith.constant 0 : i32
    %dma_wait3A_57 = tpu.memref_slice %arg2[%dma_wait3A_55, %dma_wait3A_56] : memref<10000x64xf32, #tpu.memory_space<hbm>> -> memref<10000x64xf32, #tpu.memory_space<hbm>>
    tpu.wait_indirect_dma semaphore(%arg15 : memref<!tpu.dma_semaphore, #tpu.memory_space<semaphore_mem>>) src(%dma_wait3A_57 : memref<10000x64xf32, #tpu.memory_space<hbm>>) dst(%arg10 : memref<128x64xf32, #tpu.memory_space<vmem>>)
    %min3A_58 = arith.constant 78 : i32
    %min3A_59 = arith.constant 77 : i32
    %min3A_60 = arith.minsi %min3A_58, %min3A_59 : i32
    %jit3A_61 = arith.constant 78 : i32
    %select_n3A_62 = arith.select %lt3A_1, %jit3A_61, %min3A_60 : i32
    %add3A_63 = arith.addi %add3A_5, %select_n3A_62 : i32
    %mul3A_64 = arith.constant 128 : i32
    %mul3A_65 = arith.muli %add3A_63, %mul3A_64 : i32
    %dma_wait3A_66 = arith.constant 0 : i32
    %dma_wait3A_67 = tpu.memref_slice %arg3[%mul3A_65, %dma_wait3A_66] : memref<320000x64xf32, #tpu.memory_space<hbm>> -> memref<128x64xf32, #tpu.memory_space<hbm>>
    %dma_wait3A_68 = arith.constant 0 : i32
    %dma_wait3A_69 = tpu.memref_slice %arg3[%mul3A_65, %dma_wait3A_68] : memref<320000x64xf32, #tpu.memory_space<hbm>> -> memref<128x64xf32, #tpu.memory_space<hbm>>
    tpu.wait_dma2 semaphore(%arg17 : memref<!tpu.dma_semaphore, #tpu.memory_space<semaphore_mem>>) src(%dma_wait3A_69 : memref<128x64xf32, #tpu.memory_space<hbm>>) dst(%arg12 : memref<128x64xf32, #tpu.memory_space<vmem>>)
    %scan3A_70 = arith.constant 0 : i32
    %scan3A_71 = arith.constant 0 : i32
    %scan3A_72 = arith.constant 32 : i32
    %scan3A_73 = arith.addi %scan3A_71, %scan3A_72 : i32
    %scan3A_74 = arith.constant 1 : i32
    scf.for %scan3A_97 = %scan3A_71 to %scan3A_73 step %scan3A_74  : i32 {
      %mul3A_98 = arith.constant 4 : i32
      %mul3A_99 = arith.muli %scan3A_97, %mul3A_98 : i32
      %add3A_100 = arith.constant 0 : i32
      %add3A_101 = arith.addi %mul3A_99, %add3A_100 : i32
      %get3A = arith.index_cast %add3A_101 : i32 to index
      %get3A_102 = arith.constant 0 : index
      %get3A_103 = tpu.vector_load %arg10[%get3A, %get3A_102] {strides = array<i32>} : memref<128x64xf32, #tpu.memory_space<vmem>>, vector<1x16xf32>,
      %get3A_104 = vector.shape_cast %get3A_103 : vector<1x16xf32> to vector<16xf32>
      %get3A_105 = arith.index_cast %add3A_101 : i32 to index
      %get3A_106 = arith.constant 0 : index
      %get3A_107 = tpu.vector_load %arg12[%get3A_105, %get3A_106] {strides = array<i32>} : memref<128x64xf32, #tpu.memory_space<vmem>>, vector<1x16xf32>,
      %get3A_108 = vector.shape_cast %get3A_107 : vector<1x16xf32> to vector<16xf32>
      %add3A_109 = arith.addf %get3A_104, %get3A_108 : vector<16xf32>
      %max3A = arith.constant 0.000000e+00 : f32
      %max3A_110 = vector.broadcast %max3A : f32 to vector<16xf32>
      %max3A_111 = arith.maximumf %add3A_109, %max3A_110 : vector<16xf32>
      %swap3A = arith.index_cast %add3A_101 : i32 to index
      %swap3A_112 = arith.constant 0 : index
      %swap3A_113 = tpu.vector_load %arg10[%swap3A, %swap3A_112] {strides = array<i32>} : memref<128x64xf32, #tpu.memory_space<vmem>>, vector<1x16xf32>,
      %swap3A_114 = vector.shape_cast %swap3A_113 : vector<1x16xf32> to vector<16xf32>
      %swap3A_115 = vector.shape_cast %max3A_111 : vector<16xf32> to vector<1x16xf32>
      tpu.vector_store %arg10[%swap3A, %swap3A_112], %swap3A_115 {strides = array<i32>} : memref<128x64xf32, #tpu.memory_space<vmem>>, vector<1x16xf32>,
      %mul3A_116 = arith.constant 4 : i32
      %mul3A_117 = arith.muli %scan3A_97, %mul3A_116 : i32
      %add3A_118 = arith.constant 0 : i32
      %add3A_119 = arith.addi %mul3A_117, %add3A_118 : i32
      %get3A_120 = arith.index_cast %add3A_119 : i32 to index
      %get3A_121 = arith.constant 16 : index
      %get3A_122 = tpu.vector_load %arg10[%get3A_120, %get3A_121] {strides = array<i32>} : memref<128x64xf32, #tpu.memory_space<vmem>>, vector<1x16xf32>,
      %get3A_123 = vector.shape_cast %get3A_122 : vector<1x16xf32> to vector<16xf32>
      %get3A_124 = arith.index_cast %add3A_119 : i32 to index
      %get3A_125 = arith.constant 16 : index
      %get3A_126 = tpu.vector_load %arg12[%get3A_124, %get3A_125] {strides = array<i32>} : memref<128x64xf32, #tpu.memory_space<vmem>>, vector<1x16xf32>,
      %get3A_127 = vector.shape_cast %get3A_126 : vector<1x16xf32> to vector<16xf32>
      %add3A_128 = arith.addf %get3A_123, %get3A_127 : vector<16xf32>
      %max3A_129 = arith.constant 0.000000e+00 : f32
      %max3A_130 = vector.broadcast %max3A_129 : f32 to vector<16xf32>
      %max3A_131 = arith.maximumf %add3A_128, %max3A_130 : vector<16xf32>
      %swap3A_132 = arith.index_cast %add3A_119 : i32 to index
      %swap3A_133 = arith.constant 16 : index
      %swap3A_134 = tpu.vector_load %arg10[%swap3A_132, %swap3A_133] {strides = array<i32>} : memref<128x64xf32, #tpu.memory_space<vmem>>, vector<1x16xf32>,
      %swap3A_135 = vector.shape_cast %swap3A_134 : vector<1x16xf32> to vector<16xf32>
      %swap3A_136 = vector.shape_cast %max3A_131 : vector<16xf32> to vector<1x16xf32>
      tpu.vector_store %arg10[%swap3A_132, %swap3A_133], %swap3A_136 {strides = array<i32>} : memref<128x64xf32, #tpu.memory_space<vmem>>, vector<1x16xf32>,
      %mul3A_137 = arith.constant 4 : i32
      %mul3A_138 = arith.muli %scan3A_97, %mul3A_137 : i32
      %add3A_139 = arith.constant 0 : i32
      %add3A_140 = arith.addi %mul3A_138, %add3A_139 : i32
      %get3A_141 = arith.index_cast %add3A_140 : i32 to index
      %get3A_142 = arith.constant 32 : index
      %get3A_143 = tpu.vector_load %arg10[%get3A_141, %get3A_142] {strides = array<i32>} : memref<128x64xf32, #tpu.memory_space<vmem>>, vector<1x16xf32>,
      %get3A_144 = vector.shape_cast %get3A_143 : vector<1x16xf32> to vector<16xf32>
      %get3A_145 = arith.index_cast %add3A_140 : i32 to index
      %get3A_146 = arith.constant 32 : index
      %get3A_147 = tpu.vector_load %arg12[%get3A_145, %get3A_146] {strides = array<i32>} : memref<128x64xf32, #tpu.memory_space<vmem>>, vector<1x16xf32>,
      %get3A_148 = vector.shape_cast %get3A_147 : vector<1x16xf32> to vector<16xf32>
      %add3A_149 = arith.addf %get3A_144, %get3A_148 : vector<16xf32>
      %max3A_150 = arith.constant 0.000000e+00 : f32
      %max3A_151 = vector.broadcast %max3A_150 : f32 to vector<16xf32>
      %max3A_152 = arith.maximumf %add3A_149, %max3A_151 : vector<16xf32>
      %swap3A_153 = arith.index_cast %add3A_140 : i32 to index
      %swap3A_154 = arith.constant 32 : index
      %swap3A_155 = tpu.vector_load %arg10[%swap3A_153, %swap3A_154] {strides = array<i32>} : memref<128x64xf32, #tpu.memory_space<vmem>>, vector<1x16xf32>,
      %swap3A_156 = vector.shape_cast %swap3A_155 : vector<1x16xf32> to vector<16xf32>
      %swap3A_157 = vector.shape_cast %max3A_152 : vector<16xf32> to vector<1x16xf32>
      tpu.vector_store %arg10[%swap3A_153, %swap3A_154], %swap3A_157 {strides = array<i32>} : memref<128x64xf32, #tpu.memory_space<vmem>>, vector<1x16xf32>,
      %mul3A_158 = arith.constant 4 : i32
      %mul3A_159 = arith.muli %scan3A_97, %mul3A_158 : i32
      %add3A_160 = arith.constant 0 : i32
      %add3A_161 = arith.addi %mul3A_159, %add3A_160 : i32
      %get3A_162 = arith.index_cast %add3A_161 : i32 to index
      %get3A_163 = arith.constant 48 : index
      %get3A_164 = tpu.vector_load %arg10[%get3A_162, %get3A_163] {strides = array<i32>} : memref<128x64xf32, #tpu.memory_space<vmem>>, vector<1x16xf32>,
      %get3A_165 = vector.shape_cast %get3A_164 : vector<1x16xf32> to vector<16xf32>
      %get3A_166 = arith.index_cast %add3A_161 : i32 to index
      %get3A_167 = arith.constant 48 : index
      %get3A_168 = tpu.vector_load %arg12[%get3A_166, %get3A_167] {strides = array<i32>} : memref<128x64xf32, #tpu.memory_space<vmem>>, vector<1x16xf32>,
      %get3A_169 = vector.shape_cast %get3A_168 : vector<1x16xf32> to vector<16xf32>
      %add3A_170 = arith.addf %get3A_165, %get3A_169 : vector<16xf32>
      %max3A_171 = arith.constant 0.000000e+00 : f32
      %max3A_172 = vector.broadcast %max3A_171 : f32 to vector<16xf32>
      %max3A_173 = arith.maximumf %add3A_170, %max3A_172 : vector<16xf32>
      %swap3A_174 = arith.index_cast %add3A_161 : i32 to index
      %swap3A_175 = arith.constant 48 : index
      %swap3A_176 = tpu.vector_load %arg10[%swap3A_174, %swap3A_175] {strides = array<i32>} : memref<128x64xf32, #tpu.memory_space<vmem>>, vector<1x16xf32>,
      %swap3A_177 = vector.shape_cast %swap3A_176 : vector<1x16xf32> to vector<16xf32>
      %swap3A_178 = vector.shape_cast %max3A_173 : vector<16xf32> to vector<1x16xf32>
      tpu.vector_store %arg10[%swap3A_174, %swap3A_175], %swap3A_178 {strides = array<i32>} : memref<128x64xf32, #tpu.memory_space<vmem>>, vector<1x16xf32>,
      %mul3A_179 = arith.constant 4 : i32
      %mul3A_180 = arith.muli %scan3A_97, %mul3A_179 : i32
      %add3A_181 = arith.constant 1 : i32
      %add3A_182 = arith.addi %mul3A_180, %add3A_181 : i32
      %get3A_183 = arith.index_cast %add3A_182 : i32 to index
      %get3A_184 = arith.constant 0 : index
      %get3A_185 = tpu.vector_load %arg10[%get3A_183, %get3A_184] {strides = array<i32>} : memref<128x64xf32, #tpu.memory_space<vmem>>, vector<1x16xf32>,
      %get3A_186 = vector.shape_cast %get3A_185 : vector<1x16xf32> to vector<16xf32>
      %get3A_187 = arith.index_cast %add3A_182 : i32 to index
      %get3A_188 = arith.constant 0 : index
      %get3A_189 = tpu.vector_load %arg12[%get3A_187, %get3A_188] {strides = array<i32>} : memref<128x64xf32, #tpu.memory_space<vmem>>, vector<1x16xf32>,
      %get3A_190 = vector.shape_cast %get3A_189 : vector<1x16xf32> to vector<16xf32>
      %add3A_191 = arith.addf %get3A_186, %get3A_190 : vector<16xf32>
      %max3A_192 = arith.constant 0.000000e+00 : f32
      %max3A_193 = vector.broadcast %max3A_192 : f32 to vector<16xf32>
      %max3A_194 = arith.maximumf %add3A_191, %max3A_193 : vector<16xf32>
      %swap3A_195 = arith.index_cast %add3A_182 : i32 to index
      %swap3A_196 = arith.constant 0 : index
      %swap3A_197 = tpu.vector_load %arg10[%swap3A_195, %swap3A_196] {strides = array<i32>} : memref<128x64xf32, #tpu.memory_space<vmem>>, vector<1x16xf32>,
      %swap3A_198 = vector.shape_cast %swap3A_197 : vector<1x16xf32> to vector<16xf32>
      %swap3A_199 = vector.shape_cast %max3A_194 : vector<16xf32> to vector<1x16xf32>
      tpu.vector_store %arg10[%swap3A_195, %swap3A_196], %swap3A_199 {strides = array<i32>} : memref<128x64xf32, #tpu.memory_space<vmem>>, vector<1x16xf32>,
      %mul3A_200 = arith.constant 4 : i32
      %mul3A_201 = arith.muli %scan3A_97, %mul3A_200 : i32
      %add3A_202 = arith.constant 1 : i32
      %add3A_203 = arith.addi %mul3A_201, %add3A_202 : i32
      %get3A_204 = arith.index_cast %add3A_203 : i32 to index
      %get3A_205 = arith.constant 16 : index
      %get3A_206 = tpu.vector_load %arg10[%get3A_204, %get3A_205] {strides = array<i32>} : memref<128x64xf32, #tpu.memory_space<vmem>>, vector<1x16xf32>,
      %get3A_207 = vector.shape_cast %get3A_206 : vector<1x16xf32> to vector<16xf32>
      %get3A_208 = arith.index_cast %add3A_203 : i32 to index
      %get3A_209 = arith.constant 16 : index
      %get3A_210 = tpu.vector_load %arg12[%get3A_208, %get3A_209] {strides = array<i32>} : memref<128x64xf32, #tpu.memory_space<vmem>>, vector<1x16xf32>,
      %get3A_211 = vector.shape_cast %get3A_210 : vector<1x16xf32> to vector<16xf32>
      %add3A_212 = arith.addf %get3A_207, %get3A_211 : vector<16xf32>
      %max3A_213 = arith.constant 0.000000e+00 : f32
      %max3A_214 = vector.broadcast %max3A_213 : f32 to vector<16xf32>
      %max3A_215 = arith.maximumf %add3A_212, %max3A_214 : vector<16xf32>
      %swap3A_216 = arith.index_cast %add3A_203 : i32 to index
      %swap3A_217 = arith.constant 16 : index
      %swap3A_218 = tpu.vector_load %arg10[%swap3A_216, %swap3A_217] {strides = array<i32>} : memref<128x64xf32, #tpu.memory_space<vmem>>, vector<1x16xf32>,
      %swap3A_219 = vector.shape_cast %swap3A_218 : vector<1x16xf32> to vector<16xf32>
      %swap3A_220 = vector.shape_cast %max3A_215 : vector<16xf32> to vector<1x16xf32>
      tpu.vector_store %arg10[%swap3A_216, %swap3A_217], %swap3A_220 {strides = array<i32>} : memref<128x64xf32, #tpu.memory_space<vmem>>, vector<1x16xf32>,
      %mul3A_221 = arith.constant 4 : i32
      %mul3A_222 = arith.muli %scan3A_97, %mul3A_221 : i32
      %add3A_223 = arith.constant 1 : i32
      %add3A_224 = arith.addi %mul3A_222, %add3A_223 : i32
      %get3A_225 = arith.index_cast %add3A_224 : i32 to index
      %get3A_226 = arith.constant 32 : index
      %get3A_227 = tpu.vector_load %arg10[%get3A_225, %get3A_226] {strides = array<i32>} : memref<128x64xf32, #tpu.memory_space<vmem>>, vector<1x16xf32>,
      %get3A_228 = vector.shape_cast %get3A_227 : vector<1x16xf32> to vector<16xf32>
      %get3A_229 = arith.index_cast %add3A_224 : i32 to index
      %get3A_230 = arith.constant 32 : index
      %get3A_231 = tpu.vector_load %arg12[%get3A_229, %get3A_230] {strides = array<i32>} : memref<128x64xf32, #tpu.memory_space<vmem>>, vector<1x16xf32>,
      %get3A_232 = vector.shape_cast %get3A_231 : vector<1x16xf32> to vector<16xf32>
      %add3A_233 = arith.addf %get3A_228, %get3A_232 : vector<16xf32>
      %max3A_234 = arith.constant 0.000000e+00 : f32
      %max3A_235 = vector.broadcast %max3A_234 : f32 to vector<16xf32>
      %max3A_236 = arith.maximumf %add3A_233, %max3A_235 : vector<16xf32>
      %swap3A_237 = arith.index_cast %add3A_224 : i32 to index
      %swap3A_238 = arith.constant 32 : index
      %swap3A_239 = tpu.vector_load %arg10[%swap3A_237, %swap3A_238] {strides = array<i32>} : memref<128x64xf32, #tpu.memory_space<vmem>>, vector<1x16xf32>,
      %swap3A_240 = vector.shape_cast %swap3A_239 : vector<1x16xf32> to vector<16xf32>
      %swap3A_241 = vector.shape_cast %max3A_236 : vector<16xf32> to vector<1x16xf32>
      tpu.vector_store %arg10[%swap3A_237, %swap3A_238], %swap3A_241 {strides = array<i32>} : memref<128x64xf32, #tpu.memory_space<vmem>>, vector<1x16xf32>,
      %mul3A_242 = arith.constant 4 : i32
      %mul3A_243 = arith.muli %scan3A_97, %mul3A_242 : i32
      %add3A_244 = arith.constant 1 : i32
      %add3A_245 = arith.addi %mul3A_243, %add3A_244 : i32
      %get3A_246 = arith.index_cast %add3A_245 : i32 to index
      %get3A_247 = arith.constant 48 : index
      %get3A_248 = tpu.vector_load %arg10[%get3A_246, %get3A_247] {strides = array<i32>} : memref<128x64xf32, #tpu.memory_space<vmem>>, vector<1x16xf32>,
      %get3A_249 = vector.shape_cast %get3A_248 : vector<1x16xf32> to vector<16xf32>
      %get3A_250 = arith.index_cast %add3A_245 : i32 to index
      %get3A_251 = arith.constant 48 : index
      %get3A_252 = tpu.vector_load %arg12[%get3A_250, %get3A_251] {strides = array<i32>} : memref<128x64xf32, #tpu.memory_space<vmem>>, vector<1x16xf32>,
      %get3A_253 = vector.shape_cast %get3A_252 : vector<1x16xf32> to vector<16xf32>
      %add3A_254 = arith.addf %get3A_249, %get3A_253 : vector<16xf32>
      %max3A_255 = arith.constant 0.000000e+00 : f32
      %max3A_256 = vector.broadcast %max3A_255 : f32 to vector<16xf32>
      %max3A_257 = arith.maximumf %add3A_254, %max3A_256 : vector<16xf32>
      %swap3A_258 = arith.index_cast %add3A_245 : i32 to index
      %swap3A_259 = arith.constant 48 : index
      %swap3A_260 = tpu.vector_load %arg10[%swap3A_258, %swap3A_259] {strides = array<i32>} : memref<128x64xf32, #tpu.memory_space<vmem>>, vector<1x16xf32>,
      %swap3A_261 = vector.shape_cast %swap3A_260 : vector<1x16xf32> to vector<16xf32>
      %swap3A_262 = vector.shape_cast %max3A_257 : vector<16xf32> to vector<1x16xf32>
      tpu.vector_store %arg10[%swap3A_258, %swap3A_259], %swap3A_262 {strides = array<i32>} : memref<128x64xf32, #tpu.memory_space<vmem>>, vector<1x16xf32>,
      %mul3A_263 = arith.constant 4 : i32
      %mul3A_264 = arith.muli %scan3A_97, %mul3A_263 : i32
      %add3A_265 = arith.constant 2 : i32
      %add3A_266 = arith.addi %mul3A_264, %add3A_265 : i32
      %get3A_267 = arith.index_cast %add3A_266 : i32 to index
      %get3A_268 = arith.constant 0 : index
      %get3A_269 = tpu.vector_load %arg10[%get3A_267, %get3A_268] {strides = array<i32>} : memref<128x64xf32, #tpu.memory_space<vmem>>, vector<1x16xf32>,
      %get3A_270 = vector.shape_cast %get3A_269 : vector<1x16xf32> to vector<16xf32>
      %get3A_271 = arith.index_cast %add3A_266 : i32 to index
      %get3A_272 = arith.constant 0 : index
      %get3A_273 = tpu.vector_load %arg12[%get3A_271, %get3A_272] {strides = array<i32>} : memref<128x64xf32, #tpu.memory_space<vmem>>, vector<1x16xf32>,
      %get3A_274 = vector.shape_cast %get3A_273 : vector<1x16xf32> to vector<16xf32>
      %add3A_275 = arith.addf %get3A_270, %get3A_274 : vector<16xf32>
      %max3A_276 = arith.constant 0.000000e+00 : f32
      %max3A_277 = vector.broadcast %max3A_276 : f32 to vector<16xf32>
      %max3A_278 = arith.maximumf %add3A_275, %max3A_277 : vector<16xf32>
      %swap3A_279 = arith.index_cast %add3A_266 : i32 to index
      %swap3A_280 = arith.constant 0 : index
      %swap3A_281 = tpu.vector_load %arg10[%swap3A_279, %swap3A_280] {strides = array<i32>} : memref<128x64xf32, #tpu.memory_space<vmem>>, vector<1x16xf32>,
      %swap3A_282 = vector.shape_cast %swap3A_281 : vector<1x16xf32> to vector<16xf32>
      %swap3A_283 = vector.shape_cast %max3A_278 : vector<16xf32> to vector<1x16xf32>
      tpu.vector_store %arg10[%swap3A_279, %swap3A_280], %swap3A_283 {strides = array<i32>} : memref<128x64xf32, #tpu.memory_space<vmem>>, vector<1x16xf32>,
      %mul3A_284 = arith.constant 4 : i32
      %mul3A_285 = arith.muli %scan3A_97, %mul3A_284 : i32
      %add3A_286 = arith.constant 2 : i32
      %add3A_287 = arith.addi %mul3A_285, %add3A_286 : i32
      %get3A_288 = arith.index_cast %add3A_287 : i32 to index
      %get3A_289 = arith.constant 16 : index
      %get3A_290 = tpu.vector_load %arg10[%get3A_288, %get3A_289] {strides = array<i32>} : memref<128x64xf32, #tpu.memory_space<vmem>>, vector<1x16xf32>,
      %get3A_291 = vector.shape_cast %get3A_290 : vector<1x16xf32> to vector<16xf32>
      %get3A_292 = arith.index_cast %add3A_287 : i32 to index
      %get3A_293 = arith.constant 16 : index
      %get3A_294 = tpu.vector_load %arg12[%get3A_292, %get3A_293] {strides = array<i32>} : memref<128x64xf32, #tpu.memory_space<vmem>>, vector<1x16xf32>,
      %get3A_295 = vector.shape_cast %get3A_294 : vector<1x16xf32> to vector<16xf32>
      %add3A_296 = arith.addf %get3A_291, %get3A_295 : vector<16xf32>
      %max3A_297 = arith.constant 0.000000e+00 : f32
      %max3A_298 = vector.broadcast %max3A_297 : f32 to vector<16xf32>
      %max3A_299 = arith.maximumf %add3A_296, %max3A_298 : vector<16xf32>
      %swap3A_300 = arith.index_cast %add3A_287 : i32 to index
      %swap3A_301 = arith.constant 16 : index
      %swap3A_302 = tpu.vector_load %arg10[%swap3A_300, %swap3A_301] {strides = array<i32>} : memref<128x64xf32, #tpu.memory_space<vmem>>, vector<1x16xf32>,
      %swap3A_303 = vector.shape_cast %swap3A_302 : vector<1x16xf32> to vector<16xf32>
      %swap3A_304 = vector.shape_cast %max3A_299 : vector<16xf32> to vector<1x16xf32>
      tpu.vector_store %arg10[%swap3A_300, %swap3A_301], %swap3A_304 {strides = array<i32>} : memref<128x64xf32, #tpu.memory_space<vmem>>, vector<1x16xf32>,
      %mul3A_305 = arith.constant 4 : i32
      %mul3A_306 = arith.muli %scan3A_97, %mul3A_305 : i32
      %add3A_307 = arith.constant 2 : i32
      %add3A_308 = arith.addi %mul3A_306, %add3A_307 : i32
      %get3A_309 = arith.index_cast %add3A_308 : i32 to index
      %get3A_310 = arith.constant 32 : index
      %get3A_311 = tpu.vector_load %arg10[%get3A_309, %get3A_310] {strides = array<i32>} : memref<128x64xf32, #tpu.memory_space<vmem>>, vector<1x16xf32>,
      %get3A_312 = vector.shape_cast %get3A_311 : vector<1x16xf32> to vector<16xf32>
      %get3A_313 = arith.index_cast %add3A_308 : i32 to index
      %get3A_314 = arith.constant 32 : index
      %get3A_315 = tpu.vector_load %arg12[%get3A_313, %get3A_314] {strides = array<i32>} : memref<128x64xf32, #tpu.memory_space<vmem>>, vector<1x16xf32>,
      %get3A_316 = vector.shape_cast %get3A_315 : vector<1x16xf32> to vector<16xf32>
      %add3A_317 = arith.addf %get3A_312, %get3A_316 : vector<16xf32>
      %max3A_318 = arith.constant 0.000000e+00 : f32
      %max3A_319 = vector.broadcast %max3A_318 : f32 to vector<16xf32>
      %max3A_320 = arith.maximumf %add3A_317, %max3A_319 : vector<16xf32>
      %swap3A_321 = arith.index_cast %add3A_308 : i32 to index
      %swap3A_322 = arith.constant 32 : index
      %swap3A_323 = tpu.vector_load %arg10[%swap3A_321, %swap3A_322] {strides = array<i32>} : memref<128x64xf32, #tpu.memory_space<vmem>>, vector<1x16xf32>,
      %swap3A_324 = vector.shape_cast %swap3A_323 : vector<1x16xf32> to vector<16xf32>
      %swap3A_325 = vector.shape_cast %max3A_320 : vector<16xf32> to vector<1x16xf32>
      tpu.vector_store %arg10[%swap3A_321, %swap3A_322], %swap3A_325 {strides = array<i32>} : memref<128x64xf32, #tpu.memory_space<vmem>>, vector<1x16xf32>,
      %mul3A_326 = arith.constant 4 : i32
      %mul3A_327 = arith.muli %scan3A_97, %mul3A_326 : i32
      %add3A_328 = arith.constant 2 : i32
      %add3A_329 = arith.addi %mul3A_327, %add3A_328 : i32
      %get3A_330 = arith.index_cast %add3A_329 : i32 to index
      %get3A_331 = arith.constant 48 : index
      %get3A_332 = tpu.vector_load %arg10[%get3A_330, %get3A_331] {strides = array<i32>} : memref<128x64xf32, #tpu.memory_space<vmem>>, vector<1x16xf32>,
      %get3A_333 = vector.shape_cast %get3A_332 : vector<1x16xf32> to vector<16xf32>
      %get3A_334 = arith.index_cast %add3A_329 : i32 to index
      %get3A_335 = arith.constant 48 : index
      %get3A_336 = tpu.vector_load %arg12[%get3A_334, %get3A_335] {strides = array<i32>} : memref<128x64xf32, #tpu.memory_space<vmem>>, vector<1x16xf32>,
      %get3A_337 = vector.shape_cast %get3A_336 : vector<1x16xf32> to vector<16xf32>
      %add3A_338 = arith.addf %get3A_333, %get3A_337 : vector<16xf32>
      %max3A_339 = arith.constant 0.000000e+00 : f32
      %max3A_340 = vector.broadcast %max3A_339 : f32 to vector<16xf32>
      %max3A_341 = arith.maximumf %add3A_338, %max3A_340 : vector<16xf32>
      %swap3A_342 = arith.index_cast %add3A_329 : i32 to index
      %swap3A_343 = arith.constant 48 : index
      %swap3A_344 = tpu.vector_load %arg10[%swap3A_342, %swap3A_343] {strides = array<i32>} : memref<128x64xf32, #tpu.memory_space<vmem>>, vector<1x16xf32>,
      %swap3A_345 = vector.shape_cast %swap3A_344 : vector<1x16xf32> to vector<16xf32>
      %swap3A_346 = vector.shape_cast %max3A_341 : vector<16xf32> to vector<1x16xf32>
      tpu.vector_store %arg10[%swap3A_342, %swap3A_343], %swap3A_346 {strides = array<i32>} : memref<128x64xf32, #tpu.memory_space<vmem>>, vector<1x16xf32>,
      %mul3A_347 = arith.constant 4 : i32
      %mul3A_348 = arith.muli %scan3A_97, %mul3A_347 : i32
      %add3A_349 = arith.constant 3 : i32
      %add3A_350 = arith.addi %mul3A_348, %add3A_349 : i32
      %get3A_351 = arith.index_cast %add3A_350 : i32 to index
      %get3A_352 = arith.constant 0 : index
      %get3A_353 = tpu.vector_load %arg10[%get3A_351, %get3A_352] {strides = array<i32>} : memref<128x64xf32, #tpu.memory_space<vmem>>, vector<1x16xf32>,
      %get3A_354 = vector.shape_cast %get3A_353 : vector<1x16xf32> to vector<16xf32>
      %get3A_355 = arith.index_cast %add3A_350 : i32 to index
      %get3A_356 = arith.constant 0 : index
      %get3A_357 = tpu.vector_load %arg12[%get3A_355, %get3A_356] {strides = array<i32>} : memref<128x64xf32, #tpu.memory_space<vmem>>, vector<1x16xf32>,
      %get3A_358 = vector.shape_cast %get3A_357 : vector<1x16xf32> to vector<16xf32>
      %add3A_359 = arith.addf %get3A_354, %get3A_358 : vector<16xf32>
      %max3A_360 = arith.constant 0.000000e+00 : f32
      %max3A_361 = vector.broadcast %max3A_360 : f32 to vector<16xf32>
      %max3A_362 = arith.maximumf %add3A_359, %max3A_361 : vector<16xf32>
      %swap3A_363 = arith.index_cast %add3A_350 : i32 to index
      %swap3A_364 = arith.constant 0 : index
      %swap3A_365 = tpu.vector_load %arg10[%swap3A_363, %swap3A_364] {strides = array<i32>} : memref<128x64xf32, #tpu.memory_space<vmem>>, vector<1x16xf32>,
      %swap3A_366 = vector.shape_cast %swap3A_365 : vector<1x16xf32> to vector<16xf32>
      %swap3A_367 = vector.shape_cast %max3A_362 : vector<16xf32> to vector<1x16xf32>
      tpu.vector_store %arg10[%swap3A_363, %swap3A_364], %swap3A_367 {strides = array<i32>} : memref<128x64xf32, #tpu.memory_space<vmem>>, vector<1x16xf32>,
      %mul3A_368 = arith.constant 4 : i32
      %mul3A_369 = arith.muli %scan3A_97, %mul3A_368 : i32
      %add3A_370 = arith.constant 3 : i32
      %add3A_371 = arith.addi %mul3A_369, %add3A_370 : i32
      %get3A_372 = arith.index_cast %add3A_371 : i32 to index
      %get3A_373 = arith.constant 16 : index
      %get3A_374 = tpu.vector_load %arg10[%get3A_372, %get3A_373] {strides = array<i32>} : memref<128x64xf32, #tpu.memory_space<vmem>>, vector<1x16xf32>,
      %get3A_375 = vector.shape_cast %get3A_374 : vector<1x16xf32> to vector<16xf32>
      %get3A_376 = arith.index_cast %add3A_371 : i32 to index
      %get3A_377 = arith.constant 16 : index
      %get3A_378 = tpu.vector_load %arg12[%get3A_376, %get3A_377] {strides = array<i32>} : memref<128x64xf32, #tpu.memory_space<vmem>>, vector<1x16xf32>,
      %get3A_379 = vector.shape_cast %get3A_378 : vector<1x16xf32> to vector<16xf32>
      %add3A_380 = arith.addf %get3A_375, %get3A_379 : vector<16xf32>
      %max3A_381 = arith.constant 0.000000e+00 : f32
      %max3A_382 = vector.broadcast %max3A_381 : f32 to vector<16xf32>
      %max3A_383 = arith.maximumf %add3A_380, %max3A_382 : vector<16xf32>
      %swap3A_384 = arith.index_cast %add3A_371 : i32 to index
      %swap3A_385 = arith.constant 16 : index
      %swap3A_386 = tpu.vector_load %arg10[%swap3A_384, %swap3A_385] {strides = array<i32>} : memref<128x64xf32, #tpu.memory_space<vmem>>, vector<1x16xf32>,
      %swap3A_387 = vector.shape_cast %swap3A_386 : vector<1x16xf32> to vector<16xf32>
      %swap3A_388 = vector.shape_cast %max3A_383 : vector<16xf32> to vector<1x16xf32>
      tpu.vector_store %arg10[%swap3A_384, %swap3A_385], %swap3A_388 {strides = array<i32>} : memref<128x64xf32, #tpu.memory_space<vmem>>, vector<1x16xf32>,
      %mul3A_389 = arith.constant 4 : i32
      %mul3A_390 = arith.muli %scan3A_97, %mul3A_389 : i32
      %add3A_391 = arith.constant 3 : i32
      %add3A_392 = arith.addi %mul3A_390, %add3A_391 : i32
      %get3A_393 = arith.index_cast %add3A_392 : i32 to index
      %get3A_394 = arith.constant 32 : index
      %get3A_395 = tpu.vector_load %arg10[%get3A_393, %get3A_394] {strides = array<i32>} : memref<128x64xf32, #tpu.memory_space<vmem>>, vector<1x16xf32>,
      %get3A_396 = vector.shape_cast %get3A_395 : vector<1x16xf32> to vector<16xf32>
      %get3A_397 = arith.index_cast %add3A_392 : i32 to index
      %get3A_398 = arith.constant 32 : index
      %get3A_399 = tpu.vector_load %arg12[%get3A_397, %get3A_398] {strides = array<i32>} : memref<128x64xf32, #tpu.memory_space<vmem>>, vector<1x16xf32>,
      %get3A_400 = vector.shape_cast %get3A_399 : vector<1x16xf32> to vector<16xf32>
      %add3A_401 = arith.addf %get3A_396, %get3A_400 : vector<16xf32>
      %max3A_402 = arith.constant 0.000000e+00 : f32
      %max3A_403 = vector.broadcast %max3A_402 : f32 to vector<16xf32>
      %max3A_404 = arith.maximumf %add3A_401, %max3A_403 : vector<16xf32>
      %swap3A_405 = arith.index_cast %add3A_392 : i32 to index
      %swap3A_406 = arith.constant 32 : index
      %swap3A_407 = tpu.vector_load %arg10[%swap3A_405, %swap3A_406] {strides = array<i32>} : memref<128x64xf32, #tpu.memory_space<vmem>>, vector<1x16xf32>,
      %swap3A_408 = vector.shape_cast %swap3A_407 : vector<1x16xf32> to vector<16xf32>
      %swap3A_409 = vector.shape_cast %max3A_404 : vector<16xf32> to vector<1x16xf32>
      tpu.vector_store %arg10[%swap3A_405, %swap3A_406], %swap3A_409 {strides = array<i32>} : memref<128x64xf32, #tpu.memory_space<vmem>>, vector<1x16xf32>,
      %mul3A_410 = arith.constant 4 : i32
      %mul3A_411 = arith.muli %scan3A_97, %mul3A_410 : i32
      %add3A_412 = arith.constant 3 : i32
      %add3A_413 = arith.addi %mul3A_411, %add3A_412 : i32
      %get3A_414 = arith.index_cast %add3A_413 : i32 to index
      %get3A_415 = arith.constant 48 : index
      %get3A_416 = tpu.vector_load %arg10[%get3A_414, %get3A_415] {strides = array<i32>} : memref<128x64xf32, #tpu.memory_space<vmem>>, vector<1x16xf32>,
      %get3A_417 = vector.shape_cast %get3A_416 : vector<1x16xf32> to vector<16xf32>
      %get3A_418 = arith.index_cast %add3A_413 : i32 to index
      %get3A_419 = arith.constant 48 : index
      %get3A_420 = tpu.vector_load %arg12[%get3A_418, %get3A_419] {strides = array<i32>} : memref<128x64xf32, #tpu.memory_space<vmem>>, vector<1x16xf32>,
      %get3A_421 = vector.shape_cast %get3A_420 : vector<1x16xf32> to vector<16xf32>
      %add3A_422 = arith.addf %get3A_417, %get3A_421 : vector<16xf32>
      %max3A_423 = arith.constant 0.000000e+00 : f32
      %max3A_424 = vector.broadcast %max3A_423 : f32 to vector<16xf32>
      %max3A_425 = arith.maximumf %add3A_422, %max3A_424 : vector<16xf32>
      %swap3A_426 = arith.index_cast %add3A_413 : i32 to index
      %swap3A_427 = arith.constant 48 : index
      %swap3A_428 = tpu.vector_load %arg10[%swap3A_426, %swap3A_427] {strides = array<i32>} : memref<128x64xf32, #tpu.memory_space<vmem>>, vector<1x16xf32>,
      %swap3A_429 = vector.shape_cast %swap3A_428 : vector<1x16xf32> to vector<16xf32>
      %swap3A_430 = vector.shape_cast %max3A_425 : vector<16xf32> to vector<1x16xf32>
      tpu.vector_store %arg10[%swap3A_426, %swap3A_427], %swap3A_430 {strides = array<i32>} : memref<128x64xf32, #tpu.memory_space<vmem>>, vector<1x16xf32>,
    }
    %scan3A_75 = arith.constant 32 : i32
    %run_scoped3A = arith.constant 78 : i32
    "tpu.region"() ({
      %run_scoped3A_97 = tpu.sem_alloc : memref<!tpu.dma_semaphore, #tpu.memory_space<semaphore_mem>>
      %dma_start3A_98 = arith.constant 0 : i32
      %dma_start3A_99 = tpu.memref_slice %arg9[%run_scoped3A, %dma_start3A_98] : memref<79x128xi32, #tpu.memory_space<vmem>> -> memref<1x128xi32, #tpu.memory_space<vmem>>
      %dma_start3A_100 = tpu.memref_squeeze %dma_start3A_99 : memref<1x128xi32, #tpu.memory_space<vmem>> -> memref<128xi32, #tpu.memory_space<vmem>>
      %dma_start3A_101 = arith.constant 0 : i32
      %dma_start3A_102 = arith.constant 0 : i32
      %dma_start3A_103 = tpu.memref_slice %arg14[%dma_start3A_101, %dma_start3A_102] : memref<10240x64xf32, #tpu.memory_space<vmem_shared>> -> memref<10240x64xf32, #tpu.memory_space<vmem_shared>>
      tpu.enqueue_indirect_dma source(%arg10 : memref<128x64xf32, #tpu.memory_space<vmem>>) target(%dma_start3A_103 : memref<10240x64xf32, #tpu.memory_space<vmem_shared>>) offsets(%dma_start3A_100 : memref<128xi32, #tpu.memory_space<vmem>>) semaphore(%run_scoped3A_97 : memref<!tpu.dma_semaphore, #tpu.memory_space<semaphore_mem>>) {add = true}
      %dma_wait3A_104 = arith.constant 0 : i32
      %dma_wait3A_105 = tpu.memref_slice %arg9[%run_scoped3A, %dma_wait3A_104] : memref<79x128xi32, #tpu.memory_space<vmem>> -> memref<1x128xi32, #tpu.memory_space<vmem>>
      %dma_wait3A_106 = tpu.memref_squeeze %dma_wait3A_105 : memref<1x128xi32, #tpu.memory_space<vmem>> -> memref<128xi32, #tpu.memory_space<vmem>>
      %dma_wait3A_107 = arith.constant 0 : i32
      %dma_wait3A_108 = arith.constant 0 : i32
      %dma_wait3A_109 = tpu.memref_slice %arg14[%dma_wait3A_107, %dma_wait3A_108] : memref<10240x64xf32, #tpu.memory_space<vmem_shared>> -> memref<10240x64xf32, #tpu.memory_space<vmem_shared>>
      tpu.wait_indirect_dma semaphore(%run_scoped3A_97 : memref<!tpu.dma_semaphore, #tpu.memory_space<semaphore_mem>>) src(%arg10 : memref<128x64xf32, #tpu.memory_space<vmem>>) dst(%dma_wait3A_109 : memref<10240x64xf32, #tpu.memory_space<vmem_shared>>)
      tpu.yield
    }) : () -> ()
    %barrier3A_76 = arith.constant 0 : index
    tpu.barrier barrier_id(%barrier3A_76)
    %mul3A_77 = arith.constant 640 : i32
    %mul3A_78 = arith.muli %arg1, %mul3A_77 : i32
    %add3A_79 = arith.constant 0 : i32
    %add3A_80 = arith.addi %mul3A_78, %add3A_79 : i32
    "tpu.region"() ({
      %run_scoped3A_97 = tpu.sem_alloc : memref<!tpu.dma_semaphore, #tpu.memory_space<semaphore_mem>>
      %dma_start3A_98 = arith.constant 0 : i32
      %dma_start3A_99 = tpu.memref_slice %arg14[%add3A_80, %dma_start3A_98] : memref<10240x64xf32, #tpu.memory_space<vmem_shared>> -> memref<128x64xf32, #tpu.memory_space<vmem_shared>>
      %dma_start3A_100 = arith.constant 0 : i32
      %dma_start3A_101 = tpu.memref_slice %arg14[%add3A_80, %dma_start3A_100] : memref<10240x64xf32, #tpu.memory_space<vmem_shared>> -> memref<128x64xf32, #tpu.memory_space<vmem_shared>>
      tpu.enqueue_dma source(%dma_start3A_101 : memref<128x64xf32, #tpu.memory_space<vmem_shared>>) target(%arg10 : memref<128x64xf32, #tpu.memory_space<vmem>>) target_semaphore(%run_scoped3A_97 : memref<!tpu.dma_semaphore, #tpu.memory_space<semaphore_mem>>)
      %dma_wait3A_102 = arith.constant 0 : i32
      %dma_wait3A_103 = tpu.memref_slice %arg14[%add3A_80, %dma_wait3A_102] : memref<10240x64xf32, #tpu.memory_space<vmem_shared>> -> memref<128x64xf32, #tpu.memory_space<vmem_shared>>
      %dma_wait3A_104 = arith.constant 0 : i32
      %dma_wait3A_105 = tpu.memref_slice %arg14[%add3A_80, %dma_wait3A_104] : memref<10240x64xf32, #tpu.memory_space<vmem_shared>> -> memref<128x64xf32, #tpu.memory_space<vmem_shared>>
      tpu.wait_dma2 semaphore(%run_scoped3A_97 : memref<!tpu.dma_semaphore, #tpu.memory_space<semaphore_mem>>) src(%dma_wait3A_105 : memref<128x64xf32, #tpu.memory_space<vmem_shared>>) dst(%arg10 : memref<128x64xf32, #tpu.memory_space<vmem>>)
      tpu.yield
    }) : () -> ()
    "tpu.region"() ({
      %run_scoped3A_97 = tpu.sem_alloc : memref<!tpu.dma_semaphore, #tpu.memory_space<semaphore_mem>>
      %dma_start3A_98 = arith.constant 0 : i32
      %dma_start3A_99 = tpu.memref_slice %arg7[%arg0, %add3A_80, %dma_start3A_98] : memref<2x10240x64xf32, #tpu.memory_space<hbm>> -> memref<1x128x64xf32, #tpu.memory_space<hbm>>
      %dma_start3A_100 = tpu.memref_squeeze %dma_start3A_99 : memref<1x128x64xf32, #tpu.memory_space<hbm>> -> memref<128x64xf32, #tpu.memory_space<hbm>>
      %dma_start3A_101 = arith.constant 0 : i32
      %dma_start3A_102 = tpu.memref_slice %arg7[%arg0, %add3A_80, %dma_start3A_101] : memref<2x10240x64xf32, #tpu.memory_space<hbm>> -> memref<1x128x64xf32, #tpu.memory_space<hbm>>
      %dma_start3A_103 = tpu.memref_squeeze %dma_start3A_102 : memref<1x128x64xf32, #tpu.memory_space<hbm>> -> memref<128x64xf32, #tpu.memory_space<hbm>>
      tpu.enqueue_dma source(%arg10 : memref<128x64xf32, #tpu.memory_space<vmem>>) target(%dma_start3A_103 : memref<128x64xf32, #tpu.memory_space<hbm>>) target_semaphore(%run_scoped3A_97 : memref<!tpu.dma_semaphore, #tpu.memory_space<semaphore_mem>>)
      %dma_wait3A_104 = arith.constant 0 : i32
      %dma_wait3A_105 = tpu.memref_slice %arg7[%arg0, %add3A_80, %dma_wait3A_104] : memref<2x10240x64xf32, #tpu.memory_space<hbm>> -> memref<1x128x64xf32, #tpu.memory_space<hbm>>
      %dma_wait3A_106 = tpu.memref_squeeze %dma_wait3A_105 : memref<1x128x64xf32, #tpu.memory_space<hbm>> -> memref<128x64xf32, #tpu.memory_space<hbm>>
      %dma_wait3A_107 = arith.constant 0 : i32
      %dma_wait3A_108 = tpu.memref_slice %arg7[%arg0, %add3A_80, %dma_wait3A_107] : memref<2x10240x64xf32, #tpu.memory_space<hbm>> -> memref<1x128x64xf32, #tpu.memory_space<hbm>>
      %dma_wait3A_109 = tpu.memref_squeeze %dma_wait3A_108 : memref<1x128x64xf32, #tpu.memory_space<hbm>> -> memref<128x64xf32, #tpu.memory_space<hbm>>
      tpu.wait_dma2 semaphore(%run_scoped3A_97 : memref<!tpu.dma_semaphore, #tpu.memory_space<semaphore_mem>>) src(%arg10 : memref<128x64xf32, #tpu.memory_space<vmem>>) dst(%dma_wait3A_109 : memref<128x64xf32, #tpu.memory_space<hbm>>)
      tpu.yield
    }) : () -> ()
    %mul3A_81 = arith.constant 640 : i32
    %mul3A_82 = arith.muli %arg1, %mul3A_81 : i32
    %add3A_83 = arith.constant 128 : i32
    %add3A_84 = arith.addi %mul3A_82, %add3A_83 : i32
    "tpu.region"() ({
      %run_scoped3A_97 = tpu.sem_alloc : memref<!tpu.dma_semaphore, #tpu.memory_space<semaphore_mem>>
      %dma_start3A_98 = arith.constant 0 : i32
      %dma_start3A_99 = tpu.memref_slice %arg14[%add3A_84, %dma_start3A_98] : memref<10240x64xf32, #tpu.memory_space<vmem_shared>> -> memref<128x64xf32, #tpu.memory_space<vmem_shared>>
      %dma_start3A_100 = arith.constant 0 : i32
      %dma_start3A_101 = tpu.memref_slice %arg14[%add3A_84, %dma_start3A_100] : memref<10240x64xf32, #tpu.memory_space<vmem_shared>> -> memref<128x64xf32, #tpu.memory_space<vmem_shared>>
      tpu.enqueue_dma source(%dma_start3A_101 : memref<128x64xf32, #tpu.memory_space<vmem_shared>>) target(%arg10 : memref<128x64xf32, #tpu.memory_space<vmem>>) target_semaphore(%run_scoped3A_97 : memref<!tpu.dma_semaphore, #tpu.memory_space<semaphore_mem>>)
      %dma_wait3A_102 = arith.constant 0 : i32
      %dma_wait3A_103 = tpu.memref_slice %arg14[%add3A_84, %dma_wait3A_102] : memref<10240x64xf32, #tpu.memory_space<vmem_shared>> -> memref<128x64xf32, #tpu.memory_space<vmem_shared>>
      %dma_wait3A_104 = arith.constant 0 : i32
      %dma_wait3A_105 = tpu.memref_slice %arg14[%add3A_84, %dma_wait3A_104] : memref<10240x64xf32, #tpu.memory_space<vmem_shared>> -> memref<128x64xf32, #tpu.memory_space<vmem_shared>>
      tpu.wait_dma2 semaphore(%run_scoped3A_97 : memref<!tpu.dma_semaphore, #tpu.memory_space<semaphore_mem>>) src(%dma_wait3A_105 : memref<128x64xf32, #tpu.memory_space<vmem_shared>>) dst(%arg10 : memref<128x64xf32, #tpu.memory_space<vmem>>)
      tpu.yield
    }) : () -> ()
    "tpu.region"() ({
      %run_scoped3A_97 = tpu.sem_alloc : memref<!tpu.dma_semaphore, #tpu.memory_space<semaphore_mem>>
      %dma_start3A_98 = arith.constant 0 : i32
      %dma_start3A_99 = tpu.memref_slice %arg7[%arg0, %add3A_84, %dma_start3A_98] : memref<2x10240x64xf32, #tpu.memory_space<hbm>> -> memref<1x128x64xf32, #tpu.memory_space<hbm>>
      %dma_start3A_100 = tpu.memref_squeeze %dma_start3A_99 : memref<1x128x64xf32, #tpu.memory_space<hbm>> -> memref<128x64xf32, #tpu.memory_space<hbm>>
      %dma_start3A_101 = arith.constant 0 : i32
      %dma_start3A_102 = tpu.memref_slice %arg7[%arg0, %add3A_84, %dma_start3A_101] : memref<2x10240x64xf32, #tpu.memory_space<hbm>> -> memref<1x128x64xf32, #tpu.memory_space<hbm>>
      %dma_start3A_103 = tpu.memref_squeeze %dma_start3A_102 : memref<1x128x64xf32, #tpu.memory_space<hbm>> -> memref<128x64xf32, #tpu.memory_space<hbm>>
      tpu.enqueue_dma source(%arg10 : memref<128x64xf32, #tpu.memory_space<vmem>>) target(%dma_start3A_103 : memref<128x64xf32, #tpu.memory_space<hbm>>) target_semaphore(%run_scoped3A_97 : memref<!tpu.dma_semaphore, #tpu.memory_space<semaphore_mem>>)
      %dma_wait3A_104 = arith.constant 0 : i32
      %dma_wait3A_105 = tpu.memref_slice %arg7[%arg0, %add3A_84, %dma_wait3A_104] : memref<2x10240x64xf32, #tpu.memory_space<hbm>> -> memref<1x128x64xf32, #tpu.memory_space<hbm>>
      %dma_wait3A_106 = tpu.memref_squeeze %dma_wait3A_105 : memref<1x128x64xf32, #tpu.memory_space<hbm>> -> memref<128x64xf32, #tpu.memory_space<hbm>>
      %dma_wait3A_107 = arith.constant 0 : i32
      %dma_wait3A_108 = tpu.memref_slice %arg7[%arg0, %add3A_84, %dma_wait3A_107] : memref<2x10240x64xf32, #tpu.memory_space<hbm>> -> memref<1x128x64xf32, #tpu.memory_space<hbm>>
      %dma_wait3A_109 = tpu.memref_squeeze %dma_wait3A_108 : memref<1x128x64xf32, #tpu.memory_space<hbm>> -> memref<128x64xf32, #tpu.memory_space<hbm>>
      tpu.wait_dma2 semaphore(%run_scoped3A_97 : memref<!tpu.dma_semaphore, #tpu.memory_space<semaphore_mem>>) src(%arg10 : memref<128x64xf32, #tpu.memory_space<vmem>>) dst(%dma_wait3A_109 : memref<128x64xf32, #tpu.memory_space<hbm>>)
      tpu.yield
    }) : () -> ()
    %mul3A_85 = arith.constant 640 : i32
    %mul3A_86 = arith.muli %arg1, %mul3A_85 : i32
    %add3A_87 = arith.constant 256 : i32
    %add3A_88 = arith.addi %mul3A_86, %add3A_87 : i32
    "tpu.region"() ({
      %run_scoped3A_97 = tpu.sem_alloc : memref<!tpu.dma_semaphore, #tpu.memory_space<semaphore_mem>>
      %dma_start3A_98 = arith.constant 0 : i32
      %dma_start3A_99 = tpu.memref_slice %arg14[%add3A_88, %dma_start3A_98] : memref<10240x64xf32, #tpu.memory_space<vmem_shared>> -> memref<128x64xf32, #tpu.memory_space<vmem_shared>>
      %dma_start3A_100 = arith.constant 0 : i32
      %dma_start3A_101 = tpu.memref_slice %arg14[%add3A_88, %dma_start3A_100] : memref<10240x64xf32, #tpu.memory_space<vmem_shared>> -> memref<128x64xf32, #tpu.memory_space<vmem_shared>>
      tpu.enqueue_dma source(%dma_start3A_101 : memref<128x64xf32, #tpu.memory_space<vmem_shared>>) target(%arg10 : memref<128x64xf32, #tpu.memory_space<vmem>>) target_semaphore(%run_scoped3A_97 : memref<!tpu.dma_semaphore, #tpu.memory_space<semaphore_mem>>)
      %dma_wait3A_102 = arith.constant 0 : i32
      %dma_wait3A_103 = tpu.memref_slice %arg14[%add3A_88, %dma_wait3A_102] : memref<10240x64xf32, #tpu.memory_space<vmem_shared>> -> memref<128x64xf32, #tpu.memory_space<vmem_shared>>
      %dma_wait3A_104 = arith.constant 0 : i32
      %dma_wait3A_105 = tpu.memref_slice %arg14[%add3A_88, %dma_wait3A_104] : memref<10240x64xf32, #tpu.memory_space<vmem_shared>> -> memref<128x64xf32, #tpu.memory_space<vmem_shared>>
      tpu.wait_dma2 semaphore(%run_scoped3A_97 : memref<!tpu.dma_semaphore, #tpu.memory_space<semaphore_mem>>) src(%dma_wait3A_105 : memref<128x64xf32, #tpu.memory_space<vmem_shared>>) dst(%arg10 : memref<128x64xf32, #tpu.memory_space<vmem>>)
      tpu.yield
    }) : () -> ()
    "tpu.region"() ({
      %run_scoped3A_97 = tpu.sem_alloc : memref<!tpu.dma_semaphore, #tpu.memory_space<semaphore_mem>>
      %dma_start3A_98 = arith.constant 0 : i32
      %dma_start3A_99 = tpu.memref_slice %arg7[%arg0, %add3A_88, %dma_start3A_98] : memref<2x10240x64xf32, #tpu.memory_space<hbm>> -> memref<1x128x64xf32, #tpu.memory_space<hbm>>
      %dma_start3A_100 = tpu.memref_squeeze %dma_start3A_99 : memref<1x128x64xf32, #tpu.memory_space<hbm>> -> memref<128x64xf32, #tpu.memory_space<hbm>>
      %dma_start3A_101 = arith.constant 0 : i32
      %dma_start3A_102 = tpu.memref_slice %arg7[%arg0, %add3A_88, %dma_start3A_101] : memref<2x10240x64xf32, #tpu.memory_space<hbm>> -> memref<1x128x64xf32, #tpu.memory_space<hbm>>
      %dma_start3A_103 = tpu.memref_squeeze %dma_start3A_102 : memref<1x128x64xf32, #tpu.memory_space<hbm>> -> memref<128x64xf32, #tpu.memory_space<hbm>>
      tpu.enqueue_dma source(%arg10 : memref<128x64xf32, #tpu.memory_space<vmem>>) target(%dma_start3A_103 : memref<128x64xf32, #tpu.memory_space<hbm>>) target_semaphore(%run_scoped3A_97 : memref<!tpu.dma_semaphore, #tpu.memory_space<semaphore_mem>>)
      %dma_wait3A_104 = arith.constant 0 : i32
      %dma_wait3A_105 = tpu.memref_slice %arg7[%arg0, %add3A_88, %dma_wait3A_104] : memref<2x10240x64xf32, #tpu.memory_space<hbm>> -> memref<1x128x64xf32, #tpu.memory_space<hbm>>
      %dma_wait3A_106 = tpu.memref_squeeze %dma_wait3A_105 : memref<1x128x64xf32, #tpu.memory_space<hbm>> -> memref<128x64xf32, #tpu.memory_space<hbm>>
      %dma_wait3A_107 = arith.constant 0 : i32
      %dma_wait3A_108 = tpu.memref_slice %arg7[%arg0, %add3A_88, %dma_wait3A_107] : memref<2x10240x64xf32, #tpu.memory_space<hbm>> -> memref<1x128x64xf32, #tpu.memory_space<hbm>>
      %dma_wait3A_109 = tpu.memref_squeeze %dma_wait3A_108 : memref<1x128x64xf32, #tpu.memory_space<hbm>> -> memref<128x64xf32, #tpu.memory_space<hbm>>
      tpu.wait_dma2 semaphore(%run_scoped3A_97 : memref<!tpu.dma_semaphore, #tpu.memory_space<semaphore_mem>>) src(%arg10 : memref<128x64xf32, #tpu.memory_space<vmem>>) dst(%dma_wait3A_109 : memref<128x64xf32, #tpu.memory_space<hbm>>)
      tpu.yield
    }) : () -> ()
    %mul3A_89 = arith.constant 640 : i32
    %mul3A_90 = arith.muli %arg1, %mul3A_89 : i32
    %add3A_91 = arith.constant 384 : i32
    %add3A_92 = arith.addi %mul3A_90, %add3A_91 : i32
    "tpu.region"() ({
      %run_scoped3A_97 = tpu.sem_alloc : memref<!tpu.dma_semaphore, #tpu.memory_space<semaphore_mem>>
      %dma_start3A_98 = arith.constant 0 : i32
      %dma_start3A_99 = tpu.memref_slice %arg14[%add3A_92, %dma_start3A_98] : memref<10240x64xf32, #tpu.memory_space<vmem_shared>> -> memref<128x64xf32, #tpu.memory_space<vmem_shared>>
      %dma_start3A_100 = arith.constant 0 : i32
      %dma_start3A_101 = tpu.memref_slice %arg14[%add3A_92, %dma_start3A_100] : memref<10240x64xf32, #tpu.memory_space<vmem_shared>> -> memref<128x64xf32, #tpu.memory_space<vmem_shared>>
      tpu.enqueue_dma source(%dma_start3A_101 : memref<128x64xf32, #tpu.memory_space<vmem_shared>>) target(%arg10 : memref<128x64xf32, #tpu.memory_space<vmem>>) target_semaphore(%run_scoped3A_97 : memref<!tpu.dma_semaphore, #tpu.memory_space<semaphore_mem>>)
      %dma_wait3A_102 = arith.constant 0 : i32
      %dma_wait3A_103 = tpu.memref_slice %arg14[%add3A_92, %dma_wait3A_102] : memref<10240x64xf32, #tpu.memory_space<vmem_shared>> -> memref<128x64xf32, #tpu.memory_space<vmem_shared>>
      %dma_wait3A_104 = arith.constant 0 : i32
      %dma_wait3A_105 = tpu.memref_slice %arg14[%add3A_92, %dma_wait3A_104] : memref<10240x64xf32, #tpu.memory_space<vmem_shared>> -> memref<128x64xf32, #tpu.memory_space<vmem_shared>>
      tpu.wait_dma2 semaphore(%run_scoped3A_97 : memref<!tpu.dma_semaphore, #tpu.memory_space<semaphore_mem>>) src(%dma_wait3A_105 : memref<128x64xf32, #tpu.memory_space<vmem_shared>>) dst(%arg10 : memref<128x64xf32, #tpu.memory_space<vmem>>)
      tpu.yield
    }) : () -> ()
    "tpu.region"() ({
      %run_scoped3A_97 = tpu.sem_alloc : memref<!tpu.dma_semaphore, #tpu.memory_space<semaphore_mem>>
      %dma_start3A_98 = arith.constant 0 : i32
      %dma_start3A_99 = tpu.memref_slice %arg7[%arg0, %add3A_92, %dma_start3A_98] : memref<2x10240x64xf32, #tpu.memory_space<hbm>> -> memref<1x128x64xf32, #tpu.memory_space<hbm>>
      %dma_start3A_100 = tpu.memref_squeeze %dma_start3A_99 : memref<1x128x64xf32, #tpu.memory_space<hbm>> -> memref<128x64xf32, #tpu.memory_space<hbm>>
      %dma_start3A_101 = arith.constant 0 : i32
      %dma_start3A_102 = tpu.memref_slice %arg7[%arg0, %add3A_92, %dma_start3A_101] : memref<2x10240x64xf32, #tpu.memory_space<hbm>> -> memref<1x128x64xf32, #tpu.memory_space<hbm>>
      %dma_start3A_103 = tpu.memref_squeeze %dma_start3A_102 : memref<1x128x64xf32, #tpu.memory_space<hbm>> -> memref<128x64xf32, #tpu.memory_space<hbm>>
      tpu.enqueue_dma source(%arg10 : memref<128x64xf32, #tpu.memory_space<vmem>>) target(%dma_start3A_103 : memref<128x64xf32, #tpu.memory_space<hbm>>) target_semaphore(%run_scoped3A_97 : memref<!tpu.dma_semaphore, #tpu.memory_space<semaphore_mem>>)
      %dma_wait3A_104 = arith.constant 0 : i32
      %dma_wait3A_105 = tpu.memref_slice %arg7[%arg0, %add3A_92, %dma_wait3A_104] : memref<2x10240x64xf32, #tpu.memory_space<hbm>> -> memref<1x128x64xf32, #tpu.memory_space<hbm>>
      %dma_wait3A_106 = tpu.memref_squeeze %dma_wait3A_105 : memref<1x128x64xf32, #tpu.memory_space<hbm>> -> memref<128x64xf32, #tpu.memory_space<hbm>>
      %dma_wait3A_107 = arith.constant 0 : i32
      %dma_wait3A_108 = tpu.memref_slice %arg7[%arg0, %add3A_92, %dma_wait3A_107] : memref<2x10240x64xf32, #tpu.memory_space<hbm>> -> memref<1x128x64xf32, #tpu.memory_space<hbm>>
      %dma_wait3A_109 = tpu.memref_squeeze %dma_wait3A_108 : memref<1x128x64xf32, #tpu.memory_space<hbm>> -> memref<128x64xf32, #tpu.memory_space<hbm>>
      tpu.wait_dma2 semaphore(%run_scoped3A_97 : memref<!tpu.dma_semaphore, #tpu.memory_space<semaphore_mem>>) src(%arg10 : memref<128x64xf32, #tpu.memory_space<vmem>>) dst(%dma_wait3A_109 : memref<128x64xf32, #tpu.memory_space<hbm>>)
      tpu.yield
    }) : () -> ()
    %mul3A_93 = arith.constant 640 : i32
    %mul3A_94 = arith.muli %arg1, %mul3A_93 : i32
    %add3A_95 = arith.constant 512 : i32
    %add3A_96 = arith.addi %mul3A_94, %add3A_95 : i32
    "tpu.region"() ({
      %run_scoped3A_97 = tpu.sem_alloc : memref<!tpu.dma_semaphore, #tpu.memory_space<semaphore_mem>>
      %dma_start3A_98 = arith.constant 0 : i32
      %dma_start3A_99 = tpu.memref_slice %arg14[%add3A_96, %dma_start3A_98] : memref<10240x64xf32, #tpu.memory_space<vmem_shared>> -> memref<128x64xf32, #tpu.memory_space<vmem_shared>>
      %dma_start3A_100 = arith.constant 0 : i32
      %dma_start3A_101 = tpu.memref_slice %arg14[%add3A_96, %dma_start3A_100] : memref<10240x64xf32, #tpu.memory_space<vmem_shared>> -> memref<128x64xf32, #tpu.memory_space<vmem_shared>>
      tpu.enqueue_dma source(%dma_start3A_101 : memref<128x64xf32, #tpu.memory_space<vmem_shared>>) target(%arg10 : memref<128x64xf32, #tpu.memory_space<vmem>>) target_semaphore(%run_scoped3A_97 : memref<!tpu.dma_semaphore, #tpu.memory_space<semaphore_mem>>)
      %dma_wait3A_102 = arith.constant 0 : i32
      %dma_wait3A_103 = tpu.memref_slice %arg14[%add3A_96, %dma_wait3A_102] : memref<10240x64xf32, #tpu.memory_space<vmem_shared>> -> memref<128x64xf32, #tpu.memory_space<vmem_shared>>
      %dma_wait3A_104 = arith.constant 0 : i32
      %dma_wait3A_105 = tpu.memref_slice %arg14[%add3A_96, %dma_wait3A_104] : memref<10240x64xf32, #tpu.memory_space<vmem_shared>> -> memref<128x64xf32, #tpu.memory_space<vmem_shared>>
      tpu.wait_dma2 semaphore(%run_scoped3A_97 : memref<!tpu.dma_semaphore, #tpu.memory_space<semaphore_mem>>) src(%dma_wait3A_105 : memref<128x64xf32, #tpu.memory_space<vmem_shared>>) dst(%arg10 : memref<128x64xf32, #tpu.memory_space<vmem>>)
      tpu.yield
    }) : () -> ()
    "tpu.region"() ({
      %run_scoped3A_97 = tpu.sem_alloc : memref<!tpu.dma_semaphore, #tpu.memory_space<semaphore_mem>>
      %dma_start3A_98 = arith.constant 0 : i32
      %dma_start3A_99 = tpu.memref_slice %arg7[%arg0, %add3A_96, %dma_start3A_98] : memref<2x10240x64xf32, #tpu.memory_space<hbm>> -> memref<1x128x64xf32, #tpu.memory_space<hbm>>
      %dma_start3A_100 = tpu.memref_squeeze %dma_start3A_99 : memref<1x128x64xf32, #tpu.memory_space<hbm>> -> memref<128x64xf32, #tpu.memory_space<hbm>>
      %dma_start3A_101 = arith.constant 0 : i32
      %dma_start3A_102 = tpu.memref_slice %arg7[%arg0, %add3A_96, %dma_start3A_101] : memref<2x10240x64xf32, #tpu.memory_space<hbm>> -> memref<1x128x64xf32, #tpu.memory_space<hbm>>
      %dma_start3A_103 = tpu.memref_squeeze %dma_start3A_102 : memref<1x128x64xf32, #tpu.memory_space<hbm>> -> memref<128x64xf32, #tpu.memory_space<hbm>>
      tpu.enqueue_dma source(%arg10 : memref<128x64xf32, #tpu.memory_space<vmem>>) target(%dma_start3A_103 : memref<128x64xf32, #tpu.memory_space<hbm>>) target_semaphore(%run_scoped3A_97 : memref<!tpu.dma_semaphore, #tpu.memory_space<semaphore_mem>>)
      %dma_wait3A_104 = arith.constant 0 : i32
      %dma_wait3A_105 = tpu.memref_slice %arg7[%arg0, %add3A_96, %dma_wait3A_104] : memref<2x10240x64xf32, #tpu.memory_space<hbm>> -> memref<1x128x64xf32, #tpu.memory_space<hbm>>
      %dma_wait3A_106 = tpu.memref_squeeze %dma_wait3A_105 : memref<1x128x64xf32, #tpu.memory_space<hbm>> -> memref<128x64xf32, #tpu.memory_space<hbm>>
      %dma_wait3A_107 = arith.constant 0 : i32
      %dma_wait3A_108 = tpu.memref_slice %arg7[%arg0, %add3A_96, %dma_wait3A_107] : memref<2x10240x64xf32, #tpu.memory_space<hbm>> -> memref<1x128x64xf32, #tpu.memory_space<hbm>>
      %dma_wait3A_109 = tpu.memref_squeeze %dma_wait3A_108 : memref<1x128x64xf32, #tpu.memory_space<hbm>> -> memref<128x64xf32, #tpu.memory_space<hbm>>
      tpu.wait_dma2 semaphore(%run_scoped3A_97 : memref<!tpu.dma_semaphore, #tpu.memory_space<semaphore_mem>>) src(%arg10 : memref<128x64xf32, #tpu.memory_space<vmem>>) dst(%dma_wait3A_109 : memref<128x64xf32, #tpu.memory_space<hbm>>)
      tpu.yield
    }) : () -> ()
    return
  }
}

module attributes {stable_mosaic.version = 14 : i64} {
  func.func @_h0_body(%arg0: i32, %arg1: memref<2000x128xf32, #tpu.memory_space<vmem>>, %arg2: memref<128x64xf32, #tpu.memory_space<vmem>>, %arg3: memref<1x64xf32, #tpu.memory_space<vmem>>, %arg4: memref<2000x64xf32, #tpu.memory_space<vmem>>) attributes {dimension_semantics = [#tpu.dimension_semantics<arbitrary>], iteration_bounds = array<i64: 5>, scalar_prefetch = 0 : i64, scratch_operands = 0 : i64, tpu.core_type = #tpu.core_type<tc>, window_params = [{transform_indices = @transform_0, window_bounds = array<i64: 2000, 128>}, {pipeline_mode = #tpu.pipeline_mode<synchronous>, transform_indices = @transform_1, window_bounds = array<i64: 128, 64>}, {pipeline_mode = #tpu.pipeline_mode<synchronous>, transform_indices = @transform_2, window_bounds = array<i64: 1, 64>}, {transform_indices = @transform_3, window_bounds = array<i64: 2000, 64>}]} {
    %get3A = arith.constant 0 : index
    %get3A_0 = arith.constant 0 : index
    %get3A_1 = vector.load %arg1[%get3A, %get3A_0] : memref<2000x128xf32, #tpu.memory_space<vmem>>, vector<2000x128xf32>
    %get3A_2 = arith.constant 0 : index
    %get3A_3 = arith.constant 0 : index
    %get3A_4 = vector.load %arg2[%get3A_2, %get3A_3] : memref<128x64xf32, #tpu.memory_space<vmem>>, vector<128x64xf32>
    %dot_general3A = arith.constant dense<0.000000e+00> : vector<2000x64xf32>
    %dot_general3A_5 = tpu.matmul %get3A_1, %get3A_4, %dot_general3A {dimension_numbers = #tpu.dot_dimension_numbers<[1], [0], [0], [1], [0, 0, 1, 1], [], []>, transpose_lhs_hint = false} : vector<2000x128xf32>, vector<128x64xf32>, vector<2000x64xf32> -> vector<2000x64xf32>
    %get3A_6 = arith.constant 0 : index
    %get3A_7 = arith.constant 0 : index
    %get3A_8 = vector.load %arg3[%get3A_6, %get3A_7] : memref<1x64xf32, #tpu.memory_space<vmem>>, vector<1x64xf32>
    %add3A = vector.broadcast %get3A_8 : vector<1x64xf32> to vector<2000x64xf32>
    %add3A_9 = arith.addf %dot_general3A_5, %add3A : vector<2000x64xf32>
    %max3A = arith.constant 0.000000e+00 : f32
    %max3A_10 = vector.broadcast %max3A : f32 to vector<2000x64xf32>
    %max3A_11 = arith.maximumf %add3A_9, %max3A_10 : vector<2000x64xf32>
    %swap3A = arith.constant 0 : index
    %swap3A_12 = arith.constant 0 : index
    %swap3A_13 = vector.load %arg4[%swap3A, %swap3A_12] : memref<2000x64xf32, #tpu.memory_space<vmem>>, vector<2000x64xf32>
    tpu.vector_store %arg4[%swap3A, %swap3A_12], %max3A_11 {strides = array<i32>} : memref<2000x64xf32, #tpu.memory_space<vmem>>, vector<2000x64xf32>,
    return
  }
  func.func @transform_0(%arg0: i32) -> (i32, i32) {
    %c0_i32 = arith.constant 0 : i32
    %c0_i32_0 = arith.constant 0 : i32
    return %arg0, %c0_i32 : i32, i32
  }
  func.func @transform_1(%arg0: i32) -> (i32, i32) {
    %c0_i32 = arith.constant 0 : i32
    %c0_i32_0 = arith.constant 0 : i32
    %c0_i32_1 = arith.constant 0 : i32
    return %c0_i32, %c0_i32_0 : i32, i32
  }
  func.func @transform_2(%arg0: i32) -> (i32, i32) {
    %c0_i32 = arith.constant 0 : i32
    %c0_i32_0 = arith.constant 0 : i32
    %c0_i32_1 = arith.constant 0 : i32
    return %c0_i32, %c0_i32_0 : i32, i32
  }
  func.func @transform_3(%arg0: i32) -> (i32, i32) {
    %c0_i32 = arith.constant 0 : i32
    %c0_i32_0 = arith.constant 0 : i32
    return %arg0, %c0_i32 : i32, i32
  }
}

module attributes {stable_mosaic.version = 14 : i64} {
  func.func @_e_body(%arg0: i32, %arg1: memref<16000x16xf32, #tpu.memory_space<vmem>>, %arg2: memref<16x64xf32, #tpu.memory_space<vmem>>, %arg3: memref<1x64xf32, #tpu.memory_space<vmem>>, %arg4: memref<16000x64xf32, #tpu.memory_space<vmem>>) attributes {dimension_semantics = [#tpu.dimension_semantics<arbitrary>], iteration_bounds = array<i64: 20>, scalar_prefetch = 0 : i64, scratch_operands = 0 : i64, tpu.core_type = #tpu.core_type<tc>, window_params = [{transform_indices = @transform_0, window_bounds = array<i64: 16000, 16>}, {pipeline_mode = #tpu.pipeline_mode<synchronous>, transform_indices = @transform_1, window_bounds = array<i64: 16, 64>}, {pipeline_mode = #tpu.pipeline_mode<synchronous>, transform_indices = @transform_2, window_bounds = array<i64: 1, 64>}, {transform_indices = @transform_3, window_bounds = array<i64: 16000, 64>}]} {
    %get3A = arith.constant 0 : index
    %get3A_0 = arith.constant 0 : index
    %get3A_1 = vector.load %arg1[%get3A, %get3A_0] : memref<16000x16xf32, #tpu.memory_space<vmem>>, vector<16000x16xf32>
    %get3A_2 = arith.constant 0 : index
    %get3A_3 = arith.constant 0 : index
    %get3A_4 = vector.load %arg2[%get3A_2, %get3A_3] : memref<16x64xf32, #tpu.memory_space<vmem>>, vector<16x64xf32>
    %dot_general3A = arith.constant dense<0.000000e+00> : vector<16000x64xf32>
    %dot_general3A_5 = tpu.matmul %get3A_1, %get3A_4, %dot_general3A {dimension_numbers = #tpu.dot_dimension_numbers<[1], [0], [0], [1], [0, 0, 1, 1], [], []>, transpose_lhs_hint = false} : vector<16000x16xf32>, vector<16x64xf32>, vector<16000x64xf32> -> vector<16000x64xf32>
    %get3A_6 = arith.constant 0 : index
    %get3A_7 = arith.constant 0 : index
    %get3A_8 = vector.load %arg3[%get3A_6, %get3A_7] : memref<1x64xf32, #tpu.memory_space<vmem>>, vector<1x64xf32>
    %add3A = vector.broadcast %get3A_8 : vector<1x64xf32> to vector<16000x64xf32>
    %add3A_9 = arith.addf %dot_general3A_5, %add3A : vector<16000x64xf32>
    %swap3A = arith.constant 0 : index
    %swap3A_10 = arith.constant 0 : index
    %swap3A_11 = vector.load %arg4[%swap3A, %swap3A_10] : memref<16000x64xf32, #tpu.memory_space<vmem>>, vector<16000x64xf32>
    tpu.vector_store %arg4[%swap3A, %swap3A_10], %add3A_9 {strides = array<i32>} : memref<16000x64xf32, #tpu.memory_space<vmem>>, vector<16000x64xf32>,
    return
  }
  func.func @transform_0(%arg0: i32) -> (i32, i32) {
    %c0_i32 = arith.constant 0 : i32
    %c0_i32_0 = arith.constant 0 : i32
    return %arg0, %c0_i32 : i32, i32
  }
  func.func @transform_1(%arg0: i32) -> (i32, i32) {
    %c0_i32 = arith.constant 0 : i32
    %c0_i32_0 = arith.constant 0 : i32
    %c0_i32_1 = arith.constant 0 : i32
    return %c0_i32, %c0_i32_0 : i32, i32
  }
  func.func @transform_2(%arg0: i32) -> (i32, i32) {
    %c0_i32 = arith.constant 0 : i32
    %c0_i32_0 = arith.constant 0 : i32
    %c0_i32_1 = arith.constant 0 : i32
    return %c0_i32, %c0_i32_0 : i32, i32
  }
  func.func @transform_3(%arg0: i32) -> (i32, i32) {
    %c0_i32 = arith.constant 0 : i32
    %c0_i32_0 = arith.constant 0 : i32
    return %arg0, %c0_i32 : i32, i32
  }
}

module attributes {stable_mosaic.version = 14 : i64} {
  func.func @_gnn2_body(%arg0: i32, %arg1: memref<2000x64xf32, #tpu.memory_space<vmem>>, %arg2: memref<2000x64xf32, #tpu.memory_space<vmem>>, %arg3: memref<2000x64xf32, #tpu.memory_space<vmem>>, %arg4: memref<2000x1xi32, #tpu.memory_space<vmem>>, %arg5: memref<64x64xf32, #tpu.memory_space<vmem>>, %arg6: memref<1x64xf32, #tpu.memory_space<vmem>>, %arg7: memref<64x64xf32, #tpu.memory_space<vmem>>, %arg8: memref<1x64xf32, #tpu.memory_space<vmem>>, %arg9: memref<128x64xf32, #tpu.memory_space<vmem>>, %arg10: memref<128x1xf32, #tpu.memory_space<vmem>>) attributes {dimension_semantics = [#tpu.dimension_semantics<arbitrary>], iteration_bounds = array<i64: 5>, scalar_prefetch = 0 : i64, scratch_operands = 0 : i64, tpu.core_type = #tpu.core_type<tc>, window_params = [{transform_indices = @transform_0, window_bounds = array<i64: 2000, 64>}, {transform_indices = @transform_1, window_bounds = array<i64: 2000, 64>}, {transform_indices = @transform_2, window_bounds = array<i64: 2000, 64>}, {transform_indices = @transform_3, window_bounds = array<i64: 2000, 1>}, {pipeline_mode = #tpu.pipeline_mode<synchronous>, transform_indices = @transform_4, window_bounds = array<i64: 64, 64>}, {pipeline_mode = #tpu.pipeline_mode<synchronous>, transform_indices = @transform_5, window_bounds = array<i64: 1, 64>}, {pipeline_mode = #tpu.pipeline_mode<synchronous>, transform_indices = @transform_6, window_bounds = array<i64: 64, 64>}, {pipeline_mode = #tpu.pipeline_mode<synchronous>, transform_indices = @transform_7, window_bounds = array<i64: 1, 64>}, {pipeline_mode = #tpu.pipeline_mode<synchronous>, transform_indices = @transform_8, window_bounds = array<i64: 128, 64>}, {pipeline_mode = #tpu.pipeline_mode<synchronous>, transform_indices = @transform_9, window_bounds = array<i64: 128, 1>}]} {
    %eq3A = arith.constant 0 : i32
    %eq3A_0 = arith.cmpi eq, %arg0, %eq3A : i32
    %convert_element_type3A = arith.extui %eq3A_0 : i1 to i32
    %cond3A = arith.constant 0 : i32
    %cond3A_1 = arith.cmpi ne, %convert_element_type3A, %cond3A : i32
    scf.if %cond3A_1 {
      %broadcast_in_dim3A_61 = arith.constant 0.000000e+00 : f32
      %broadcast_in_dim3A_62 = vector.broadcast %broadcast_in_dim3A_61 : f32 to vector<128x64xf32>
      %swap3A_63 = arith.constant 0 : index
      %swap3A_64 = arith.constant 0 : index
      %swap3A_65 = vector.load %arg9[%swap3A_63, %swap3A_64] : memref<128x64xf32, #tpu.memory_space<vmem>>, vector<128x64xf32>
      tpu.vector_store %arg9[%swap3A_63, %swap3A_64], %broadcast_in_dim3A_62 {strides = array<i32>} : memref<128x64xf32, #tpu.memory_space<vmem>>, vector<128x64xf32>,
      %broadcast_in_dim3A_66 = arith.constant 0.000000e+00 : f32
      %broadcast_in_dim3A_67 = vector.broadcast %broadcast_in_dim3A_66 : f32 to vector<128x1xf32>
      %swap3A_68 = arith.constant 0 : index
      %swap3A_69 = arith.constant 0 : index
      %swap3A_70 = vector.load %arg10[%swap3A_68, %swap3A_69] : memref<128x1xf32, #tpu.memory_space<vmem>>, vector<128x1xf32>
      tpu.vector_store %arg10[%swap3A_68, %swap3A_69], %broadcast_in_dim3A_67 {strides = array<i32>} : memref<128x1xf32, #tpu.memory_space<vmem>>, vector<128x1xf32>,
    } else {
    }
    %get3A = arith.constant 0 : index
    %get3A_2 = arith.constant 0 : index
    %get3A_3 = vector.load %arg1[%get3A, %get3A_2] : memref<2000x64xf32, #tpu.memory_space<vmem>>, vector<2000x64xf32>
    %get3A_4 = arith.constant 0 : index
    %get3A_5 = arith.constant 0 : index
    %get3A_6 = vector.load %arg2[%get3A_4, %get3A_5] : memref<2000x64xf32, #tpu.memory_space<vmem>>, vector<2000x64xf32>
    %add3A = arith.addf %get3A_3, %get3A_6 : vector<2000x64xf32>
    %get3A_7 = arith.constant 0 : index
    %get3A_8 = arith.constant 0 : index
    %get3A_9 = vector.load %arg3[%get3A_7, %get3A_8] : memref<2000x64xf32, #tpu.memory_space<vmem>>, vector<2000x64xf32>
    %add3A_10 = arith.addf %add3A, %get3A_9 : vector<2000x64xf32>
    %get3A_11 = arith.constant 0 : index
    %get3A_12 = arith.constant 0 : index
    %get3A_13 = vector.load %arg5[%get3A_11, %get3A_12] : memref<64x64xf32, #tpu.memory_space<vmem>>, vector<64x64xf32>
    %dot_general3A = arith.constant dense<0.000000e+00> : vector<2000x64xf32>
    %dot_general3A_14 = tpu.matmul %add3A_10, %get3A_13, %dot_general3A {dimension_numbers = #tpu.dot_dimension_numbers<[1], [0], [0], [1], [0, 0, 1, 1], [], []>, transpose_lhs_hint = false} : vector<2000x64xf32>, vector<64x64xf32>, vector<2000x64xf32> -> vector<2000x64xf32>
    %get3A_15 = arith.constant 0 : index
    %get3A_16 = arith.constant 0 : index
    %get3A_17 = vector.load %arg6[%get3A_15, %get3A_16] : memref<1x64xf32, #tpu.memory_space<vmem>>, vector<1x64xf32>
    %add3A_18 = vector.broadcast %get3A_17 : vector<1x64xf32> to vector<2000x64xf32>
    %add3A_19 = arith.addf %dot_general3A_14, %add3A_18 : vector<2000x64xf32>
    %max3A = arith.constant 0.000000e+00 : f32
    %max3A_20 = vector.broadcast %max3A : f32 to vector<2000x64xf32>
    %max3A_21 = arith.maximumf %add3A_19, %max3A_20 : vector<2000x64xf32>
    %get3A_22 = arith.constant 0 : index
    %get3A_23 = arith.constant 0 : index
    %get3A_24 = vector.load %arg7[%get3A_22, %get3A_23] : memref<64x64xf32, #tpu.memory_space<vmem>>, vector<64x64xf32>
    %dot_general3A_25 = arith.constant dense<0.000000e+00> : vector<2000x64xf32>
    %dot_general3A_26 = tpu.matmul %max3A_21, %get3A_24, %dot_general3A_25 {dimension_numbers = #tpu.dot_dimension_numbers<[1], [0], [0], [1], [0, 0, 1, 1], [], []>, transpose_lhs_hint = false} : vector<2000x64xf32>, vector<64x64xf32>, vector<2000x64xf32> -> vector<2000x64xf32>
    %get3A_27 = arith.constant 0 : index
    %get3A_28 = arith.constant 0 : index
    %get3A_29 = vector.load %arg8[%get3A_27, %get3A_28] : memref<1x64xf32, #tpu.memory_space<vmem>>, vector<1x64xf32>
    %add3A_30 = vector.broadcast %get3A_29 : vector<1x64xf32> to vector<2000x64xf32>
    %add3A_31 = arith.addf %dot_general3A_26, %add3A_30 : vector<2000x64xf32>
    %max3A_32 = arith.constant 0.000000e+00 : f32
    %max3A_33 = vector.broadcast %max3A_32 : f32 to vector<2000x64xf32>
    %max3A_34 = arith.maximumf %add3A_31, %max3A_33 : vector<2000x64xf32>
    %iota3A = tpu.iota {dimensions = array<i32: 1>} : vector<1x128xi32>
    %get3A_35 = arith.constant 0 : index
    %get3A_36 = arith.constant 0 : index
    %get3A_37 = vector.load %arg4[%get3A_35, %get3A_36] : memref<2000x1xi32, #tpu.memory_space<vmem>>, vector<2000x1xi32>
    %eq3A_38 = vector.broadcast %get3A_37 : vector<2000x1xi32> to vector<2000x128xi32>
    %eq3A_39 = vector.broadcast %iota3A : vector<1x128xi32> to vector<2000x128xi32>
    %eq3A_40 = arith.cmpi eq, %eq3A_38, %eq3A_39 : vector<2000x128xi32>
    %convert_element_type3A_41 = arith.extui %eq3A_40 : vector<2000x128xi1> to vector<2000x128xi32>
    %convert_element_type3A_42 = arith.sitofp %convert_element_type3A_41 : vector<2000x128xi32> to vector<2000x128xf32>
    %get3A_43 = arith.constant 0 : index
    %get3A_44 = arith.constant 0 : index
    %get3A_45 = vector.load %arg9[%get3A_43, %get3A_44] : memref<128x64xf32, #tpu.memory_space<vmem>>, vector<128x64xf32>
    %dot_general3A_46 = arith.constant dense<0.000000e+00> : vector<128x64xf32>
    %dot_general3A_47 = tpu.matmul %convert_element_type3A_42, %max3A_34, %dot_general3A_46 {dimension_numbers = #tpu.dot_dimension_numbers<[0], [0], [1], [1], [0, 1, 1, 1], [], []>, precision = #tpu.contract_precision<fp32>, transpose_lhs_hint = false} : vector<2000x128xf32>, vector<2000x64xf32>, vector<128x64xf32> -> vector<128x64xf32>
    %add3A_48 = arith.addf %get3A_45, %dot_general3A_47 : vector<128x64xf32>
    %swap3A = arith.constant 0 : index
    %swap3A_49 = arith.constant 0 : index
    %swap3A_50 = vector.load %arg9[%swap3A, %swap3A_49] : memref<128x64xf32, #tpu.memory_space<vmem>>, vector<128x64xf32>
    tpu.vector_store %arg9[%swap3A, %swap3A_49], %add3A_48 {strides = array<i32>} : memref<128x64xf32, #tpu.memory_space<vmem>>, vector<128x64xf32>,
    %get3A_51 = arith.constant 0 : index
    %get3A_52 = arith.constant 0 : index
    %get3A_53 = vector.load %arg10[%get3A_51, %get3A_52] : memref<128x1xf32, #tpu.memory_space<vmem>>, vector<128x1xf32>
    %broadcast_in_dim3A = arith.constant 1.000000e+00 : f32
    %broadcast_in_dim3A_54 = vector.broadcast %broadcast_in_dim3A : f32 to vector<2000x1xf32>
    %dot_general3A_55 = arith.constant dense<0.000000e+00> : vector<128x1xf32>
    %dot_general3A_56 = tpu.matmul %convert_element_type3A_42, %broadcast_in_dim3A_54, %dot_general3A_55 {dimension_numbers = #tpu.dot_dimension_numbers<[0], [0], [1], [1], [0, 1, 1, 1], [], []>, precision = #tpu.contract_precision<fp32>, transpose_lhs_hint = false} : vector<2000x128xf32>, vector<2000x1xf32>, vector<128x1xf32> -> vector<128x1xf32>
    %add3A_57 = arith.addf %get3A_53, %dot_general3A_56 : vector<128x1xf32>
    %swap3A_58 = arith.constant 0 : index
    %swap3A_59 = arith.constant 0 : index
    %swap3A_60 = vector.load %arg10[%swap3A_58, %swap3A_59] : memref<128x1xf32, #tpu.memory_space<vmem>>, vector<128x1xf32>
    tpu.vector_store %arg10[%swap3A_58, %swap3A_59], %add3A_57 {strides = array<i32>} : memref<128x1xf32, #tpu.memory_space<vmem>>, vector<128x1xf32>,
    return
  }
  func.func @transform_0(%arg0: i32) -> (i32, i32) {
    %c0_i32 = arith.constant 0 : i32
    %c0_i32_0 = arith.constant 0 : i32
    return %arg0, %c0_i32 : i32, i32
  }
  func.func @transform_1(%arg0: i32) -> (i32, i32) {
    %c0_i32 = arith.constant 0 : i32
    %c0_i32_0 = arith.constant 0 : i32
    return %arg0, %c0_i32 : i32, i32
  }
  func.func @transform_2(%arg0: i32) -> (i32, i32) {
    %c0_i32 = arith.constant 0 : i32
    %c0_i32_0 = arith.constant 0 : i32
    return %arg0, %c0_i32 : i32, i32
  }
  func.func @transform_3(%arg0: i32) -> (i32, i32) {
    %c0_i32 = arith.constant 0 : i32
    %c0_i32_0 = arith.constant 0 : i32
    return %arg0, %c0_i32 : i32, i32
  }
  func.func @transform_4(%arg0: i32) -> (i32, i32) {
    %c0_i32 = arith.constant 0 : i32
    %c0_i32_0 = arith.constant 0 : i32
    %c0_i32_1 = arith.constant 0 : i32
    return %c0_i32, %c0_i32_0 : i32, i32
  }
  func.func @transform_5(%arg0: i32) -> (i32, i32) {
    %c0_i32 = arith.constant 0 : i32
    %c0_i32_0 = arith.constant 0 : i32
    %c0_i32_1 = arith.constant 0 : i32
    return %c0_i32, %c0_i32_0 : i32, i32
  }
  func.func @transform_6(%arg0: i32) -> (i32, i32) {
    %c0_i32 = arith.constant 0 : i32
    %c0_i32_0 = arith.constant 0 : i32
    %c0_i32_1 = arith.constant 0 : i32
    return %c0_i32, %c0_i32_0 : i32, i32
  }
  func.func @transform_7(%arg0: i32) -> (i32, i32) {
    %c0_i32 = arith.constant 0 : i32
    %c0_i32_0 = arith.constant 0 : i32
    %c0_i32_1 = arith.constant 0 : i32
    return %c0_i32, %c0_i32_0 : i32, i32
  }
  func.func @transform_8(%arg0: i32) -> (i32, i32) {
    %c0_i32 = arith.constant 0 : i32
    %c0_i32_0 = arith.constant 0 : i32
    %c0_i32_1 = arith.constant 0 : i32
    return %c0_i32, %c0_i32_0 : i32, i32
  }
  func.func @transform_9(%arg0: i32) -> (i32, i32) {
    %c0_i32 = arith.constant 0 : i32
    %c0_i32_0 = arith.constant 0 : i32
    %c0_i32_1 = arith.constant 0 : i32
    return %c0_i32, %c0_i32_0 : i32, i32
  }
}

module attributes {stable_mosaic.version = 14 : i64} {
  func.func @_lat_body(%arg0: memref<128x64xf32, #tpu.memory_space<vmem>>, %arg1: memref<128x1xf32, #tpu.memory_space<vmem>>, %arg2: memref<64x32xf32, #tpu.memory_space<vmem>>, %arg3: memref<1x32xf32, #tpu.memory_space<vmem>>, %arg4: memref<32x4xf32, #tpu.memory_space<vmem>>, %arg5: memref<1x4xf32, #tpu.memory_space<vmem>>, %arg6: memref<128x4xf32, #tpu.memory_space<vmem>>) attributes {dimension_semantics = [], scalar_prefetch = 0 : i64, scratch_operands = 0 : i64, tpu.core_type = #tpu.core_type<tc>} {
    %get3A = arith.constant 0 : index
    %get3A_0 = arith.constant 0 : index
    %get3A_1 = vector.load %arg0[%get3A, %get3A_0] : memref<128x64xf32, #tpu.memory_space<vmem>>, vector<128x64xf32>
    %get3A_2 = arith.constant 0 : index
    %get3A_3 = arith.constant 0 : index
    %get3A_4 = vector.load %arg1[%get3A_2, %get3A_3] : memref<128x1xf32, #tpu.memory_space<vmem>>, vector<128x1xf32>
    %max3A = arith.constant 1.000000e+00 : f32
    %max3A_5 = vector.broadcast %max3A : f32 to vector<128x1xf32>
    %max3A_6 = arith.maximumf %get3A_4, %max3A_5 : vector<128x1xf32>
    %div3A = vector.broadcast %max3A_6 : vector<128x1xf32> to vector<128x64xf32>
    %div3A_7 = arith.divf %get3A_1, %div3A : vector<128x64xf32>
    %get3A_8 = arith.constant 0 : index
    %get3A_9 = arith.constant 0 : index
    %get3A_10 = vector.load %arg2[%get3A_8, %get3A_9] : memref<64x32xf32, #tpu.memory_space<vmem>>, vector<64x32xf32>
    %dot_general3A = arith.constant dense<0.000000e+00> : vector<128x32xf32>
    %dot_general3A_11 = tpu.matmul %div3A_7, %get3A_10, %dot_general3A {dimension_numbers = #tpu.dot_dimension_numbers<[1], [0], [0], [1], [0, 0, 1, 1], [], []>, transpose_lhs_hint = false} : vector<128x64xf32>, vector<64x32xf32>, vector<128x32xf32> -> vector<128x32xf32>
    %get3A_12 = arith.constant 0 : index
    %get3A_13 = arith.constant 0 : index
    %get3A_14 = vector.load %arg3[%get3A_12, %get3A_13] : memref<1x32xf32, #tpu.memory_space<vmem>>, vector<1x32xf32>
    %add3A = vector.broadcast %get3A_14 : vector<1x32xf32> to vector<128x32xf32>
    %add3A_15 = arith.addf %dot_general3A_11, %add3A : vector<128x32xf32>
    %max3A_16 = arith.constant 0.000000e+00 : f32
    %max3A_17 = vector.broadcast %max3A_16 : f32 to vector<128x32xf32>
    %max3A_18 = arith.maximumf %add3A_15, %max3A_17 : vector<128x32xf32>
    %get3A_19 = arith.constant 0 : index
    %get3A_20 = arith.constant 0 : index
    %get3A_21 = vector.load %arg4[%get3A_19, %get3A_20] : memref<32x4xf32, #tpu.memory_space<vmem>>, vector<32x4xf32>
    %dot_general3A_22 = arith.constant dense<0.000000e+00> : vector<128x4xf32>
    %dot_general3A_23 = tpu.matmul %max3A_18, %get3A_21, %dot_general3A_22 {dimension_numbers = #tpu.dot_dimension_numbers<[1], [0], [0], [1], [0, 0, 1, 1], [], []>, transpose_lhs_hint = false} : vector<128x32xf32>, vector<32x4xf32>, vector<128x4xf32> -> vector<128x4xf32>
    %get3A_24 = arith.constant 0 : index
    %get3A_25 = arith.constant 0 : index
    %get3A_26 = vector.load %arg5[%get3A_24, %get3A_25] : memref<1x4xf32, #tpu.memory_space<vmem>>, vector<1x4xf32>
    %add3A_27 = vector.broadcast %get3A_26 : vector<1x4xf32> to vector<128x4xf32>
    %add3A_28 = arith.addf %dot_general3A_23, %add3A_27 : vector<128x4xf32>
    %swap3A = arith.constant 0 : index
    %swap3A_29 = arith.constant 0 : index
    %swap3A_30 = vector.load %arg6[%swap3A, %swap3A_29] : memref<128x4xf32, #tpu.memory_space<vmem>>, vector<128x4xf32>
    tpu.vector_store %arg6[%swap3A, %swap3A_29], %add3A_28 {strides = array<i32>} : memref<128x4xf32, #tpu.memory_space<vmem>>, vector<128x4xf32>,
    return
  }
}

</mosaic_0001>

<sc_bundles>
// kernel: kernel.7.cloned.1.call-start
scs
__scs_entry_jumppad:
0x0: {  	(pc) =	sbr.rel $0x88, $3  }
0x1: {  	(tag) =	ssettag $0x0;
	lr =	simm.s32 $0x1  }
0x2: {  	[smem:$0x3F8E] =	sst lr;
	_ =	strace $0xD0000000  }
0x3: {  	_ = 	snop  }
0x4: {  	_ = 	snop  }
0x5: {  	_ = 	snop  }
0x6: {  	_ = 	snop  }
0x7: {  	_ = 	snop  }
__scs_overlays_trampoline_lowered:
0x8: {  	[smem:$0x3F9D] =	sst s0  }
0x9: {  	[smem:$0x3F9E] =	sst s1  }
0xa: {  	[smem:$0x3F9F] =	sst s2  }
0xb: {  	[smem:$0x3FA0] =	sst s3  }
0xc: {  	[smem:$0x3FA1] =	sst s4  }
0xd: {  	[smem:$0x3FA2] =	sst s5  }
0xe: {  	[smem:$0x3FA3] =	sst s6  }
0xf: {  	[smem:$0x3FA4] =	sst s7  }
0x10: {  	[smem:$0x3FA5] =	sst s8  }
0x11: {  	[smem:$0x3FA6] =	sst s9;
	s0 =	simm.s32 @!p0 $0x0  }
0x12: {  	s1 =	sld [smem:$0x3F8C];
	s0 =	simm.s32 @p0 $0x1  }
0x13: {  	[smem:$0x3FA7] =	sst s0;
	s0 =	simm.s32 @!p1 $0x0  }
0x14: {  	s2 =	sld [smem:$0x3F8B];
	s0 =	simm.s32 @p1 $0x1  }
0x15: {  	[smem:$0x3FA8] =	sst s0;
	s0 =	simm.s32 @!p2 $0x0  }
0x16: {  	s3 =	sld [smem:$0x3FDB];
	s0 =	simm.s32 @p2 $0x1  }
0x17: {  	s4 =	simm.s32 $0x1BF5;
	[smem:$0x3FAA] =	sst s0  }
0x18: {  	s0 =	sld [smem:$0x3F8D];
	_ =	swait.ge [sflag:s4], $0x0  }
0x19: {  	s7 =	sld [smem:$0x3F8E]  }
0x1a: {  	s8 =	sadd.s32 $0xFFFFE003, lr  }
0x1b: {  	s9 =	sadd.s32 $0xFFFFFEF7, lr;
	s5 =	simm.s32 $0xFFFFFFFF;
	p2 =	slt.u32 s8, $0xFFFFF086  }
0x1c: {  	p1 =	slt.u32 s9, $0xF7A;
	s5 =	simm.s32 @!p2 $0x0  }
0x1d: {  	s5 =	simm.s32 @p1 $0x1;
	p0 =	seq.s32 s7, s2  }
0x1e: {  	s7 =	smul.u32 @!p0 $0xF7A, s2;
	p2 =	seq.s32 @!p0 s5, $0x0  }
0x1f: {  	s9 =	smul.u32 $0xF7A, s1;
	s8 =	simm.s32 @!p0 $0x1BF5;
	p2 =	por !p2, p0  }
0x20: {  	[sflag:s8] =	ssyncset.s32 @!p0 $0xFFFFF086;
	s6 =	sadd.s32 @!p0 s3, s7;
	s7 =	simm.s32 @!p0 $0x108  }
0x21: {  	s3 =	sadd.s32 s3, s9;
	s6 =	sadd.s32 @!p0 $0x88, s6;
	s7 =	simm.s32 @p2 $0x1082  }
0x22: {  	[simem:s7], [sflag:s8] =	dma.local @!p0 [hbm:s6], $0xF7A  }
0x23: {  	s9 =	sor.u32 $0xD0000000, s2;
	s6 =	simm.s32 $0x108;
	_ =	swait.ge @!p0 [sflag:s8], $0x0  }
0x24: {  	s3 =	sadd.s32 $0x88, s3;
	s6 =	simm.s32 @!p1 $0x1082;
	[sflag:s4] =	ssyncset.s32 $0xFFFFF086  }
0x25: {  	[simem:s6], [sflag:s4] =	dma.local [hbm:s3], $0xF7A  }
0x26: {  	[smem:$0x3F8E] =	sst s1;
	(tag) =	ssettag s2;
	_ =	strace s9  }
0x27: {  	s1 =	sld [smem:$0x3F9E]  }
0x28: {  	s2 =	sld [smem:$0x3F9F]  }
0x29: {  	s4 =	sld [smem:$0x3FA1]  }
0x2a: {  	p0 =	seq.s32 s5, $0x0;
	s5 =	sld [smem:$0x3FA2]  }
0x2b: {  	s6 =	sld [smem:$0x3FA3]  }
0x2c: {  	s7 =	sld [smem:$0x3FA4]  }
0x2d: {  	s3 =	simm.s32 $0x108;
	s8 =	sld [smem:$0x3FA5]  }
0x2e: {  	s3 =	simm.s32 @!p0 $0x1082;
	s9 =	sld [smem:$0x3FA6]  }
0x2f: {  	lr =	sadd.s32 s0, s3;
	s0 =	sld [smem:$0x3F9D]  }
0x30: {  	s3 =	sld [smem:$0x3FA0]  }
0x31: {  	[smem:$0x3FA9] =	sst s10  }
0x32: {  	s10 =	sld [smem:$0x3FA7];
	_ =	sdelay $0x3  }
0x33: {  	p0 =	seq.s32 s10, $0x1;
	s10 =	sld [smem:$0x3FA9];
	_ =	sdelay $0x3  }
0x34: {  	[smem:$0x3FA9] =	sst s10  }
0x35: {  	s10 =	sld [smem:$0x3FA8];
	_ =	sdelay $0x3  }
0x36: {  	p1 =	seq.s32 s10, $0x1;
	s10 =	sld [smem:$0x3FA9];
	_ =	sdelay $0x3  }
0x37: {  	[smem:$0x3FA9] =	sst s10  }
0x38: {  	s10 =	sld [smem:$0x3FAA]  }
0x39: {  	_ = 	snop;
	(pc) =	sbr.ind lr, $3  }
0x3a: {  	_ = 	snop  }
0x3b: {  	_ = 	snop  }
0x3c: {  	p2 =	seq.s32 s10, $0x1;
	s10 =	sld [smem:$0x3FA9]  }
0x3d: {  	_ =	shalt  }
0x3e: {  	_ =	shalt  }
0x3f: {  	_ =	shalt  }
0x40: {  	_ =	shalt  }
0x41: {  	_ =	shalt  }
0x42: {  	_ =	shalt  }
0x43: {  	_ =	shalt  }
0x44: {  	_ =	shalt  }
0x45: {  	_ =	shalt  }
0x46: {  	_ =	shalt  }
0x47: {  	_ =	shalt  }
0x48: {  	_ =	shalt  }
0x49: {  	_ =	shalt  }
0x4a: {  	_ =	shalt  }
0x4b: {  	_ =	shalt  }
0x4c: {  	_ =	shalt  }
0x4d: {  	_ =	shalt  }
0x4e: {  	_ =	shalt  }
0x4f: {  	_ =	shalt  }
0x50: {  	_ =	shalt  }
0x51: {  	_ =	shalt  }
0x52: {  	_ =	shalt  }
0x53: {  	_ =	shalt  }
0x54: {  	_ =	shalt  }
0x55: {  	_ =	shalt  }
0x56: {  	_ =	shalt  }
0x57: {  	_ =	shalt  }
0x58: {  	_ =	shalt  }
0x59: {  	_ =	shalt  }
0x5a: {  	_ =	shalt  }
0x5b: {  	_ =	shalt  }
0x5c: {  	_ =	shalt  }
0x5d: {  	_ =	shalt  }
0x5e: {  	_ =	shalt  }
0x5f: {  	_ =	shalt  }
0x60: {  	_ =	shalt  }
0x61: {  	_ =	shalt  }
0x62: {  	_ =	shalt  }
0x63: {  	_ =	shalt  }
0x64: {  	_ =	shalt  }
0x65: {  	_ =	shalt  }
0x66: {  	_ =	shalt  }
0x67: {  	_ =	shalt  }
0x68: {  	_ =	shalt  }
0x69: {  	_ =	shalt  }
0x6a: {  	_ =	shalt  }
0x6b: {  	_ =	shalt  }
0x6c: {  	_ =	shalt  }
0x6d: {  	_ =	shalt  }
0x6e: {  	_ =	shalt  }
0x6f: {  	_ =	shalt  }
0x70: {  	_ =	shalt  }
0x71: {  	_ =	shalt  }
0x72: {  	_ =	shalt  }
0x73: {  	_ =	shalt  }
0x74: {  	_ =	shalt  }
0x75: {  	_ =	shalt  }
0x76: {  	_ =	shalt  }
0x77: {  	_ =	shalt  }
0x78: {  	_ =	shalt  }
0x79: {  	_ =	shalt  }
0x7a: {  	_ =	shalt  }
0x7b: {  	_ =	shalt  }
0x7c: {  	_ =	shalt  }
0x7d: {  	_ =	shalt  }
0x7e: {  	_ =	shalt  }
0x7f: {  	_ =	shalt  }
0x80: {  	_ =	shalt  }
0x81: {  	_ =	shalt  }
0x82: {  	_ =	shalt  }
0x83: {  	_ =	shalt  }
0x84: {  	_ =	shalt  }
0x85: {  	_ =	shalt  }
0x86: {  	_ =	shalt  }
0x87: {  	_ =	shalt  }
.Lfunc_end0:
.L_simem_size_0:
called_computation_lowered:
.L_overlay_start_0:
0x88: {  	s2 =	sld [smem:$0x3FD9]  }
0x89: {  	s3 =	sld [smem:$0x3FFE];
	_ =	sdelay $0x1  }
0x8a: {  	s1 =	srdreg.scid  }
0x8b: {  	s0 =	sand.u32 $0x1, s1  }
0x8c: {  	s16 =	sshll.u32 s0, $0xA;
	s2 =	sadd.s32 s3, s2  }
0x8d: {  	s2 =	sadd.s32 s2, s16  }
0x8e: {  	[smem:$0x3FB5] =	sst s2  }
0x8f: {  	_ = 	snop  }
0x90: {  	(tm) =	ssettm $0x1  }
0x91: {  	s17 =	sld [smem:$0x3FFB];
	_ =	sdelay $0x3  }
0x92: {  	_ =	strace s17  }
0x93: {  	s2 =	sld [smem:$0x3FFC];
	_ =	sdelay $0x3  }
0x94: {  	_ =	strace s2  }
0x95: {  	s2 =	sld [smem:$0x3FFD];
	_ =	sdelay $0x3  }
0x96: {  	_ =	strace s2  }
0x97: {  	_ =	strace $0x8FFFFFFF  }
0x98: {  	s18 =	sld [smem:$0x3FDB];
	_ =	sdelay $0x1  }
0x99: {  	s19 =	simm.s32 $_scs_section_size  }
0x9a: {  	s4 =	simm.s32 $_size__tile_overlayer_lowered;
	s5 =	simm.s32 $_tile_overlayer_lowered  }
0x9b: {  	s22 =	simm.s32 $0x1BFF;
	s21 =	sshll.u32 s5, $0x1;
	s2 =	sadd.s32 s19, s18  }
0x9c: {  	s6 =	simm.s32 $0x0;
	s20 =	sshll.u32 s4, $0x1;
	s4 =	sadd.s32 s21, s2  }
0x9d: {  	[timem:s6], [sflag:s22] =	dma.local [hbm:s4], s20  }
0x9e: {  	_ =	swait.ge [sflag:s22], s20  }
0x9f: {  	s3 =	ssub.s32 $0x0, s20;
	[sflag:s22] =	ssyncset.done $0x0  }
0xa0: {  	[sflag:s22] =	ssyncadd.s32 s3;
	_ =	sdelay $0x1  }
0xa1: {  	s23 =	simm.s32 $0x1B8B  }
0xa2: {  	_ =	swait.ge [sflag:s23], $0x1  }
0xa3: {  	[sflag:s23] =	ssyncset.done $0x0  }
0xa4: {  	s25 =	simm.s32 $0x1B8E;
	s24 =	sld [smem:$0x3FFE];
	[sflag:s23] =	ssyncadd.s32 $0xFFFFFFFF  }
0xa5: {  	s26 =	simm.s32 $execute0_lowered;
	[smem:$0x3FD2] =	sst s25  }
0xa6: {  	s4 =	sshll.u32 s26, $0x1;
	_ =	strace $0x80000046;
	[dreg:$0x1] =	wrdreg $0xFFFFFFFF  }
0xa7: {  	s28 =	simm.s32 $_size_execute0_lowered;
	s2 =	sadd.s32 s2, s4;
	[dreg:$0x0] =	wrdreg $0x0  }
0xa8: {  	s4 =	sshll.u32 s28, $0x1;
	[dreg:$0x2] =	wrdreg s2  }
0xa9: {  	[dreg:$0x3] =	wrdreg s4  }
0xaa: {  	[dreg:$0x4] =	wrdreg $0xC0  }
0xab: {  	_ =	task [dreg:s6], $0x5FFFF  }
0xac: {  	[dreg:$0x1] =	wrdreg $0xFFFFFFFF  }
0xad: {  	[dreg:$0x0] =	wrdreg $0x60  }
0xae: {  	[dreg:$0x2] =	wrdreg s24  }
0xaf: {  	[dreg:$0x3] =	wrdreg $0xCF000  }
0xb0: {  	[dreg:$0x4] =	wrdreg $0x9  }
0xb1: {  	_ =	task.clear_ibuf [dreg:s6], $0x5FFFF;
	_ =	strace $0x90000046  }
0xb2: {  	s29 =	simm.s32 $0x9;
	_ =	strace $0x80000048  }
0xb3: {  	_ =	swait.ge [sflag:s29], $0x1  }
0xb4: {  	[sflag:s29] =	ssyncadd.s32 $0xFFFFFFFF  }
0xb5: {  	_ =	strace $0x90000048  }
0xb6: {  	_ =	sfence  }
0xb7: {  	s30 =	sld [smem:$0x0];
	_ =	sdelay $0x2  }
0xb8: {  	s31 =	sshll.u32 s1, $0xD;
	s1 =	sshrl.u32 s1, $0x2  }
0xb9: {  	s3 =	sand.u32 $0x4000, s31;
	s1 =	sadd.s32 s1, s30  }
0xba: {  	s0 =	sor.u32 s3, s0;
	s1 =	sshll.u32 s1, $0x11  }
0xbb: {  	s0 =	sor.u32 s1, s0  }
0xbc: {  	s0 =	sadd.s32 $0x8F2B, s0  }
0xbd: {  	[sflag:s0] =	ssyncadd.remote.s32 $0x1  }
0xbe: {  	_ =	sfence.sel $0xFFFF  }
0xbf: {  	[dreg:$0x0] =	wrdreg $0xFFFFFFFF;
	(pc) =	sbr.abs _section_cstart, $3  }
0xc0: {  	[dreg:$0x1] =	wrdreg $0xFFFFFFFF  }
0xc1: {  	_ =	task.clear_ibuf [dreg:s6], $0x2FFFF;
	_ =	strace $0x9FFFFFFF  }
0xc2: {  	(tm) =	ssettm $0x7FFFFFFF  }
0xc3: {  	_ =	shalt  }
tec
execute0_lowered:
.L_overlay_start_1:
0x0: {  	(tag) =	ssettag $0x1  }
0x1: {  	s0 =	srdreg.scid  }
0x2: {  	s26 =	stileid.u32;
	s1 =	rddreg [dreg:$0x0]  }
0x3: {  	s2 =	rddreg [dreg:$0x1];
	s28 =	simm.s32 $0xAF00;
	s29 =	simm.s32 $0x1  }
0x4: {  	s30 =	simm.s32 $0x3;
	s31 =	simm.s32 $0x2;
	s0 =	sand.u32 $0x1, s0  }
0x5: {  	s3 =	sshll.u32 s26, $0x1;
	s6 =	sadd.s32 $0x44000, s1;
	s15 =	smul.u32 $0xA000, s26  }
0x6: {  	s9 =	sadd.s32 $0x2C8C00, s1;
	p0 =	sgt.u32 s26, $0x1;
	p1 =	slt.u32 s26, $0x2  }
0x7: {  	s4 =	sor.u32 s0, s3;
	s8 =	ssub.s32 $0x2, s0;
	s0 =	smul.u32 $0xA0000, s0  }
0x8: {  	s26 =	simm.s32 $0x6F00;
	s3 =	simm.s32 $0x0;
	s5 =	smul.u32 $0x4E, s4  }
0x9: {  	[smem:$0x7FF] =	sst s3;
	s4 =	smin.u32 s4, $0x4;
	s21 =	sshrl.u32 s8, $0x1  }
0xa: {  	s17 =	sadd.s32 $0x2000, s15;
	s10 =	sadd.s32 s15, s2;
	s22 =	sadd.s32 $0x4000, s15  }
0xb: {  	s18 =	sadd.s32 $0x6000, s15;
	s19 =	sadd.s32 $0x8000, s15;
	_ =	strace $0x80000047  }
0xc: {  	[dreg:$0x3] =	wrdreg s9;
	s16 =	ssub.s32 s8, s21;
	s11 =	sadd.s32 s17, s2  }
0xd: {  	s12 =	sadd.s32 s22, s2;
	s13 =	sadd.s32 s18, s2;
	s14 =	sadd.s32 s19, s2  }
0xe: {  	s15 =	sadd.s32 s15, s0;
	s17 =	sadd.s32 s0, s17;
	s24 =	sadd.s32 s0, s18  }
0xf: {  	s4 =	sadd.s32 s4, s5;
	s5 =	sadd.s32 $0x30600, s1;
	s15 =	sshrl.u32 s15, $0x3  }
0x10: {  	s17 =	sshrl.u32 s17, $0x3;
	s21 =	smax.u32 s16, $0x1;
	s7 =	sshll.u32 s4, $0x4  }
0x11: {  	s20 =	sshll.u32 s4, $0xA;
	s7 =	sadd.s32 s7, s1;
	s1 =	sadd.s32 $0x2C9000, s1  }
0x12: {  	s20 =	sadd.s32 s6, s20;
	s8 =	sadd.s32 $0x2BEE00, s7;
	s9 =	sadd.s32 $0x2B5000, s7  }
0x13: {  	[dreg:$0x4] =	wrdreg s20;
	s15 =	sadd.s32 s1, s15;
	s23 =	sadd.s32 s1, s17  }
0x14: {  	s7 =	sadd.s32 s0, s22;
	s0 =	sadd.s32 s0, s19;
	[dreg:$0x5] =	wrdreg s15  }
0x15: {  	s22 =	simm.s32 $0x4F00;
	[dreg:$0x6] =	wrdreg s23;
	s7 =	sshrl.u32 s7, $0x3  }
0x16: {  	s15 =	sshrl.u32 s24, $0x3;
	s0 =	sshrl.u32 s0, $0x3;
	s23 =	simm.s32 $0x5  }
0x17: {  	s24 =	simm.s32 $0x80;
	s7 =	sadd.s32 s1, s7;
	s25 =	sadd.s32 s1, s15  }
0x18: {  	s20 =	sadd.s32 s1, s0;
	s1 =	simm.s32 $0x4;
	[dreg:$0x7] =	wrdreg s7  }
0x19: {  	s0 =	simm.s32 $0x0;
	[dreg:$0x8] =	wrdreg s25;
	s25 =	simm.s32 $0x8F00  }
.LBB2_1:
0x1a: {  	s7 =	simm.s32 @p0 $0x0;
	s15 =	simm.s32 @p0 $0x5  }
0x1b: {  	[tilespmem:s7], [sflag:$0x5] =	stream.linear.gather @p0 [hbm4b:s8+s7], $0x2700, $0x38;
	[tilespmem:$0x16F00] =	vst v63  }
0x1c: {  	_ =	swait.ge @p0 [sflag:s15], $0x2700  }
0x1d: {  	[sflag:s15] =	ssyncset.done @p0 $0x0  }
0x1e: {  	s16 =	simm.s32 @p0 $0x2780;
	[sflag:s15] =	ssyncadd.s32 @p0 $0xFFFFD900  }
0x1f: {  	[tilespmem:s16], [sflag:$0x5] =	stream.linear.gather @p0 [hbm4b:s9+s7], $0x2700, $0x38;
	[tilespmem:$0x16F00] =	vst v63  }
0x20: {  	_ =	swait.ge @p0 [sflag:s15], $0x2700  }
0x21: {  	[sflag:s15] =	ssyncset.done @p0 $0x0  }
0x22: {  	v0 =	vimm.s32 @p0 $0x0;
	[sflag:s15] =	ssyncadd.s32 @p0 $0xFFFFD900  }
0x23: {  	v1 =	vimm.s32 @p0 $0x2750;
	[tilespmem:$0x2700] =	vst @p0 v0  }
0x24: {  	[tilespmem:$0x4E80] =	vst @p0 v1  }
0x25: {  	[tilespmem:$0x2710] =	vst @p0 v0  }
0x26: {  	[tilespmem:$0x4E90] =	vst @p0 v1  }
0x27: {  	[tilespmem:$0x2720] =	vst @p0 v0  }
0x28: {  	[tilespmem:$0x4EA0] =	vst @p0 v1  }
0x29: {  	[tilespmem:$0x2730] =	vst @p0 v0  }
0x2a: {  	[tilespmem:$0x4EB0] =	vst @p0 v1  }
0x2b: {  	[tilespmem:$0x2740] =	vst @p0 v0  }
0x2c: {  	[tilespmem:$0x4EC0] =	vst @p0 v1  }
0x2d: {  	[tilespmem:$0x2750] =	vst @p0 v0  }
0x2e: {  	[tilespmem:$0x4ED0] =	vst @p0 v1  }
0x2f: {  	[tilespmem:$0x2760] =	vst @p0 v0  }
0x30: {  	[tilespmem:$0x4EE0] =	vst @p0 v1  }
0x31: {  	[tilespmem:$0x2770] =	vst @p0 v0  }
0x32: {  	s7 =	simm.s32 @!p0 $0x0;
	s15 =	simm.s32 @!p0 $0x5;
	[tilespmem:$0x4EF0] =	vst @p0 v1  }
0x33: {  	[tilespmem:s7], [sflag:$0x5] =	stream.linear.gather @!p0 [hbm4b:s8+s7], $0x2780, $0x38;
	[tilespmem:$0x16F00] =	vst v63  }
0x34: {  	_ =	swait.ge @!p0 [sflag:s15], $0x2780  }
0x35: {  	[sflag:s15] =	ssyncset.done @!p0 $0x0  }
0x36: {  	s16 =	simm.s32 @!p0 $0x2780;
	[sflag:s15] =	ssyncadd.s32 @!p0 $0xFFFFD880  }
0x37: {  	[tilespmem:s16], [sflag:$0x5] =	stream.linear.gather @!p0 [hbm4b:s9+s7], $0x2780, $0x38;
	[tilespmem:$0x16F00] =	vst v63  }
0x38: {  	_ =	swait.ge @!p0 [sflag:s15], $0x2780  }
0x39: {  	[sflag:s15] =	ssyncset.done @!p0 $0x0  }
0x3a: {  	s18 =	rddreg [dreg:$0x3];
	[sflag:s15] =	ssyncadd.s32 @!p0 $0xFFFFD880  }
0x3b: {  	[tilespmem:s22], [sflag:$0x5] =	stream.linear.gather [hbm4b:s18+s3], $0x2000, $0x38;
	[tilespmem:$0x16F00] =	vst v63  }
0x3c: {  	_ =	swait.ge [sflag:s23], $0x2000  }
0x3d: {  	[sflag:s23] =	ssyncset.done $0x0  }
0x3e: {  	[sflag:s23] =	ssyncadd.s32 $0xFFFFE000  }
0x3f: {  	[spmem:s10] =	stream.linear.scatter [tilespmem:s22], [sflag:$0x5], $0x2000, $0x38;
	[tilespmem:$0x16F00] =	vst v63  }
0x40: {  	_ =	swait.ge [sflag:s23], $0x2000  }
0x41: {  	[sflag:s23] =	ssyncset.done $0x0  }
0x42: {  	[sflag:s23] =	ssyncadd.s32 $0xFFFFE000  }
0x43: {  	[spmem:s11] =	stream.linear.scatter [tilespmem:s22], [sflag:$0x5], $0x2000, $0x38;
	[tilespmem:$0x16F00] =	vst v63  }
0x44: {  	_ =	swait.ge [sflag:s23], $0x2000  }
0x45: {  	[sflag:s23] =	ssyncset.done $0x0  }
0x46: {  	[sflag:s23] =	ssyncadd.s32 $0xFFFFE000  }
0x47: {  	[spmem:s12] =	stream.linear.scatter [tilespmem:s22], [sflag:$0x5], $0x2000, $0x38;
	[tilespmem:$0x16F00] =	vst v63  }
0x48: {  	_ =	swait.ge [sflag:s23], $0x2000  }
0x49: {  	[sflag:s23] =	ssyncset.done $0x0  }
0x4a: {  	[sflag:s23] =	ssyncadd.s32 $0xFFFFE000  }
0x4b: {  	[spmem:s13] =	stream.linear.scatter [tilespmem:s22], [sflag:$0x5], $0x2000, $0x38;
	[tilespmem:$0x16F00] =	vst v63  }
0x4c: {  	_ =	swait.ge [sflag:s23], $0x2000  }
0x4d: {  	[sflag:s23] =	ssyncset.done $0x0  }
0x4e: {  	[sflag:s23] =	ssyncadd.s32 $0xFFFFE000  }
0x4f: {  	[spmem:s14] =	stream.linear.scatter [tilespmem:s22], [sflag:$0x5], $0x2000, $0x38;
	[tilespmem:$0x16F00] =	vst v63  }
0x50: {  	_ =	swait.ge [sflag:s23], $0x2000  }
0x51: {  	[sflag:s23] =	ssyncset.done $0x0  }
0x52: {  	[sflag:s23] =	ssyncadd.s32 $0xFFFFE000  }
0x53: {  	[bflag:$0x0] =	sbarrier.arrive $0xFFFF  }
0x54: {  	[tilespmem:s22], [sflag:$0x1] =	stream.indirect.gather [hbm4b:s5+s24], $0x40, s3, s24, $0xb8;
	[tilespmem:$0x16F00] =	vst v63  }
0x55: {  	s7 =	simm.s32 $0x0;
	s19 =	rddreg [dreg:$0x4]  }
0x56: {  	[tilespmem:s25], [sflag:$0x3] =	stream.linear.gather [hbm4b:s19+s3], $0x2000, $0x38;
	[tilespmem:$0x16F00] =	vst v63  }
.LBB2_2:
0x57: {  	s16 =	sshllo.u32 s7, $0x1  }
0x58: {  	s15 =	sshll.u32 s16, $0x7;
	s16 =	sadd.s32 s4, s16  }
0x59: {  	[tilespmem:s26], [sflag:$0x2] =	stream.indirect.gather [hbm4b:s5+s24], $0x40, s15, s24, $0xb8;
	[tilespmem:$0x16F00] =	vst v63  }
0x5a: {  	s16 =	sshll.u32 s16, $0xA  }
0x5b: {  	s16 =	sand.u32 $0x1FFFFC00, s16  }
0x5c: {  	s17 =	simm.s32 $0x0;
	s16 =	sadd.s32 s6, s16  }
0x5d: {  	[tilespmem:s28], [sflag:$0x4] =	stream.linear.gather [hbm4b:s16+s17], $0x2000, $0x38;
	[tilespmem:$0x16F00] =	vst v63  }
0x5e: {  	_ =	swait.ge [sflag:s29], $0x2000  }
0x5f: {  	[sflag:s29] =	ssyncset.done $0x0  }
0x60: {  	[sflag:s29] =	ssyncadd.s32 $0xFFFFE000  }
0x61: {  	_ =	swait.ge [sflag:s30], $0x2000  }
0x62: {  	[sflag:s30] =	ssyncset.done $0x0  }
0x63: {  	s16 =	simm.s32 $0x0;
	[sflag:s30] =	ssyncadd.s32 $0xFFFFE000  }
0x64: {  	v6 =	vld [tilespmem:s16+$0x8F00]  }
0x65: {  	v7 =	vld [tilespmem:s16+$0x8F10]  }
0x66: {  	v8 =	vld [tilespmem:s16+$0x8F20]  }
0x67: {  	v9 =	vld [tilespmem:s16+$0x8F30]  }
0x68: {  	v10 =	vld [tilespmem:s16+$0x8F40]  }
0x69: {  	v11 =	vld [tilespmem:s16+$0x8F50]  }
0x6a: {  	v12 =	vld [tilespmem:s16+$0x8F60]  }
0x6b: {  	v13 =	vld [tilespmem:s16+$0x8F70]  }
0x6c: {  	v14 =	vld [tilespmem:s16+$0x8F80]  }
0x6d: {  	v15 =	vld [tilespmem:s16+$0x8F90]  }
0x6e: {  	v5 =	vld [tilespmem:s16+$0x8FA0]  }
0x6f: {  	v4 =	vld [tilespmem:s16+$0x8FB0]  }
0x70: {  	v3 =	vld [tilespmem:s16+$0x8FC0]  }
0x71: {  	v16 =	vld [tilespmem:s16+$0x4F00]  }
0x72: {  	v17 =	vld [tilespmem:s16+$0x4F10]  }
0x73: {  	v2 =	vld [tilespmem:s16+$0x8FD0]  }
0x74: {  	v18 =	vld [tilespmem:s16+$0x4F20]  }
0x75: {  	v19 =	vld [tilespmem:s16+$0x4F30]  }
0x76: {  	v1 =	vld [tilespmem:s16+$0x8FE0];
	v6 =	vadd.f32 v6, v16  }
0x77: {  	v20 =	vld [tilespmem:s16+$0x4F40];
	v7 =	vadd.f32 v7, v17  }
0x78: {  	v60 =	vld [tilespmem:s16+$0x4F50];
	v6 =	vmax.f32 v6, $0.0e+00  }
0x79: {  	v0 =	vld [tilespmem:s16+$0x8FF0];
	v7 =	vmax.f32 v7, $0.0e+00;
	[tilespmem:s16+$0x4F00] =	vst v6;
	v6 =	vadd.f32 v8, v18  }
0x7a: {  	v21 =	vld [tilespmem:s16+$0x4F60];
	[tilespmem:s16+$0x4F10] =	vst v7;
	v7 =	vadd.f32 v9, v19  }
0x7b: {  	v61 =	vld [tilespmem:s16+$0x4F70];
	v6 =	vmax.f32 v6, $0.0e+00  }
0x7c: {  	v62 =	vld [tilespmem:s16+$0x4F80];
	v8 =	vmax.f32 v7, $0.0e+00;
	[tilespmem:s16+$0x4F20] =	vst v6;
	v6 =	vadd.f32 v10, v20  }
0x7d: {  	v63 =	vld [tilespmem:s16+$0x4F90];
	[tilespmem:s16+$0x4F30] =	vst v8;
	v8 =	vadd.f32 v11, v60  }
0x7e: {  	v7 =	vld [tilespmem:s16+$0x4FA0];
	v9 =	vmax.f32 v6, $0.0e+00  }
0x7f: {  	v6 =	vld [tilespmem:s16+$0x4FB0];
	v10 =	vmax.f32 v8, $0.0e+00;
	[tilespmem:s16+$0x4F40] =	vst v9;
	v9 =	vadd.f32 v12, v21  }
0x80: {  	v8 =	vld [tilespmem:s16+$0x4FC0];
	[tilespmem:s16+$0x4F50] =	vst v10;
	v10 =	vadd.f32 v13, v61  }
0x81: {  	v12 =	vadd.f32 v14, v62;
	v11 =	vmax.f32 v9, $0.0e+00;
	v9 =	vld [tilespmem:s16+$0x4FD0]  }
0x82: {  	s18 =	simm.s32 $0x400;
	s17 =	sshll.u32 s7, $0x1;
	v13 =	vmax.f32 v10, $0.0e+00;
	v10 =	vld [tilespmem:s16+$0x4FE0];
	[tilespmem:s16+$0x4F60] =	vst v11;
	v11 =	vadd.f32 v15, v63  }
.LBB2_3:
0x83: {  	s19 =	sshra.s32 s18, $0x2;
	p2 =	sne.s32 s18, $0x7C00;
	[tilespmem:s16+$0x4F70] =	vst v13;
	v12 =	vmax.f32 v12, $0.0e+00;
	v5 =	vadd.f32 v5, v7;
	v7 =	vld [tilespmem:s16+$0x4FF0]  }
0x84: {  	v13 =	vld [tilespmem:s19+$0x8F00];
	[tilespmem:s16+$0x4F80] =	vst v12;
	v11 =	vmax.f32 v11, $0.0e+00;
	v4 =	vadd.f32 v4, v6  }
0x85: {  	v6 =	vld [tilespmem:s19+$0x8F10];
	[tilespmem:s16+$0x4F90] =	vst v11;
	v5 =	vmax.f32 v5, $0.0e+00;
	v3 =	vadd.f32 v3, v8  }
0x86: {  	v8 =	vld [tilespmem:s19+$0x8F20];
	[tilespmem:s16+$0x4FA0] =	vst v5;
	v4 =	vmax.f32 v4, $0.0e+00;
	v2 =	vadd.f32 v2, v9  }
0x87: {  	v9 =	vld [tilespmem:s19+$0x8F30];
	[tilespmem:s16+$0x4FB0] =	vst v4;
	v3 =	vmax.f32 v3, $0.0e+00;
	v1 =	vadd.f32 v1, v10  }
0x88: {  	v10 =	vld [tilespmem:s19+$0x8F40];
	[tilespmem:s16+$0x4FC0] =	vst v3;
	v2 =	vmax.f32 v2, $0.0e+00;
	v0 =	vadd.f32 v0, v7  }
0x89: {  	v7 =	vld [tilespmem:s19+$0x8F50];
	[tilespmem:s16+$0x4FD0] =	vst v2;
	v1 =	vmax.f32 v1, $0.0e+00  }
0x8a: {  	v11 =	vld [tilespmem:s19+$0x8F60];
	[tilespmem:s16+$0x4FE0] =	vst v1;
	v0 =	vmax.f32 v0, $0.0e+00  }
0x8b: {  	v12 =	vld [tilespmem:s19+$0x8F70];
	[tilespmem:s16+$0x4FF0] =	vst v0;
	s16 =	smov.u32 s19  }
0x8c: {  	v14 =	vld [tilespmem:s16+$0x8F80]  }
0x8d: {  	v15 =	vld [tilespmem:s16+$0x8F90]  }
0x8e: {  	v5 =	vld [tilespmem:s16+$0x8FA0]  }
0x8f: {  	v4 =	vld [tilespmem:s16+$0x8FB0]  }
0x90: {  	v3 =	vld [tilespmem:s16+$0x8FC0]  }
0x91: {  	v2 =	vld [tilespmem:s16+$0x8FD0]  }
0x92: {  	v1 =	vld [tilespmem:s16+$0x8FE0]  }
0x93: {  	v0 =	vld [tilespmem:s16+$0x8FF0]  }
0x94: {  	v16 =	vld [tilespmem:s16+$0x4F00]  }
0x95: {  	v17 =	vld [tilespmem:s16+$0x4F10]  }
0x96: {  	v18 =	vld [tilespmem:s16+$0x4F20]  }
0x97: {  	v19 =	vld [tilespmem:s16+$0x4F30]  }
0x98: {  	v20 =	vld [tilespmem:s16+$0x4F40]  }
0x99: {  	v13 =	vadd.f32 v13, v16;
	v16 =	vld [tilespmem:s16+$0x4F50]  }
0x9a: {  	v6 =	vadd.f32 v6, v17;
	v17 =	vld [tilespmem:s16+$0x4F60]  }
0x9b: {  	v13 =	vmax.f32 v13, $0.0e+00;
	v8 =	vadd.f32 v8, v18;
	v18 =	vld [tilespmem:s16+$0x4F70]  }
0x9c: {  	[tilespmem:s16+$0x4F00] =	vst v13;
	v6 =	vmax.f32 v6, $0.0e+00;
	v9 =	vadd.f32 v9, v19;
	v13 =	vld [tilespmem:s16+$0x4F80]  }
0x9d: {  	[tilespmem:s16+$0x4F10] =	vst v6;
	v6 =	vmax.f32 v8, $0.0e+00;
	v8 =	vadd.f32 v10, v20;
	v10 =	vld [tilespmem:s16+$0x4F90]  }
.Ltmp0:
0x9e: {  	[tilespmem:s16+$0x4F20] =	vst v6;
	v6 =	vmax.f32 v9, $0.0e+00;
	v9 =	vadd.f32 v7, v16;
	v7 =	vld [tilespmem:s16+$0x4FA0];
	(pc) =	sbr.rel @p2 .LBB2_3-.Ltmp0, $4  }
0x9f: {  	[tilespmem:s16+$0x4F30] =	vst v6;
	v8 =	vmax.f32 v8, $0.0e+00;
	v11 =	vadd.f32 v11, v17;
	v6 =	vld [tilespmem:s16+$0x4FB0]  }
0xa0: {  	[tilespmem:s16+$0x4F40] =	vst v8;
	v9 =	vmax.f32 v9, $0.0e+00;
	v16 =	vadd.f32 v12, v18;
	v8 =	vld [tilespmem:s16+$0x4FC0]  }
0xa1: {  	[tilespmem:s16+$0x4F50] =	vst v9;
	v11 =	vmax.f32 v11, $0.0e+00;
	v12 =	vadd.f32 v14, v13;
	v9 =	vld [tilespmem:s16+$0x4FD0]  }
0xa2: {  	s18 =	sadd.s32 $0x400, s18;
	[tilespmem:s16+$0x4F60] =	vst v11;
	v13 =	vmax.f32 v16, $0.0e+00;
	v11 =	vadd.f32 v15, v10;
	v10 =	vld [tilespmem:s16+$0x4FE0]  }
0xa3: {  	[tilespmem:s16+$0x4F70] =	vst v13;
	v12 =	vmax.f32 v12, $0.0e+00;
	v5 =	vadd.f32 v5, v7;
	v7 =	vld [tilespmem:s16+$0x4FF0]  }
0xa4: {  	[tilespmem:s16+$0x4F80] =	vst v12;
	v11 =	vmax.f32 v11, $0.0e+00;
	v4 =	vadd.f32 v4, v6  }
0xa5: {  	[tilespmem:s16+$0x4F90] =	vst v11;
	v5 =	vmax.f32 v5, $0.0e+00;
	v3 =	vadd.f32 v3, v8  }
0xa6: {  	[tilespmem:s16+$0x4FA0] =	vst v5;
	v4 =	vmax.f32 v4, $0.0e+00;
	v2 =	vadd.f32 v2, v9  }
0xa7: {  	[tilespmem:s16+$0x4FB0] =	vst v4;
	v3 =	vmax.f32 v3, $0.0e+00;
	v1 =	vadd.f32 v1, v10  }
0xa8: {  	[tilespmem:s16+$0x4FC0] =	vst v3;
	v2 =	vmax.f32 v2, $0.0e+00;
	v0 =	vadd.f32 v0, v7  }
0xa9: {  	s18 =	sshll.u32 s7, $0x8;
	[tilespmem:s16+$0x4FD0] =	vst v2;
	v1 =	vmax.f32 v1, $0.0e+00  }
0xaa: {  	s18 =	sand.u32 $0x3FFFFF00, s18;
	[tilespmem:s16+$0x4FE0] =	vst v1;
	v0 =	vmax.f32 v0, $0.0e+00  }
0xab: {  	s18 =	sadd.s32 $0x2780, s18;
	[tilespmem:s16+$0x4FF0] =	vst v0  }
0xac: {  	[spmem:s2] =	stream.indirect.scatter.add.f32 [tilespmem:s22], [sflag:$0x5], $0x40, s18, s24, $0xb8;
	[tilespmem:$0x16F00] =	vst v63  }
0xad: {  	s16 =	sadd.s32 $0x2, s17;
	_ =	swait.ge [sflag:s23], $0x2000  }
0xae: {  	s17 =	sshll.u32 s16, $0x7;
	[sflag:s23] =	ssyncset.done $0x0  }
0xaf: {  	s17 =	sand.u32 $0x3FFFFF80, s17;
	[sflag:s23] =	ssyncadd.s32 $0xFFFFE000  }
0xb0: {  	[tilespmem:s22], [sflag:$0x1] =	stream.indirect.gather [hbm4b:s5+s24], $0x40, s17, s24, $0xb8;
	[tilespmem:$0x16F00] =	vst v63  }
0xb1: {  	s17 =	smin.u32 s16, $0x4D  }
0xb2: {  	s17 =	smov.u32 @p1 s16  }
0xb3: {  	s16 =	sadd.s32 s4, s17  }
0xb4: {  	s16 =	sshll.u32 s16, $0xA  }
0xb5: {  	s16 =	sand.u32 $0x1FFFFC00, s16  }
0xb6: {  	s19 =	simm.s32 $0x0;
	s16 =	sadd.s32 s6, s16  }
0xb7: {  	[tilespmem:s25], [sflag:$0x3] =	stream.linear.gather [hbm4b:s16+s19], $0x2000, $0x38;
	[tilespmem:$0x16F00] =	vst v63  }
0xb8: {  	_ =	swait.ge [sflag:s31], $0x2000  }
0xb9: {  	[sflag:s31] =	ssyncset.done $0x0  }
0xba: {  	[sflag:s31] =	ssyncadd.s32 $0xFFFFE000  }
0xbb: {  	_ =	swait.ge [sflag:s1], $0x2000  }
0xbc: {  	[sflag:s1] =	ssyncset.done $0x0  }
0xbd: {  	s16 =	simm.s32 $0x0;
	[sflag:s1] =	ssyncadd.s32 $0xFFFFE000  }
0xbe: {  	v6 =	vld [tilespmem:s16+$0xAF00]  }
0xbf: {  	v7 =	vld [tilespmem:s16+$0xAF10]  }
0xc0: {  	v8 =	vld [tilespmem:s16+$0xAF20]  }
0xc1: {  	v9 =	vld [tilespmem:s16+$0xAF30]  }
0xc2: {  	v10 =	vld [tilespmem:s16+$0xAF40]  }
0xc3: {  	v11 =	vld [tilespmem:s16+$0xAF50]  }
0xc4: {  	v12 =	vld [tilespmem:s16+$0xAF60]  }
0xc5: {  	v13 =	vld [tilespmem:s16+$0xAF70]  }
0xc6: {  	v14 =	vld [tilespmem:s16+$0xAF80]  }
0xc7: {  	v15 =	vld [tilespmem:s16+$0xAF90]  }
0xc8: {  	v5 =	vld [tilespmem:s16+$0xAFA0]  }
0xc9: {  	v4 =	vld [tilespmem:s16+$0xAFB0]  }
0xca: {  	v3 =	vld [tilespmem:s16+$0xAFC0]  }
0xcb: {  	v16 =	vld [tilespmem:s16+$0x6F00]  }
0xcc: {  	v17 =	vld [tilespmem:s16+$0x6F10]  }
0xcd: {  	v2 =	vld [tilespmem:s16+$0xAFD0]  }
0xce: {  	v18 =	vld [tilespmem:s16+$0x6F20]  }
0xcf: {  	v19 =	vld [tilespmem:s16+$0x6F30]  }
0xd0: {  	v1 =	vld [tilespmem:s16+$0xAFE0];
	v6 =	vadd.f32 v6, v16  }
0xd1: {  	v20 =	vld [tilespmem:s16+$0x6F40];
	v7 =	vadd.f32 v7, v17  }
0xd2: {  	v60 =	vld [tilespmem:s16+$0x6F50];
	v6 =	vmax.f32 v6, $0.0e+00  }
0xd3: {  	v0 =	vld [tilespmem:s16+$0xAFF0];
	v7 =	vmax.f32 v7, $0.0e+00;
	[tilespmem:s16+$0x6F00] =	vst v6;
	v6 =	vadd.f32 v8, v18  }
0xd4: {  	v21 =	vld [tilespmem:s16+$0x6F60];
	[tilespmem:s16+$0x6F10] =	vst v7;
	v7 =	vadd.f32 v9, v19  }
0xd5: {  	v61 =	vld [tilespmem:s16+$0x6F70];
	v6 =	vmax.f32 v6, $0.0e+00  }
0xd6: {  	v62 =	vld [tilespmem:s16+$0x6F80];
	v8 =	vmax.f32 v7, $0.0e+00;
	[tilespmem:s16+$0x6F20] =	vst v6;
	v6 =	vadd.f32 v10, v20  }
0xd7: {  	v63 =	vld [tilespmem:s16+$0x6F90];
	[tilespmem:s16+$0x6F30] =	vst v8;
	v8 =	vadd.f32 v11, v60  }
0xd8: {  	v7 =	vld [tilespmem:s16+$0x6FA0];
	v9 =	vmax.f32 v6, $0.0e+00  }
0xd9: {  	v6 =	vld [tilespmem:s16+$0x6FB0];
	v10 =	vmax.f32 v8, $0.0e+00;
	[tilespmem:s16+$0x6F40] =	vst v9;
	v9 =	vadd.f32 v12, v21  }
0xda: {  	v8 =	vld [tilespmem:s16+$0x6FC0];
	[tilespmem:s16+$0x6F50] =	vst v10;
	v10 =	vadd.f32 v13, v61  }
0xdb: {  	v12 =	vadd.f32 v14, v62;
	v11 =	vmax.f32 v9, $0.0e+00;
	v9 =	vld [tilespmem:s16+$0x6FD0]  }
0xdc: {  	s17 =	simm.s32 $0x400;
	v13 =	vmax.f32 v10, $0.0e+00;
	v10 =	vld [tilespmem:s16+$0x6FE0];
	[tilespmem:s16+$0x6F60] =	vst v11;
	v11 =	vadd.f32 v15, v63  }
.LBB2_5:
0xdd: {  	s18 =	sshra.s32 s17, $0x2;
	p2 =	sne.s32 s17, $0x7C00;
	[tilespmem:s16+$0x6F70] =	vst v13;
	v12 =	vmax.f32 v12, $0.0e+00;
	v5 =	vadd.f32 v5, v7;
	v7 =	vld [tilespmem:s16+$0x6FF0]  }
0xde: {  	v13 =	vld [tilespmem:s18+$0xAF00];
	[tilespmem:s16+$0x6F80] =	vst v12;
	v11 =	vmax.f32 v11, $0.0e+00;
	v4 =	vadd.f32 v4, v6  }
0xdf: {  	v6 =	vld [tilespmem:s18+$0xAF10];
	[tilespmem:s16+$0x6F90] =	vst v11;
	v5 =	vmax.f32 v5, $0.0e+00;
	v3 =	vadd.f32 v3, v8  }
0xe0: {  	v8 =	vld [tilespmem:s18+$0xAF20];
	[tilespmem:s16+$0x6FA0] =	vst v5;
	v4 =	vmax.f32 v4, $0.0e+00;
	v2 =	vadd.f32 v2, v9  }
0xe1: {  	v9 =	vld [tilespmem:s18+$0xAF30];
	[tilespmem:s16+$0x6FB0] =	vst v4;
	v3 =	vmax.f32 v3, $0.0e+00;
	v1 =	vadd.f32 v1, v10  }
0xe2: {  	v10 =	vld [tilespmem:s18+$0xAF40];
	[tilespmem:s16+$0x6FC0] =	vst v3;
	v2 =	vmax.f32 v2, $0.0e+00;
	v0 =	vadd.f32 v0, v7  }
0xe3: {  	v7 =	vld [tilespmem:s18+$0xAF50];
	[tilespmem:s16+$0x6FD0] =	vst v2;
	v1 =	vmax.f32 v1, $0.0e+00  }
0xe4: {  	v11 =	vld [tilespmem:s18+$0xAF60];
	[tilespmem:s16+$0x6FE0] =	vst v1;
	v0 =	vmax.f32 v0, $0.0e+00  }
0xe5: {  	v12 =	vld [tilespmem:s18+$0xAF70];
	[tilespmem:s16+$0x6FF0] =	vst v0;
	s16 =	smov.u32 s18  }
0xe6: {  	v14 =	vld [tilespmem:s16+$0xAF80]  }
0xe7: {  	v15 =	vld [tilespmem:s16+$0xAF90]  }
0xe8: {  	v5 =	vld [tilespmem:s16+$0xAFA0]  }
0xe9: {  	v4 =	vld [tilespmem:s16+$0xAFB0]  }
0xea: {  	v3 =	vld [tilespmem:s16+$0xAFC0]  }
0xeb: {  	v2 =	vld [tilespmem:s16+$0xAFD0]  }
0xec: {  	v1 =	vld [tilespmem:s16+$0xAFE0]  }
0xed: {  	v0 =	vld [tilespmem:s16+$0xAFF0]  }
0xee: {  	v16 =	vld [tilespmem:s16+$0x6F00]  }
0xef: {  	v17 =	vld [tilespmem:s16+$0x6F10]  }
0xf0: {  	v18 =	vld [tilespmem:s16+$0x6F20]  }
0xf1: {  	v19 =	vld [tilespmem:s16+$0x6F30]  }
0xf2: {  	v20 =	vld [tilespmem:s16+$0x6F40]  }
0xf3: {  	v13 =	vadd.f32 v13, v16;
	v16 =	vld [tilespmem:s16+$0x6F50]  }
0xf4: {  	v6 =	vadd.f32 v6, v17;
	v17 =	vld [tilespmem:s16+$0x6F60]  }
0xf5: {  	v13 =	vmax.f32 v13, $0.0e+00;
	v8 =	vadd.f32 v8, v18;
	v18 =	vld [tilespmem:s16+$0x6F70]  }
0xf6: {  	[tilespmem:s16+$0x6F00] =	vst v13;
	v6 =	vmax.f32 v6, $0.0e+00;
	v9 =	vadd.f32 v9, v19;
	v13 =	vld [tilespmem:s16+$0x6F80]  }
0xf7: {  	[tilespmem:s16+$0x6F10] =	vst v6;
	v6 =	vmax.f32 v8, $0.0e+00;
	v8 =	vadd.f32 v10, v20;
	v10 =	vld [tilespmem:s16+$0x6F90]  }
.Ltmp1:
0xf8: {  	[tilespmem:s16+$0x6F20] =	vst v6;
	v6 =	vmax.f32 v9, $0.0e+00;
	v9 =	vadd.f32 v7, v16;
	v7 =	vld [tilespmem:s16+$0x6FA0];
	(pc) =	sbr.rel @p2 .LBB2_5-.Ltmp1, $4  }
0xf9: {  	[tilespmem:s16+$0x6F30] =	vst v6;
	v8 =	vmax.f32 v8, $0.0e+00;
	v11 =	vadd.f32 v11, v17;
	v6 =	vld [tilespmem:s16+$0x6FB0]  }
0xfa: {  	[tilespmem:s16+$0x6F40] =	vst v8;
	v9 =	vmax.f32 v9, $0.0e+00;
	v16 =	vadd.f32 v12, v18;
	v8 =	vld [tilespmem:s16+$0x6FC0]  }
0xfb: {  	[tilespmem:s16+$0x6F50] =	vst v9;
	v11 =	vmax.f32 v11, $0.0e+00;
	v12 =	vadd.f32 v14, v13;
	v9 =	vld [tilespmem:s16+$0x6FD0]  }
0xfc: {  	s17 =	sadd.s32 $0x400, s17;
	[tilespmem:s16+$0x6F60] =	vst v11;
	v13 =	vmax.f32 v16, $0.0e+00;
	v11 =	vadd.f32 v15, v10;
	v10 =	vld [tilespmem:s16+$0x6FE0]  }
0xfd: {  	[tilespmem:s16+$0x6F70] =	vst v13;
	v12 =	vmax.f32 v12, $0.0e+00;
	v5 =	vadd.f32 v5, v7;
	v63 =	vld [tilespmem:s16+$0x6FF0]  }
0xfe: {  	[tilespmem:s16+$0x6F80] =	vst v12;
	v11 =	vmax.f32 v11, $0.0e+00;
	v4 =	vadd.f32 v4, v6  }
0xff: {  	[tilespmem:s16+$0x6F90] =	vst v11;
	v5 =	vmax.f32 v5, $0.0e+00;
	v3 =	vadd.f32 v3, v8  }
0x100: {  	[tilespmem:s16+$0x6FA0] =	vst v5;
	v4 =	vmax.f32 v4, $0.0e+00;
	v2 =	vadd.f32 v2, v9  }
0x101: {  	[tilespmem:s16+$0x6FB0] =	vst v4;
	v3 =	vmax.f32 v3, $0.0e+00;
	v1 =	vadd.f32 v1, v10  }
0x102: {  	[tilespmem:s16+$0x6FC0] =	vst v3;
	v2 =	vmax.f32 v2, $0.0e+00;
	v0 =	vadd.f32 v0, v63  }
0x103: {  	s7 =	sadd.s32 $0x1, s7;
	[tilespmem:s16+$0x6FD0] =	vst v2;
	v1 =	vmax.f32 v1, $0.0e+00  }
0x104: {  	p2 =	sne.s32 s7, $0x27;
	[tilespmem:s16+$0x6FE0] =	vst v1;
	v0 =	vmax.f32 v0, $0.0e+00  }
.Ltmp2:
0x105: {  	s15 =	sadd.s32 $0x2780, s15;
	[tilespmem:s16+$0x6FF0] =	vst v0;
	(pc) =	sbr.rel @p2 .LBB2_2-.Ltmp2, $4  }
0x106: {  	[spmem:s2] =	stream.indirect.scatter.add.f32 [tilespmem:s26], [sflag:$0x5], $0x40, s15, s24, $0xb8;
	[tilespmem:$0x16F00] =	vst v63  }
0x107: {  	_ =	swait.ge [sflag:s23], $0x2000  }
0x108: {  	[sflag:s23] =	ssyncset.done $0x0  }
0x109: {  	[sflag:s23] =	ssyncadd.s32 $0xFFFFE000  }
0x10a: {  	_ =	swait.ge [sflag:s29], $0x2000  }
0x10b: {  	[sflag:s29] =	ssyncset.done $0x0  }
0x10c: {  	[sflag:s29] =	ssyncadd.s32 $0xFFFFE000  }
0x10d: {  	_ =	swait.ge [sflag:s30], $0x2000  }
0x10e: {  	[sflag:s30] =	ssyncset.done $0x0  }
0x10f: {  	s7 =	simm.s32 $0x0;
	[sflag:s30] =	ssyncadd.s32 $0xFFFFE000  }
0x110: {  	v6 =	vld [tilespmem:s7+$0x8F00]  }
0x111: {  	v7 =	vld [tilespmem:s7+$0x8F10]  }
0x112: {  	v8 =	vld [tilespmem:s7+$0x8F20]  }
0x113: {  	v9 =	vld [tilespmem:s7+$0x8F30]  }
0x114: {  	v10 =	vld [tilespmem:s7+$0x8F40]  }
0x115: {  	v11 =	vld [tilespmem:s7+$0x8F50]  }
0x116: {  	v12 =	vld [tilespmem:s7+$0x8F60]  }
0x117: {  	v13 =	vld [tilespmem:s7+$0x8F70]  }
0x118: {  	v14 =	vld [tilespmem:s7+$0x8F80]  }
0x119: {  	v15 =	vld [tilespmem:s7+$0x8F90]  }
0x11a: {  	v5 =	vld [tilespmem:s7+$0x8FA0]  }
0x11b: {  	v4 =	vld [tilespmem:s7+$0x8FB0]  }
0x11c: {  	v3 =	vld [tilespmem:s7+$0x8FC0]  }
0x11d: {  	v16 =	vld [tilespmem:s7+$0x4F00]  }
0x11e: {  	v17 =	vld [tilespmem:s7+$0x4F10]  }
0x11f: {  	v2 =	vld [tilespmem:s7+$0x8FD0]  }
0x120: {  	v18 =	vld [tilespmem:s7+$0x4F20]  }
0x121: {  	v19 =	vld [tilespmem:s7+$0x4F30]  }
0x122: {  	v1 =	vld [tilespmem:s7+$0x8FE0];
	v6 =	vadd.f32 v6, v16  }
0x123: {  	v20 =	vld [tilespmem:s7+$0x4F40];
	v7 =	vadd.f32 v7, v17  }
0x124: {  	v60 =	vld [tilespmem:s7+$0x4F50];
	v6 =	vmax.f32 v6, $0.0e+00  }
0x125: {  	v0 =	vld [tilespmem:s7+$0x8FF0];
	v7 =	vmax.f32 v7, $0.0e+00;
	[tilespmem:s7+$0x4F00] =	vst v6;
	v6 =	vadd.f32 v8, v18  }
0x126: {  	v21 =	vld [tilespmem:s7+$0x4F60];
	[tilespmem:s7+$0x4F10] =	vst v7;
	v7 =	vadd.f32 v9, v19  }
0x127: {  	v61 =	vld [tilespmem:s7+$0x4F70];
	v6 =	vmax.f32 v6, $0.0e+00  }
0x128: {  	v62 =	vld [tilespmem:s7+$0x4F80];
	v8 =	vmax.f32 v7, $0.0e+00;
	[tilespmem:s7+$0x4F20] =	vst v6;
	v6 =	vadd.f32 v10, v20  }
0x129: {  	v63 =	vld [tilespmem:s7+$0x4F90];
	[tilespmem:s7+$0x4F30] =	vst v8;
	v8 =	vadd.f32 v11, v60  }
0x12a: {  	v7 =	vld [tilespmem:s7+$0x4FA0];
	v9 =	vmax.f32 v6, $0.0e+00  }
0x12b: {  	v6 =	vld [tilespmem:s7+$0x4FB0];
	v10 =	vmax.f32 v8, $0.0e+00;
	[tilespmem:s7+$0x4F40] =	vst v9;
	v9 =	vadd.f32 v12, v21  }
0x12c: {  	v8 =	vld [tilespmem:s7+$0x4FC0];
	[tilespmem:s7+$0x4F50] =	vst v10;
	v10 =	vadd.f32 v13, v61  }
0x12d: {  	v12 =	vadd.f32 v14, v62;
	v11 =	vmax.f32 v9, $0.0e+00;
	v9 =	vld [tilespmem:s7+$0x4FD0]  }
0x12e: {  	s15 =	simm.s32 $0x400;
	v13 =	vmax.f32 v10, $0.0e+00;
	v10 =	vld [tilespmem:s7+$0x4FE0];
	[tilespmem:s7+$0x4F60] =	vst v11;
	v11 =	vadd.f32 v15, v63  }
.LBB2_8:
0x12f: {  	s16 =	sshra.s32 s15, $0x2;
	p2 =	sne.s32 s15, $0x7C00;
	[tilespmem:s7+$0x4F70] =	vst v13;
	v12 =	vmax.f32 v12, $0.0e+00;
	v5 =	vadd.f32 v5, v7;
	v7 =	vld [tilespmem:s7+$0x4FF0]  }
0x130: {  	v13 =	vld [tilespmem:s16+$0x8F00];
	[tilespmem:s7+$0x4F80] =	vst v12;
	v11 =	vmax.f32 v11, $0.0e+00;
	v4 =	vadd.f32 v4, v6  }
0x131: {  	v6 =	vld [tilespmem:s16+$0x8F10];
	[tilespmem:s7+$0x4F90] =	vst v11;
	v5 =	vmax.f32 v5, $0.0e+00;
	v3 =	vadd.f32 v3, v8  }
0x132: {  	v8 =	vld [tilespmem:s16+$0x8F20];
	[tilespmem:s7+$0x4FA0] =	vst v5;
	v4 =	vmax.f32 v4, $0.0e+00;
	v2 =	vadd.f32 v2, v9  }
0x133: {  	v9 =	vld [tilespmem:s16+$0x8F30];
	[tilespmem:s7+$0x4FB0] =	vst v4;
	v3 =	vmax.f32 v3, $0.0e+00;
	v1 =	vadd.f32 v1, v10  }
0x134: {  	v10 =	vld [tilespmem:s16+$0x8F40];
	[tilespmem:s7+$0x4FC0] =	vst v3;
	v2 =	vmax.f32 v2, $0.0e+00;
	v0 =	vadd.f32 v0, v7  }
0x135: {  	v7 =	vld [tilespmem:s16+$0x8F50];
	[tilespmem:s7+$0x4FD0] =	vst v2;
	v1 =	vmax.f32 v1, $0.0e+00  }
0x136: {  	v11 =	vld [tilespmem:s16+$0x8F60];
	[tilespmem:s7+$0x4FE0] =	vst v1;
	v0 =	vmax.f32 v0, $0.0e+00  }
0x137: {  	v12 =	vld [tilespmem:s16+$0x8F70];
	[tilespmem:s7+$0x4FF0] =	vst v0;
	s7 =	smov.u32 s16  }
0x138: {  	v14 =	vld [tilespmem:s7+$0x8F80]  }
0x139: {  	v15 =	vld [tilespmem:s7+$0x8F90]  }
0x13a: {  	v5 =	vld [tilespmem:s7+$0x8FA0]  }
0x13b: {  	v4 =	vld [tilespmem:s7+$0x8FB0]  }
0x13c: {  	v3 =	vld [tilespmem:s7+$0x8FC0]  }
0x13d: {  	v2 =	vld [tilespmem:s7+$0x8FD0]  }
0x13e: {  	v1 =	vld [tilespmem:s7+$0x8FE0]  }
0x13f: {  	v0 =	vld [tilespmem:s7+$0x8FF0]  }
0x140: {  	v16 =	vld [tilespmem:s7+$0x4F00]  }
0x141: {  	v17 =	vld [tilespmem:s7+$0x4F10]  }
0x142: {  	v18 =	vld [tilespmem:s7+$0x4F20]  }
0x143: {  	v19 =	vld [tilespmem:s7+$0x4F30]  }
0x144: {  	v20 =	vld [tilespmem:s7+$0x4F40]  }
0x145: {  	v13 =	vadd.f32 v13, v16;
	v16 =	vld [tilespmem:s7+$0x4F50]  }
0x146: {  	v6 =	vadd.f32 v6, v17;
	v17 =	vld [tilespmem:s7+$0x4F60]  }
0x147: {  	v13 =	vmax.f32 v13, $0.0e+00;
	v8 =	vadd.f32 v8, v18;
	v18 =	vld [tilespmem:s7+$0x4F70]  }
0x148: {  	[tilespmem:s7+$0x4F00] =	vst v13;
	v6 =	vmax.f32 v6, $0.0e+00;
	v9 =	vadd.f32 v9, v19;
	v13 =	vld [tilespmem:s7+$0x4F80]  }
0x149: {  	[tilespmem:s7+$0x4F10] =	vst v6;
	v6 =	vmax.f32 v8, $0.0e+00;
	v8 =	vadd.f32 v10, v20;
	v10 =	vld [tilespmem:s7+$0x4F90]  }
.Ltmp3:
0x14a: {  	[tilespmem:s7+$0x4F20] =	vst v6;
	v6 =	vmax.f32 v9, $0.0e+00;
	v9 =	vadd.f32 v7, v16;
	v7 =	vld [tilespmem:s7+$0x4FA0];
	(pc) =	sbr.rel @p2 .LBB2_8-.Ltmp3, $4  }
0x14b: {  	[tilespmem:s7+$0x4F30] =	vst v6;
	v8 =	vmax.f32 v8, $0.0e+00;
	v11 =	vadd.f32 v11, v17;
	v6 =	vld [tilespmem:s7+$0x4FB0]  }
0x14c: {  	[tilespmem:s7+$0x4F40] =	vst v8;
	v9 =	vmax.f32 v9, $0.0e+00;
	v16 =	vadd.f32 v12, v18;
	v8 =	vld [tilespmem:s7+$0x4FC0]  }
0x14d: {  	[tilespmem:s7+$0x4F50] =	vst v9;
	v11 =	vmax.f32 v11, $0.0e+00;
	v12 =	vadd.f32 v14, v13;
	v9 =	vld [tilespmem:s7+$0x4FD0]  }
0x14e: {  	s15 =	sadd.s32 $0x400, s15;
	[tilespmem:s7+$0x4F60] =	vst v11;
	v13 =	vmax.f32 v16, $0.0e+00;
	v11 =	vadd.f32 v15, v10;
	v10 =	vld [tilespmem:s7+$0x4FE0]  }
0x14f: {  	[tilespmem:s7+$0x4F70] =	vst v13;
	v12 =	vmax.f32 v12, $0.0e+00;
	v5 =	vadd.f32 v5, v7;
	v63 =	vld [tilespmem:s7+$0x4FF0]  }
0x150: {  	[tilespmem:s7+$0x4F80] =	vst v12;
	v11 =	vmax.f32 v11, $0.0e+00;
	v4 =	vadd.f32 v4, v6  }
0x151: {  	[tilespmem:s7+$0x4F90] =	vst v11;
	v5 =	vmax.f32 v5, $0.0e+00;
	v3 =	vadd.f32 v3, v8  }
0x152: {  	[tilespmem:s7+$0x4FA0] =	vst v5;
	v4 =	vmax.f32 v4, $0.0e+00;
	v2 =	vadd.f32 v2, v9  }
0x153: {  	[tilespmem:s7+$0x4FB0] =	vst v4;
	v3 =	vmax.f32 v3, $0.0e+00;
	v1 =	vadd.f32 v1, v10  }
0x154: {  	[tilespmem:s7+$0x4FC0] =	vst v3;
	v2 =	vmax.f32 v2, $0.0e+00;
	v0 =	vadd.f32 v0, v63  }
0x155: {  	[tilespmem:s7+$0x4FD0] =	vst v2;
	v1 =	vmax.f32 v1, $0.0e+00  }
0x156: {  	[tilespmem:s7+$0x4FE0] =	vst v1;
	v0 =	vmax.f32 v0, $0.0e+00  }
0x157: {  	s15 =	simm.s32 $0x4E80;
	[tilespmem:s7+$0x4FF0] =	vst v0  }
0x158: {  	[spmem:s2] =	stream.indirect.scatter.add.f32 [tilespmem:s22], [sflag:$0x5], $0x40, s15, s24, $0xb8;
	[tilespmem:$0x16F00] =	vst v63  }
0x159: {  	_ =	swait.ge [sflag:s23], $0x2000  }
0x15a: {  	[sflag:s23] =	ssyncset.done $0x0  }
0x15b: {  	[sflag:s23] =	ssyncadd.s32 $0xFFFFE000  }
0x15c: {  	[bflag:$0x0] =	sbarrier.arrive $0xFFFF  }
0x15d: {  	[tilespmem:s22], [sflag:$0x5] =	stream.linear.gather [spmem:s10], $0x2000, $0x38;
	[tilespmem:$0x16F00] =	vst v63  }
0x15e: {  	_ =	swait.ge [sflag:s23], $0x2000  }
0x15f: {  	[sflag:s23] =	ssyncset.done $0x0  }
0x160: {  	s16 =	rddreg [dreg:$0x5];
	[sflag:s23] =	ssyncadd.s32 $0xFFFFE000  }
0x161: {  	[hbm4b:s16+s3] =	stream.linear.scatter [tilespmem:s22], [sflag:$0x5], $0x2000, $0x38;
	[tilespmem:$0x16F00] =	vst v63  }
0x162: {  	_ =	swait.ge [sflag:s23], $0x2000  }
0x163: {  	[sflag:s23] =	ssyncset.done $0x0  }
0x164: {  	[sflag:s23] =	ssyncadd.s32 $0xFFFFE000  }
0x165: {  	[tilespmem:s22], [sflag:$0x5] =	stream.linear.gather [spmem:s11], $0x2000, $0x38;
	[tilespmem:$0x16F00] =	vst v63  }
0x166: {  	_ =	swait.ge [sflag:s23], $0x2000  }
0x167: {  	[sflag:s23] =	ssyncset.done $0x0  }
0x168: {  	s17 =	rddreg [dreg:$0x6];
	[sflag:s23] =	ssyncadd.s32 $0xFFFFE000  }
0x169: {  	[hbm4b:s17+s3] =	stream.linear.scatter [tilespmem:s22], [sflag:$0x5], $0x2000, $0x38;
	[tilespmem:$0x16F00] =	vst v63  }
0x16a: {  	_ =	swait.ge [sflag:s23], $0x2000  }
0x16b: {  	[sflag:s23] =	ssyncset.done $0x0  }
0x16c: {  	[sflag:s23] =	ssyncadd.s32 $0xFFFFE000  }
0x16d: {  	[tilespmem:s22], [sflag:$0x5] =	stream.linear.gather [spmem:s12], $0x2000, $0x38;
	[tilespmem:$0x16F00] =	vst v63  }
0x16e: {  	_ =	swait.ge [sflag:s23], $0x2000  }
0x16f: {  	[sflag:s23] =	ssyncset.done $0x0  }
0x170: {  	s18 =	rddreg [dreg:$0x7];
	[sflag:s23] =	ssyncadd.s32 $0xFFFFE000  }
0x171: {  	[hbm4b:s18+s3] =	stream.linear.scatter [tilespmem:s22], [sflag:$0x5], $0x2000, $0x38;
	[tilespmem:$0x16F00] =	vst v63  }
0x172: {  	_ =	swait.ge [sflag:s23], $0x2000  }
0x173: {  	[sflag:s23] =	ssyncset.done $0x0  }
0x174: {  	[sflag:s23] =	ssyncadd.s32 $0xFFFFE000  }
0x175: {  	[tilespmem:s22], [sflag:$0x5] =	stream.linear.gather [spmem:s13], $0x2000, $0x38;
	[tilespmem:$0x16F00] =	vst v63  }
0x176: {  	_ =	swait.ge [sflag:s23], $0x2000  }
0x177: {  	[sflag:s23] =	ssyncset.done $0x0  }
0x178: {  	s19 =	rddreg [dreg:$0x8];
	[sflag:s23] =	ssyncadd.s32 $0xFFFFE000  }
0x179: {  	[hbm4b:s19+s3] =	stream.linear.scatter [tilespmem:s22], [sflag:$0x5], $0x2000, $0x38;
	[tilespmem:$0x16F00] =	vst v63  }
0x17a: {  	_ =	swait.ge [sflag:s23], $0x2000  }
0x17b: {  	[sflag:s23] =	ssyncset.done $0x0  }
0x17c: {  	[sflag:s23] =	ssyncadd.s32 $0xFFFFE000  }
0x17d: {  	[tilespmem:s22], [sflag:$0x5] =	stream.linear.gather [spmem:s14], $0x2000, $0x38;
	[tilespmem:$0x16F00] =	vst v63  }
0x17e: {  	s0 =	sadd.s32 $0x1, s0;
	_ =	swait.ge [sflag:s23], $0x2000  }
0x17f: {  	p2 =	sne.s32 s0, s21;
	[sflag:s23] =	ssyncset.done $0x0  }
.Ltmp4:
0x180: {  	[sflag:s23] =	ssyncadd.s32 $0xFFFFE000;
	(pc) =	sbr.rel @p2 .LBB2_1-.Ltmp4, $4  }
0x181: {  	[hbm4b:s20+s3] =	stream.linear.scatter [tilespmem:s22], [sflag:$0x5], $0x2000, $0x38;
	[tilespmem:$0x16F00] =	vst v63  }
0x182: {  	_ =	swait.ge [sflag:s23], $0x2000  }
0x183: {  	[sflag:s23] =	ssyncset.done $0x0  }
0x184: {  	[sflag:s23] =	ssyncadd.s32 $0xFFFFE000  }
0x185: {  	_ =	sfence.sel $0x180000  }
0x186: {  	[bflag:$0x0] =	sbarrier.arrive $0xFFFF  }
0x187: {  	_ =	strace $0x90000047  }
0x188: {  	s0 =	stileid.u32;
	[bflag:$0x2] =	sbarrier.arrive $0xFFFF  }
0x189: {  	p0 =	sne.s32 s0, $0x0;
	s0 =	rddreg [dreg:$0x2]  }
0x18a: {  	s0 =	sadd.s32 @!p0 $0x100000, s0  }
0x18b: {  	[sflag:s0] =	ssyncadd.tile.s32 @!p0 $0x1;
	_ =	shalt  }
.Lfunc_end2:
_tile_overlayer_lowered:
.L_overlay_start_2:
0x18c: {  	(tag) =	ssettag $0x2  }
0x18d: {  	s0 =	rddreg [dreg:$0x0];
	s2 =	stileid.u32  }
0x18e: {  	s1 =	rddreg [dreg:$0x1];
	p0 =	sne.s32 s2, $0x0  }
0x18f: {  	s3 =	rddreg [dreg:$0x2];
	[bflag:$0x3] =	sbarrier.arrive $0xFFFF;
	s2 =	simm.s32 @!p0 $0x1C05  }
0x190: {  	[timem:s3], [sflag:s2] =	dma.local @!p0 [hbm:s0], s1  }
0x191: {  	s0 =	simm.s32 @!p0 $0x5  }
0x192: {  	_ =	swait.ge @!p0 [sflag:s0], s1  }
0x193: {  	s1 =	ssub.s32 @!p0 $0x0, s1;
	[sflag:s0] =	ssyncset.done @!p0 $0x0  }
0x194: {  	[sflag:s0] =	ssyncadd.s32 @!p0 s1  }
0x195: {  	[bflag:$0x3] =	sbarrier.arrive $0xFFFF  }
0x196: {  	_ =	shalt  }

</sc_bundles>
